<compile_context>
chip_gen: v7x
topology: tpu7x:2x2x1
jax: 0.10.2.dev20260603
libtpu: 0.0.44.dev20260713+nightly
codegen_flags: <defaults>
</compile_context>

<pallas_src>
import functools

import jax
import jax.numpy as jnp
from jax import lax
from jax.experimental import pallas as pl
from jax.experimental.pallas import tpu as pltpu
from jax.experimental.pallas import tpu_sc as plsc

_TOTAL = 8192
_DIM = 64
_NW = 32
_B = _TOTAL // _NW
_L = 16


def _rsqrt(x):
    xi = plsc.bitcast(x, jnp.int32)
    yi = jnp.int32(0x5F3759DF) - (xi >> 1)
    y = plsc.bitcast(yi, jnp.float32)
    for _ in range(3):
        y = y * (1.5 - 0.5 * x * y * y)
    return y


@jax.jit
def _scores(h, r, t, ent2, rel_emb):
    @functools.partial(
        pl.kernel,
        mesh=plsc.VectorSubcoreMesh(core_axis_name="c", subcore_axis_name="s"),
        out_type=jax.ShapeDtypeStruct((_TOTAL,), jnp.float32),
        compiler_params=pltpu.CompilerParams(needs_layout_passes=False),
        scratch_types=[
            pltpu.VMEM((_B,), jnp.int32),
            pltpu.VMEM((_B,), jnp.int32),
            pltpu.VMEM((_B,), jnp.int32),
            pltpu.VMEM((_B,), jnp.int32),
            pltpu.VMEM((_B,), jnp.int32),
            pltpu.VMEM((_B,), jnp.int32),
            pltpu.VMEM((_B, 2 * _DIM), jnp.float32),
            pltpu.VMEM((_B, 2 * _DIM), jnp.float32),
            pltpu.VMEM((_B, 2 * _DIM), jnp.float32),
            pltpu.VMEM((_B,), jnp.float32),
            pltpu.SemaphoreType.DMA,
        ],
    )
    def k(h_hbm, r_hbm, t_hbm, ent_hbm, rel_hbm, out_hbm,
          hi, ri, ti, hi2, ri2, ti2, hrow, trow, rrow, sc, sem):
        wid = lax.axis_index("s") * 2 + lax.axis_index("c")
        base = wid * _B
        pltpu.sync_copy(h_hbm.at[pl.ds(base, _B)], hi)
        pltpu.sync_copy(r_hbm.at[pl.ds(base, _B)], ri)
        pltpu.sync_copy(t_hbm.at[pl.ds(base, _B)], ti)

        @pl.loop(0, _B // _L)
        def _shift(g):
            b = g * _L
            hi2[pl.ds(b, _L)] = hi[pl.ds(b, _L)] >> 1
            ri2[pl.ds(b, _L)] = ri[pl.ds(b, _L)] >> 1
            ti2[pl.ds(b, _L)] = ti[pl.ds(b, _L)] >> 1

        cph = pltpu.async_copy(ent_hbm.at[hi2], hrow, sem)
        cpr = pltpu.async_copy(rel_hbm.at[ri2], rrow, sem)
        cpt = pltpu.async_copy(ent_hbm.at[ti2], trow, sem)
        cph.wait()
        cpr.wait()
        cpt.wait()

        lanes = lax.iota(jnp.int32, _L)
        zero = jnp.zeros((_L,), jnp.float32)

        @pl.loop(0, _B // _L)
        def _grp(g):
            b = g * _L
            rows = b + lanes
            hoff = (hi[pl.ds(b, _L)] & 1) * _DIM
            roff = (ri[pl.ds(b, _L)] & 1) * _DIM
            toff = (ti[pl.ds(b, _L)] & 1) * _DIM
            vhh = vrr = vtt = vhr = vht = vrt = zero
            for c in range(_DIM):
                hc = plsc.load_gather(hrow, [rows, hoff + c])
                rc = plsc.load_gather(rrow, [rows, roff + c])
                tc = plsc.load_gather(trow, [rows, toff + c])
                vhh = vhh + hc * hc
                vrr = vrr + rc * rc
                vtt = vtt + tc * tc
                vhr = vhr + hc * rc
                vht = vht + hc * tc
                vrt = vrt + rc * tc
            s2 = 3.0 + 2.0 * (vhr * _rsqrt(vhh * vrr)
                              - vht * _rsqrt(vhh * vtt)
                              - vrt * _rsqrt(vrr * vtt))
            s2 = jnp.maximum(s2, 0.0)
            sc[pl.ds(b, _L)] = s2 * _rsqrt(jnp.maximum(s2, 1e-20))

        pltpu.sync_copy(sc, out_hbm.at[pl.ds(base, _B)])

    return k(h, r, t, ent2, rel_emb)


def kernel(h, r, t, ent_emb, rel_emb):
    h = h.astype(jnp.int32)
    r = r.astype(jnp.int32)
    t = t.astype(jnp.int32)
    ent2 = ent_emb.reshape(ent_emb.shape[0] // 2, 2 * _DIM)
    rel2 = rel_emb.reshape(rel_emb.shape[0] // 2, 2 * _DIM)
    score = _scores(h, r, t, ent2, rel2)
    bs = _TOTAL // 2
    p_score = score[:bs].reshape(1, bs).transpose(1, 0)
    n_score = score[bs:].reshape(1, bs).transpose(1, 0)
    return (p_score, n_score)

# --- scband reference (transcript-rebuilt; emitter-appended) ---
"""Pipeline reference for scband-trans-e-5712306504484 (READ-ONLY COPY).

The authoritative reference and input builder live on the scoring server;
editing this copy changes nothing except your own understanding.
"""

import jax, jax.numpy as jnp
import numpy as np

ENT_TOT = 1000000
REL_TOT = 1000
DIM = 64
BATCH_SIZE = 4096
TOTAL = 8192  # batch_size positives + batch_size negatives


def _xavier_uniform(key, shape):
    fan_in, fan_out = shape[0], shape[1]
    limit = float(np.sqrt(6.0 / (fan_in + fan_out)))
    return jax.random.uniform(key, shape, minval=-limit, maxval=limit, dtype=jnp.float32)


def _l2_normalize(x, eps=1e-12):
    # matches torch.nn.functional.normalize(x, p=2, dim=-1)
    n = jnp.linalg.norm(x, ord=2, axis=-1, keepdims=True)
    return x / jnp.maximum(n, eps)


def setup_inputs(seed: int = 0) -> dict:
    key = jax.random.key(seed)
    k1, k2, k3, k4, k5 = jax.random.split(key, 5)
    h = jax.random.randint(k1, (TOTAL,), 0, ENT_TOT)
    r = jax.random.randint(k2, (TOTAL,), 0, REL_TOT)
    t = jax.random.randint(k3, (TOTAL,), 0, ENT_TOT)
    ent_emb = _xavier_uniform(k4, (ENT_TOT, DIM))
    rel_emb = _xavier_uniform(k5, (REL_TOT, DIM))
    return {"h": h, "r": r, "t": t, "ent_emb": ent_emb, "rel_emb": rel_emb}


def reference(h, r, t, ent_emb, rel_emb):
    hv = jnp.take(ent_emb, h, axis=0)
    tv = jnp.take(ent_emb, t, axis=0)
    rv = jnp.take(rel_emb, r, axis=0)
    hv = _l2_normalize(hv)
    rv = _l2_normalize(rv)
    tv = _l2_normalize(tv)
    score = hv + rv - tv
    score = jnp.linalg.norm(score, ord=2, axis=-1).reshape(-1)
    p_score = score[:BATCH_SIZE].reshape(-1, BATCH_SIZE).transpose(1, 0)
    n_score = score[BATCH_SIZE:].reshape(-1, BATCH_SIZE).transpose(1, 0)
    return (p_score, n_score)

if __name__ == "__main__":
    import jax
    _d = setup_inputs()
    print(jax.jit(kernel)(*tuple(_d.values())))

</pallas_src>

<mosaic_0001>
#map = affine_map<(d0, d1) -> (0)>
#map1 = affine_map<(d0, d1) -> (0, 0)>
module attributes {stable_mosaic.version = 14 : i64} {
  func.func @k(%arg0: i32, %arg1: i32, %arg2: memref<8192xi32, #tpu.memory_space<hbm>>, %arg3: memref<8192xi32, #tpu.memory_space<hbm>>, %arg4: memref<8192xi32, #tpu.memory_space<hbm>>, %arg5: memref<500000x128xf32, #tpu.memory_space<hbm>>, %arg6: memref<500x128xf32, #tpu.memory_space<hbm>>, %arg7: memref<8192xf32, #tpu.memory_space<hbm>>, %arg8: memref<256xi32, #tpu.memory_space<vmem>>, %arg9: memref<256xi32, #tpu.memory_space<vmem>>, %arg10: memref<256xi32, #tpu.memory_space<vmem>>, %arg11: memref<256xi32, #tpu.memory_space<vmem>>, %arg12: memref<256xi32, #tpu.memory_space<vmem>>, %arg13: memref<256xi32, #tpu.memory_space<vmem>>, %arg14: memref<256x128xf32, #tpu.memory_space<vmem>>, %arg15: memref<256x128xf32, #tpu.memory_space<vmem>>, %arg16: memref<256x128xf32, #tpu.memory_space<vmem>>, %arg17: memref<256xf32, #tpu.memory_space<vmem>>, %arg18: memref<!tpu.dma_semaphore, #tpu.memory_space<semaphore_mem>>) attributes {dimension_semantics = [#tpu.dimension_semantics<core_parallel>, #tpu.dimension_semantics<subcore_parallel>], iteration_bounds = array<i64: 2, 16>, scalar_prefetch = 0 : i64, scratch_operands = 11 : i64, tpu.core_type = #tpu.core_type<sc_vector_subcore>, window_params = [{transform_indices = #map}, {transform_indices = #map}, {transform_indices = #map}, {transform_indices = #map1}, {transform_indices = #map1}, {transform_indices = #map}]} {
    %mul3A = arith.constant 2 : i32
    %mul3A_0 = arith.muli %arg1, %mul3A : i32
    %add3A = arith.addi %mul3A_0, %arg0 : i32
    %mul3A_1 = arith.constant 256 : i32
    %mul3A_2 = arith.muli %add3A, %mul3A_1 : i32
    "tpu.region"() ({
      %run_scoped3A = tpu.sem_alloc : memref<!tpu.dma_semaphore, #tpu.memory_space<semaphore_mem>>
      %dma_start3A_29 = tpu.memref_slice %arg2[%mul3A_2] : memref<8192xi32, #tpu.memory_space<hbm>> -> memref<256xi32, #tpu.memory_space<hbm>>
      %dma_start3A_30 = tpu.memref_slice %arg2[%mul3A_2] : memref<8192xi32, #tpu.memory_space<hbm>> -> memref<256xi32, #tpu.memory_space<hbm>>
      tpu.enqueue_dma source(%dma_start3A_30 : memref<256xi32, #tpu.memory_space<hbm>>) target(%arg8 : memref<256xi32, #tpu.memory_space<vmem>>) target_semaphore(%run_scoped3A : memref<!tpu.dma_semaphore, #tpu.memory_space<semaphore_mem>>)
      %dma_wait3A_31 = tpu.memref_slice %arg2[%mul3A_2] : memref<8192xi32, #tpu.memory_space<hbm>> -> memref<256xi32, #tpu.memory_space<hbm>>
      %dma_wait3A_32 = tpu.memref_slice %arg2[%mul3A_2] : memref<8192xi32, #tpu.memory_space<hbm>> -> memref<256xi32, #tpu.memory_space<hbm>>
      tpu.wait_dma2 semaphore(%run_scoped3A : memref<!tpu.dma_semaphore, #tpu.memory_space<semaphore_mem>>) src(%dma_wait3A_32 : memref<256xi32, #tpu.memory_space<hbm>>) dst(%arg8 : memref<256xi32, #tpu.memory_space<vmem>>)
      tpu.yield
    }) : () -> ()
    "tpu.region"() ({
      %run_scoped3A = tpu.sem_alloc : memref<!tpu.dma_semaphore, #tpu.memory_space<semaphore_mem>>
      %dma_start3A_29 = tpu.memref_slice %arg3[%mul3A_2] : memref<8192xi32, #tpu.memory_space<hbm>> -> memref<256xi32, #tpu.memory_space<hbm>>
      %dma_start3A_30 = tpu.memref_slice %arg3[%mul3A_2] : memref<8192xi32, #tpu.memory_space<hbm>> -> memref<256xi32, #tpu.memory_space<hbm>>
      tpu.enqueue_dma source(%dma_start3A_30 : memref<256xi32, #tpu.memory_space<hbm>>) target(%arg9 : memref<256xi32, #tpu.memory_space<vmem>>) target_semaphore(%run_scoped3A : memref<!tpu.dma_semaphore, #tpu.memory_space<semaphore_mem>>)
      %dma_wait3A_31 = tpu.memref_slice %arg3[%mul3A_2] : memref<8192xi32, #tpu.memory_space<hbm>> -> memref<256xi32, #tpu.memory_space<hbm>>
      %dma_wait3A_32 = tpu.memref_slice %arg3[%mul3A_2] : memref<8192xi32, #tpu.memory_space<hbm>> -> memref<256xi32, #tpu.memory_space<hbm>>
      tpu.wait_dma2 semaphore(%run_scoped3A : memref<!tpu.dma_semaphore, #tpu.memory_space<semaphore_mem>>) src(%dma_wait3A_32 : memref<256xi32, #tpu.memory_space<hbm>>) dst(%arg9 : memref<256xi32, #tpu.memory_space<vmem>>)
      tpu.yield
    }) : () -> ()
    "tpu.region"() ({
      %run_scoped3A = tpu.sem_alloc : memref<!tpu.dma_semaphore, #tpu.memory_space<semaphore_mem>>
      %dma_start3A_29 = tpu.memref_slice %arg4[%mul3A_2] : memref<8192xi32, #tpu.memory_space<hbm>> -> memref<256xi32, #tpu.memory_space<hbm>>
      %dma_start3A_30 = tpu.memref_slice %arg4[%mul3A_2] : memref<8192xi32, #tpu.memory_space<hbm>> -> memref<256xi32, #tpu.memory_space<hbm>>
      tpu.enqueue_dma source(%dma_start3A_30 : memref<256xi32, #tpu.memory_space<hbm>>) target(%arg10 : memref<256xi32, #tpu.memory_space<vmem>>) target_semaphore(%run_scoped3A : memref<!tpu.dma_semaphore, #tpu.memory_space<semaphore_mem>>)
      %dma_wait3A_31 = tpu.memref_slice %arg4[%mul3A_2] : memref<8192xi32, #tpu.memory_space<hbm>> -> memref<256xi32, #tpu.memory_space<hbm>>
      %dma_wait3A_32 = tpu.memref_slice %arg4[%mul3A_2] : memref<8192xi32, #tpu.memory_space<hbm>> -> memref<256xi32, #tpu.memory_space<hbm>>
      tpu.wait_dma2 semaphore(%run_scoped3A : memref<!tpu.dma_semaphore, #tpu.memory_space<semaphore_mem>>) src(%dma_wait3A_32 : memref<256xi32, #tpu.memory_space<hbm>>) dst(%arg10 : memref<256xi32, #tpu.memory_space<vmem>>)
      tpu.yield
    }) : () -> ()
    %scan3A = arith.constant 0 : i32
    %scan3A_3 = arith.constant 16 : i32
    %scan3A_4 = arith.addi %scan3A, %scan3A_3 : i32
    %scan3A_5 = arith.constant 1 : i32
    scf.for %scan3A_29 = %scan3A to %scan3A_4 step %scan3A_5  : i32 {
      %mul3A_30 = arith.constant 1 : i32
      %mul3A_31 = arith.muli %scan3A_29, %mul3A_30 : i32
      %add3A_32 = arith.constant 0 : i32
      %add3A_33 = arith.addi %add3A_32, %mul3A_31 : i32
      %mul3A_34 = arith.constant 16 : i32
      %mul3A_35 = arith.muli %add3A_33, %mul3A_34 : i32
      %get3A = arith.index_cast %mul3A_35 : i32 to index
      %get3A_36 = tpu.vector_load %arg8[%get3A] {strides = array<i32>} : memref<256xi32, #tpu.memory_space<vmem>>, vector<16xi32>,
      %shift_right_arithmetic3A = arith.constant 1 : i32
      %shift_right_arithmetic3A_37 = vector.broadcast %shift_right_arithmetic3A : i32 to vector<16xi32>
      %shift_right_arithmetic3A_38 = arith.shrsi %get3A_36, %shift_right_arithmetic3A_37 : vector<16xi32>
      %swap3A = arith.index_cast %mul3A_35 : i32 to index
      %swap3A_39 = tpu.vector_load %arg11[%swap3A] {strides = array<i32>} : memref<256xi32, #tpu.memory_space<vmem>>, vector<16xi32>,
      tpu.vector_store %arg11[%swap3A], %shift_right_arithmetic3A_38 {strides = array<i32>} : memref<256xi32, #tpu.memory_space<vmem>>, vector<16xi32>,
      %get3A_40 = arith.index_cast %mul3A_35 : i32 to index
      %get3A_41 = tpu.vector_load %arg9[%get3A_40] {strides = array<i32>} : memref<256xi32, #tpu.memory_space<vmem>>, vector<16xi32>,
      %shift_right_arithmetic3A_42 = arith.constant 1 : i32
      %shift_right_arithmetic3A_43 = vector.broadcast %shift_right_arithmetic3A_42 : i32 to vector<16xi32>
      %shift_right_arithmetic3A_44 = arith.shrsi %get3A_41, %shift_right_arithmetic3A_43 : vector<16xi32>
      %swap3A_45 = arith.index_cast %mul3A_35 : i32 to index
      %swap3A_46 = tpu.vector_load %arg12[%swap3A_45] {strides = array<i32>} : memref<256xi32, #tpu.memory_space<vmem>>, vector<16xi32>,
      tpu.vector_store %arg12[%swap3A_45], %shift_right_arithmetic3A_44 {strides = array<i32>} : memref<256xi32, #tpu.memory_space<vmem>>, vector<16xi32>,
      %get3A_47 = arith.index_cast %mul3A_35 : i32 to index
      %get3A_48 = tpu.vector_load %arg10[%get3A_47] {strides = array<i32>} : memref<256xi32, #tpu.memory_space<vmem>>, vector<16xi32>,
      %shift_right_arithmetic3A_49 = arith.constant 1 : i32
      %shift_right_arithmetic3A_50 = vector.broadcast %shift_right_arithmetic3A_49 : i32 to vector<16xi32>
      %shift_right_arithmetic3A_51 = arith.shrsi %get3A_48, %shift_right_arithmetic3A_50 : vector<16xi32>
      %swap3A_52 = arith.index_cast %mul3A_35 : i32 to index
      %swap3A_53 = tpu.vector_load %arg13[%swap3A_52] {strides = array<i32>} : memref<256xi32, #tpu.memory_space<vmem>>, vector<16xi32>,
      tpu.vector_store %arg13[%swap3A_52], %shift_right_arithmetic3A_51 {strides = array<i32>} : memref<256xi32, #tpu.memory_space<vmem>>, vector<16xi32>,
    }
    %scan3A_6 = arith.constant 16 : i32
    %dma_start3A = arith.constant 0 : i32
    %dma_start3A_7 = arith.constant 0 : i32
    %dma_start3A_8 = tpu.memref_slice %arg5[%dma_start3A, %dma_start3A_7] : memref<500000x128xf32, #tpu.memory_space<hbm>> -> memref<500000x128xf32, #tpu.memory_space<hbm>>
    tpu.enqueue_indirect_dma source(%dma_start3A_8 : memref<500000x128xf32, #tpu.memory_space<hbm>>) target(%arg14 : memref<256x128xf32, #tpu.memory_space<vmem>>) offsets(%arg11 : memref<256xi32, #tpu.memory_space<vmem>>) semaphore(%arg18 : memref<!tpu.dma_semaphore, #tpu.memory_space<semaphore_mem>>)
    %dma_start3A_9 = arith.constant 0 : i32
    %dma_start3A_10 = arith.constant 0 : i32
    %dma_start3A_11 = tpu.memref_slice %arg6[%dma_start3A_9, %dma_start3A_10] : memref<500x128xf32, #tpu.memory_space<hbm>> -> memref<500x128xf32, #tpu.memory_space<hbm>>
    tpu.enqueue_indirect_dma source(%dma_start3A_11 : memref<500x128xf32, #tpu.memory_space<hbm>>) target(%arg16 : memref<256x128xf32, #tpu.memory_space<vmem>>) offsets(%arg12 : memref<256xi32, #tpu.memory_space<vmem>>) semaphore(%arg18 : memref<!tpu.dma_semaphore, #tpu.memory_space<semaphore_mem>>)
    %dma_start3A_12 = arith.constant 0 : i32
    %dma_start3A_13 = arith.constant 0 : i32
    %dma_start3A_14 = tpu.memref_slice %arg5[%dma_start3A_12, %dma_start3A_13] : memref<500000x128xf32, #tpu.memory_space<hbm>> -> memref<500000x128xf32, #tpu.memory_space<hbm>>
    tpu.enqueue_indirect_dma source(%dma_start3A_14 : memref<500000x128xf32, #tpu.memory_space<hbm>>) target(%arg15 : memref<256x128xf32, #tpu.memory_space<vmem>>) offsets(%arg13 : memref<256xi32, #tpu.memory_space<vmem>>) semaphore(%arg18 : memref<!tpu.dma_semaphore, #tpu.memory_space<semaphore_mem>>)
    %dma_wait3A = arith.constant 0 : i32
    %dma_wait3A_15 = arith.constant 0 : i32
    %dma_wait3A_16 = tpu.memref_slice %arg5[%dma_wait3A, %dma_wait3A_15] : memref<500000x128xf32, #tpu.memory_space<hbm>> -> memref<500000x128xf32, #tpu.memory_space<hbm>>
    tpu.wait_indirect_dma semaphore(%arg18 : memref<!tpu.dma_semaphore, #tpu.memory_space<semaphore_mem>>) src(%dma_wait3A_16 : memref<500000x128xf32, #tpu.memory_space<hbm>>) dst(%arg14 : memref<256x128xf32, #tpu.memory_space<vmem>>)
    %dma_wait3A_17 = arith.constant 0 : i32
    %dma_wait3A_18 = arith.constant 0 : i32
    %dma_wait3A_19 = tpu.memref_slice %arg6[%dma_wait3A_17, %dma_wait3A_18] : memref<500x128xf32, #tpu.memory_space<hbm>> -> memref<500x128xf32, #tpu.memory_space<hbm>>
    tpu.wait_indirect_dma semaphore(%arg18 : memref<!tpu.dma_semaphore, #tpu.memory_space<semaphore_mem>>) src(%dma_wait3A_19 : memref<500x128xf32, #tpu.memory_space<hbm>>) dst(%arg16 : memref<256x128xf32, #tpu.memory_space<vmem>>)
    %dma_wait3A_20 = arith.constant 0 : i32
    %dma_wait3A_21 = arith.constant 0 : i32
    %dma_wait3A_22 = tpu.memref_slice %arg5[%dma_wait3A_20, %dma_wait3A_21] : memref<500000x128xf32, #tpu.memory_space<hbm>> -> memref<500000x128xf32, #tpu.memory_space<hbm>>
    tpu.wait_indirect_dma semaphore(%arg18 : memref<!tpu.dma_semaphore, #tpu.memory_space<semaphore_mem>>) src(%dma_wait3A_22 : memref<500000x128xf32, #tpu.memory_space<hbm>>) dst(%arg15 : memref<256x128xf32, #tpu.memory_space<vmem>>)
    %iota3A = tpu.iota {dimensions = array<i32: 0>} : vector<16xi32>
    %broadcast_in_dim3A = arith.constant 0.000000e+00 : f32
    %broadcast_in_dim3A_23 = vector.broadcast %broadcast_in_dim3A : f32 to vector<16xf32>
    %scan3A_24 = arith.constant 0 : i32
    %scan3A_25 = arith.constant 16 : i32
    %scan3A_26 = arith.addi %scan3A_24, %scan3A_25 : i32
    %scan3A_27 = arith.constant 1 : i32
    scf.for %scan3A_29 = %scan3A_24 to %scan3A_26 step %scan3A_27  : i32 {
      %mul3A_30 = arith.constant 1 : i32
      %mul3A_31 = arith.muli %scan3A_29, %mul3A_30 : i32
      %add3A_32 = arith.constant 0 : i32
      %add3A_33 = arith.addi %add3A_32, %mul3A_31 : i32
      %mul3A_34 = arith.constant 16 : i32
      %mul3A_35 = arith.muli %add3A_33, %mul3A_34 : i32
      %add3A_36 = vector.broadcast %mul3A_35 : i32 to vector<16xi32>
      %add3A_37 = arith.addi %add3A_36, %iota3A : vector<16xi32>
      %get3A = arith.index_cast %mul3A_35 : i32 to index
      %get3A_38 = tpu.vector_load %arg8[%get3A] {strides = array<i32>} : memref<256xi32, #tpu.memory_space<vmem>>, vector<16xi32>,
      %and3A = arith.constant 1 : i32
      %and3A_39 = vector.broadcast %and3A : i32 to vector<16xi32>
      %and3A_40 = arith.andi %get3A_38, %and3A_39 : vector<16xi32>
      %mul3A_41 = arith.constant 64 : i32
      %mul3A_42 = vector.broadcast %mul3A_41 : i32 to vector<16xi32>
      %mul3A_43 = arith.muli %and3A_40, %mul3A_42 : vector<16xi32>
      %get3A_44 = arith.index_cast %mul3A_35 : i32 to index
      %get3A_45 = tpu.vector_load %arg9[%get3A_44] {strides = array<i32>} : memref<256xi32, #tpu.memory_space<vmem>>, vector<16xi32>,
      %and3A_46 = arith.constant 1 : i32
      %and3A_47 = vector.broadcast %and3A_46 : i32 to vector<16xi32>
      %and3A_48 = arith.andi %get3A_45, %and3A_47 : vector<16xi32>
      %mul3A_49 = arith.constant 64 : i32
      %mul3A_50 = vector.broadcast %mul3A_49 : i32 to vector<16xi32>
      %mul3A_51 = arith.muli %and3A_48, %mul3A_50 : vector<16xi32>
      %get3A_52 = arith.index_cast %mul3A_35 : i32 to index
      %get3A_53 = tpu.vector_load %arg10[%get3A_52] {strides = array<i32>} : memref<256xi32, #tpu.memory_space<vmem>>, vector<16xi32>,
      %and3A_54 = arith.constant 1 : i32
      %and3A_55 = vector.broadcast %and3A_54 : i32 to vector<16xi32>
      %and3A_56 = arith.andi %get3A_53, %and3A_55 : vector<16xi32>
      %mul3A_57 = arith.constant 64 : i32
      %mul3A_58 = vector.broadcast %mul3A_57 : i32 to vector<16xi32>
      %mul3A_59 = arith.muli %and3A_56, %mul3A_58 : vector<16xi32>
      %add3A_60 = arith.constant 0 : i32
      %add3A_61 = vector.broadcast %add3A_60 : i32 to vector<16xi32>
      %add3A_62 = arith.addi %mul3A_43, %add3A_61 : vector<16xi32>
      %gather3A = tpu.vector_load_idx %arg14[%add3A_37, %add3A_62] : memref<256x128xf32, #tpu.memory_space<vmem>>[vector<16xi32>, vector<16xi32>], vector<16xf32>,
      %add3A_63 = arith.constant 0 : i32
      %add3A_64 = vector.broadcast %add3A_63 : i32 to vector<16xi32>
      %add3A_65 = arith.addi %mul3A_51, %add3A_64 : vector<16xi32>
      %gather3A_66 = tpu.vector_load_idx %arg16[%add3A_37, %add3A_65] : memref<256x128xf32, #tpu.memory_space<vmem>>[vector<16xi32>, vector<16xi32>], vector<16xf32>,
      %add3A_67 = arith.constant 0 : i32
      %add3A_68 = vector.broadcast %add3A_67 : i32 to vector<16xi32>
      %add3A_69 = arith.addi %mul3A_59, %add3A_68 : vector<16xi32>
      %gather3A_70 = tpu.vector_load_idx %arg15[%add3A_37, %add3A_69] : memref<256x128xf32, #tpu.memory_space<vmem>>[vector<16xi32>, vector<16xi32>], vector<16xf32>,
      %mul3A_71 = arith.mulf %gather3A, %gather3A : vector<16xf32>
      %add3A_72 = arith.addf %broadcast_in_dim3A_23, %mul3A_71 : vector<16xf32>
      %mul3A_73 = arith.mulf %gather3A_66, %gather3A_66 : vector<16xf32>
      %add3A_74 = arith.addf %broadcast_in_dim3A_23, %mul3A_73 : vector<16xf32>
      %mul3A_75 = arith.mulf %gather3A_70, %gather3A_70 : vector<16xf32>
      %add3A_76 = arith.addf %broadcast_in_dim3A_23, %mul3A_75 : vector<16xf32>
      %mul3A_77 = arith.mulf %gather3A, %gather3A_66 : vector<16xf32>
      %add3A_78 = arith.addf %broadcast_in_dim3A_23, %mul3A_77 : vector<16xf32>
      %mul3A_79 = arith.mulf %gather3A, %gather3A_70 : vector<16xf32>
      %add3A_80 = arith.addf %broadcast_in_dim3A_23, %mul3A_79 : vector<16xf32>
      %mul3A_81 = arith.mulf %gather3A_66, %gather3A_70 : vector<16xf32>
      %add3A_82 = arith.addf %broadcast_in_dim3A_23, %mul3A_81 : vector<16xf32>
      %add3A_83 = arith.constant 1 : i32
      %add3A_84 = vector.broadcast %add3A_83 : i32 to vector<16xi32>
      %add3A_85 = arith.addi %mul3A_43, %add3A_84 : vector<16xi32>
      %gather3A_86 = tpu.vector_load_idx %arg14[%add3A_37, %add3A_85] : memref<256x128xf32, #tpu.memory_space<vmem>>[vector<16xi32>, vector<16xi32>], vector<16xf32>,
      %add3A_87 = arith.constant 1 : i32
      %add3A_88 = vector.broadcast %add3A_87 : i32 to vector<16xi32>
      %add3A_89 = arith.addi %mul3A_51, %add3A_88 : vector<16xi32>
      %gather3A_90 = tpu.vector_load_idx %arg16[%add3A_37, %add3A_89] : memref<256x128xf32, #tpu.memory_space<vmem>>[vector<16xi32>, vector<16xi32>], vector<16xf32>,
      %add3A_91 = arith.constant 1 : i32
      %add3A_92 = vector.broadcast %add3A_91 : i32 to vector<16xi32>
      %add3A_93 = arith.addi %mul3A_59, %add3A_92 : vector<16xi32>
      %gather3A_94 = tpu.vector_load_idx %arg15[%add3A_37, %add3A_93] : memref<256x128xf32, #tpu.memory_space<vmem>>[vector<16xi32>, vector<16xi32>], vector<16xf32>,
      %mul3A_95 = arith.mulf %gather3A_86, %gather3A_86 : vector<16xf32>
      %add3A_96 = arith.addf %add3A_72, %mul3A_95 : vector<16xf32>
      %mul3A_97 = arith.mulf %gather3A_90, %gather3A_90 : vector<16xf32>
      %add3A_98 = arith.addf %add3A_74, %mul3A_97 : vector<16xf32>
      %mul3A_99 = arith.mulf %gather3A_94, %gather3A_94 : vector<16xf32>
      %add3A_100 = arith.addf %add3A_76, %mul3A_99 : vector<16xf32>
      %mul3A_101 = arith.mulf %gather3A_86, %gather3A_90 : vector<16xf32>
      %add3A_102 = arith.addf %add3A_78, %mul3A_101 : vector<16xf32>
      %mul3A_103 = arith.mulf %gather3A_86, %gather3A_94 : vector<16xf32>
      %add3A_104 = arith.addf %add3A_80, %mul3A_103 : vector<16xf32>
      %mul3A_105 = arith.mulf %gather3A_90, %gather3A_94 : vector<16xf32>
      %add3A_106 = arith.addf %add3A_82, %mul3A_105 : vector<16xf32>
      %add3A_107 = arith.constant 2 : i32
      %add3A_108 = vector.broadcast %add3A_107 : i32 to vector<16xi32>
      %add3A_109 = arith.addi %mul3A_43, %add3A_108 : vector<16xi32>
      %gather3A_110 = tpu.vector_load_idx %arg14[%add3A_37, %add3A_109] : memref<256x128xf32, #tpu.memory_space<vmem>>[vector<16xi32>, vector<16xi32>], vector<16xf32>,
      %add3A_111 = arith.constant 2 : i32
      %add3A_112 = vector.broadcast %add3A_111 : i32 to vector<16xi32>
      %add3A_113 = arith.addi %mul3A_51, %add3A_112 : vector<16xi32>
      %gather3A_114 = tpu.vector_load_idx %arg16[%add3A_37, %add3A_113] : memref<256x128xf32, #tpu.memory_space<vmem>>[vector<16xi32>, vector<16xi32>], vector<16xf32>,
      %add3A_115 = arith.constant 2 : i32
      %add3A_116 = vector.broadcast %add3A_115 : i32 to vector<16xi32>
      %add3A_117 = arith.addi %mul3A_59, %add3A_116 : vector<16xi32>
      %gather3A_118 = tpu.vector_load_idx %arg15[%add3A_37, %add3A_117] : memref<256x128xf32, #tpu.memory_space<vmem>>[vector<16xi32>, vector<16xi32>], vector<16xf32>,
      %mul3A_119 = arith.mulf %gather3A_110, %gather3A_110 : vector<16xf32>
      %add3A_120 = arith.addf %add3A_96, %mul3A_119 : vector<16xf32>
      %mul3A_121 = arith.mulf %gather3A_114, %gather3A_114 : vector<16xf32>
      %add3A_122 = arith.addf %add3A_98, %mul3A_121 : vector<16xf32>
      %mul3A_123 = arith.mulf %gather3A_118, %gather3A_118 : vector<16xf32>
      %add3A_124 = arith.addf %add3A_100, %mul3A_123 : vector<16xf32>
      %mul3A_125 = arith.mulf %gather3A_110, %gather3A_114 : vector<16xf32>
      %add3A_126 = arith.addf %add3A_102, %mul3A_125 : vector<16xf32>
      %mul3A_127 = arith.mulf %gather3A_110, %gather3A_118 : vector<16xf32>
      %add3A_128 = arith.addf %add3A_104, %mul3A_127 : vector<16xf32>
      %mul3A_129 = arith.mulf %gather3A_114, %gather3A_118 : vector<16xf32>
      %add3A_130 = arith.addf %add3A_106, %mul3A_129 : vector<16xf32>
      %add3A_131 = arith.constant 3 : i32
      %add3A_132 = vector.broadcast %add3A_131 : i32 to vector<16xi32>
      %add3A_133 = arith.addi %mul3A_43, %add3A_132 : vector<16xi32>
      %gather3A_134 = tpu.vector_load_idx %arg14[%add3A_37, %add3A_133] : memref<256x128xf32, #tpu.memory_space<vmem>>[vector<16xi32>, vector<16xi32>], vector<16xf32>,
      %add3A_135 = arith.constant 3 : i32
      %add3A_136 = vector.broadcast %add3A_135 : i32 to vector<16xi32>
      %add3A_137 = arith.addi %mul3A_51, %add3A_136 : vector<16xi32>
      %gather3A_138 = tpu.vector_load_idx %arg16[%add3A_37, %add3A_137] : memref<256x128xf32, #tpu.memory_space<vmem>>[vector<16xi32>, vector<16xi32>], vector<16xf32>,
      %add3A_139 = arith.constant 3 : i32
      %add3A_140 = vector.broadcast %add3A_139 : i32 to vector<16xi32>
      %add3A_141 = arith.addi %mul3A_59, %add3A_140 : vector<16xi32>
      %gather3A_142 = tpu.vector_load_idx %arg15[%add3A_37, %add3A_141] : memref<256x128xf32, #tpu.memory_space<vmem>>[vector<16xi32>, vector<16xi32>], vector<16xf32>,
      %mul3A_143 = arith.mulf %gather3A_134, %gather3A_134 : vector<16xf32>
      %add3A_144 = arith.addf %add3A_120, %mul3A_143 : vector<16xf32>
      %mul3A_145 = arith.mulf %gather3A_138, %gather3A_138 : vector<16xf32>
      %add3A_146 = arith.addf %add3A_122, %mul3A_145 : vector<16xf32>
      %mul3A_147 = arith.mulf %gather3A_142, %gather3A_142 : vector<16xf32>
      %add3A_148 = arith.addf %add3A_124, %mul3A_147 : vector<16xf32>
      %mul3A_149 = arith.mulf %gather3A_134, %gather3A_138 : vector<16xf32>
      %add3A_150 = arith.addf %add3A_126, %mul3A_149 : vector<16xf32>
      %mul3A_151 = arith.mulf %gather3A_134, %gather3A_142 : vector<16xf32>
      %add3A_152 = arith.addf %add3A_128, %mul3A_151 : vector<16xf32>
      %mul3A_153 = arith.mulf %gather3A_138, %gather3A_142 : vector<16xf32>
      %add3A_154 = arith.addf %add3A_130, %mul3A_153 : vector<16xf32>
      %add3A_155 = arith.constant 4 : i32
      %add3A_156 = vector.broadcast %add3A_155 : i32 to vector<16xi32>
      %add3A_157 = arith.addi %mul3A_43, %add3A_156 : vector<16xi32>
      %gather3A_158 = tpu.vector_load_idx %arg14[%add3A_37, %add3A_157] : memref<256x128xf32, #tpu.memory_space<vmem>>[vector<16xi32>, vector<16xi32>], vector<16xf32>,
      %add3A_159 = arith.constant 4 : i32
      %add3A_160 = vector.broadcast %add3A_159 : i32 to vector<16xi32>
      %add3A_161 = arith.addi %mul3A_51, %add3A_160 : vector<16xi32>
      %gather3A_162 = tpu.vector_load_idx %arg16[%add3A_37, %add3A_161] : memref<256x128xf32, #tpu.memory_space<vmem>>[vector<16xi32>, vector<16xi32>], vector<16xf32>,
      %add3A_163 = arith.constant 4 : i32
      %add3A_164 = vector.broadcast %add3A_163 : i32 to vector<16xi32>
      %add3A_165 = arith.addi %mul3A_59, %add3A_164 : vector<16xi32>
      %gather3A_166 = tpu.vector_load_idx %arg15[%add3A_37, %add3A_165] : memref<256x128xf32, #tpu.memory_space<vmem>>[vector<16xi32>, vector<16xi32>], vector<16xf32>,
      %mul3A_167 = arith.mulf %gather3A_158, %gather3A_158 : vector<16xf32>
      %add3A_168 = arith.addf %add3A_144, %mul3A_167 : vector<16xf32>
      %mul3A_169 = arith.mulf %gather3A_162, %gather3A_162 : vector<16xf32>
      %add3A_170 = arith.addf %add3A_146, %mul3A_169 : vector<16xf32>
      %mul3A_171 = arith.mulf %gather3A_166, %gather3A_166 : vector<16xf32>
      %add3A_172 = arith.addf %add3A_148, %mul3A_171 : vector<16xf32>
      %mul3A_173 = arith.mulf %gather3A_158, %gather3A_162 : vector<16xf32>
      %add3A_174 = arith.addf %add3A_150, %mul3A_173 : vector<16xf32>
      %mul3A_175 = arith.mulf %gather3A_158, %gather3A_166 : vector<16xf32>
      %add3A_176 = arith.addf %add3A_152, %mul3A_175 : vector<16xf32>
      %mul3A_177 = arith.mulf %gather3A_162, %gather3A_166 : vector<16xf32>
      %add3A_178 = arith.addf %add3A_154, %mul3A_177 : vector<16xf32>
      %add3A_179 = arith.constant 5 : i32
      %add3A_180 = vector.broadcast %add3A_179 : i32 to vector<16xi32>
      %add3A_181 = arith.addi %mul3A_43, %add3A_180 : vector<16xi32>
      %gather3A_182 = tpu.vector_load_idx %arg14[%add3A_37, %add3A_181] : memref<256x128xf32, #tpu.memory_space<vmem>>[vector<16xi32>, vector<16xi32>], vector<16xf32>,
      %add3A_183 = arith.constant 5 : i32
      %add3A_184 = vector.broadcast %add3A_183 : i32 to vector<16xi32>
      %add3A_185 = arith.addi %mul3A_51, %add3A_184 : vector<16xi32>
      %gather3A_186 = tpu.vector_load_idx %arg16[%add3A_37, %add3A_185] : memref<256x128xf32, #tpu.memory_space<vmem>>[vector<16xi32>, vector<16xi32>], vector<16xf32>,
      %add3A_187 = arith.constant 5 : i32
      %add3A_188 = vector.broadcast %add3A_187 : i32 to vector<16xi32>
      %add3A_189 = arith.addi %mul3A_59, %add3A_188 : vector<16xi32>
      %gather3A_190 = tpu.vector_load_idx %arg15[%add3A_37, %add3A_189] : memref<256x128xf32, #tpu.memory_space<vmem>>[vector<16xi32>, vector<16xi32>], vector<16xf32>,
      %mul3A_191 = arith.mulf %gather3A_182, %gather3A_182 : vector<16xf32>
      %add3A_192 = arith.addf %add3A_168, %mul3A_191 : vector<16xf32>
      %mul3A_193 = arith.mulf %gather3A_186, %gather3A_186 : vector<16xf32>
      %add3A_194 = arith.addf %add3A_170, %mul3A_193 : vector<16xf32>
      %mul3A_195 = arith.mulf %gather3A_190, %gather3A_190 : vector<16xf32>
      %add3A_196 = arith.addf %add3A_172, %mul3A_195 : vector<16xf32>
      %mul3A_197 = arith.mulf %gather3A_182, %gather3A_186 : vector<16xf32>
      %add3A_198 = arith.addf %add3A_174, %mul3A_197 : vector<16xf32>
      %mul3A_199 = arith.mulf %gather3A_182, %gather3A_190 : vector<16xf32>
      %add3A_200 = arith.addf %add3A_176, %mul3A_199 : vector<16xf32>
      %mul3A_201 = arith.mulf %gather3A_186, %gather3A_190 : vector<16xf32>
      %add3A_202 = arith.addf %add3A_178, %mul3A_201 : vector<16xf32>
      %add3A_203 = arith.constant 6 : i32
      %add3A_204 = vector.broadcast %add3A_203 : i32 to vector<16xi32>
      %add3A_205 = arith.addi %mul3A_43, %add3A_204 : vector<16xi32>
      %gather3A_206 = tpu.vector_load_idx %arg14[%add3A_37, %add3A_205] : memref<256x128xf32, #tpu.memory_space<vmem>>[vector<16xi32>, vector<16xi32>], vector<16xf32>,
      %add3A_207 = arith.constant 6 : i32
      %add3A_208 = vector.broadcast %add3A_207 : i32 to vector<16xi32>
      %add3A_209 = arith.addi %mul3A_51, %add3A_208 : vector<16xi32>
      %gather3A_210 = tpu.vector_load_idx %arg16[%add3A_37, %add3A_209] : memref<256x128xf32, #tpu.memory_space<vmem>>[vector<16xi32>, vector<16xi32>], vector<16xf32>,
      %add3A_211 = arith.constant 6 : i32
      %add3A_212 = vector.broadcast %add3A_211 : i32 to vector<16xi32>
      %add3A_213 = arith.addi %mul3A_59, %add3A_212 : vector<16xi32>
      %gather3A_214 = tpu.vector_load_idx %arg15[%add3A_37, %add3A_213] : memref<256x128xf32, #tpu.memory_space<vmem>>[vector<16xi32>, vector<16xi32>], vector<16xf32>,
      %mul3A_215 = arith.mulf %gather3A_206, %gather3A_206 : vector<16xf32>
      %add3A_216 = arith.addf %add3A_192, %mul3A_215 : vector<16xf32>
      %mul3A_217 = arith.mulf %gather3A_210, %gather3A_210 : vector<16xf32>
      %add3A_218 = arith.addf %add3A_194, %mul3A_217 : vector<16xf32>
      %mul3A_219 = arith.mulf %gather3A_214, %gather3A_214 : vector<16xf32>
      %add3A_220 = arith.addf %add3A_196, %mul3A_219 : vector<16xf32>
      %mul3A_221 = arith.mulf %gather3A_206, %gather3A_210 : vector<16xf32>
      %add3A_222 = arith.addf %add3A_198, %mul3A_221 : vector<16xf32>
      %mul3A_223 = arith.mulf %gather3A_206, %gather3A_214 : vector<16xf32>
      %add3A_224 = arith.addf %add3A_200, %mul3A_223 : vector<16xf32>
      %mul3A_225 = arith.mulf %gather3A_210, %gather3A_214 : vector<16xf32>
      %add3A_226 = arith.addf %add3A_202, %mul3A_225 : vector<16xf32>
      %add3A_227 = arith.constant 7 : i32
      %add3A_228 = vector.broadcast %add3A_227 : i32 to vector<16xi32>
      %add3A_229 = arith.addi %mul3A_43, %add3A_228 : vector<16xi32>
      %gather3A_230 = tpu.vector_load_idx %arg14[%add3A_37, %add3A_229] : memref<256x128xf32, #tpu.memory_space<vmem>>[vector<16xi32>, vector<16xi32>], vector<16xf32>,
      %add3A_231 = arith.constant 7 : i32
      %add3A_232 = vector.broadcast %add3A_231 : i32 to vector<16xi32>
      %add3A_233 = arith.addi %mul3A_51, %add3A_232 : vector<16xi32>
      %gather3A_234 = tpu.vector_load_idx %arg16[%add3A_37, %add3A_233] : memref<256x128xf32, #tpu.memory_space<vmem>>[vector<16xi32>, vector<16xi32>], vector<16xf32>,
      %add3A_235 = arith.constant 7 : i32
      %add3A_236 = vector.broadcast %add3A_235 : i32 to vector<16xi32>
      %add3A_237 = arith.addi %mul3A_59, %add3A_236 : vector<16xi32>
      %gather3A_238 = tpu.vector_load_idx %arg15[%add3A_37, %add3A_237] : memref<256x128xf32, #tpu.memory_space<vmem>>[vector<16xi32>, vector<16xi32>], vector<16xf32>,
      %mul3A_239 = arith.mulf %gather3A_230, %gather3A_230 : vector<16xf32>
      %add3A_240 = arith.addf %add3A_216, %mul3A_239 : vector<16xf32>
      %mul3A_241 = arith.mulf %gather3A_234, %gather3A_234 : vector<16xf32>
      %add3A_242 = arith.addf %add3A_218, %mul3A_241 : vector<16xf32>
      %mul3A_243 = arith.mulf %gather3A_238, %gather3A_238 : vector<16xf32>
      %add3A_244 = arith.addf %add3A_220, %mul3A_243 : vector<16xf32>
      %mul3A_245 = arith.mulf %gather3A_230, %gather3A_234 : vector<16xf32>
      %add3A_246 = arith.addf %add3A_222, %mul3A_245 : vector<16xf32>
      %mul3A_247 = arith.mulf %gather3A_230, %gather3A_238 : vector<16xf32>
      %add3A_248 = arith.addf %add3A_224, %mul3A_247 : vector<16xf32>
      %mul3A_249 = arith.mulf %gather3A_234, %gather3A_238 : vector<16xf32>
      %add3A_250 = arith.addf %add3A_226, %mul3A_249 : vector<16xf32>
      %add3A_251 = arith.constant 8 : i32
      %add3A_252 = vector.broadcast %add3A_251 : i32 to vector<16xi32>
      %add3A_253 = arith.addi %mul3A_43, %add3A_252 : vector<16xi32>
      %gather3A_254 = tpu.vector_load_idx %arg14[%add3A_37, %add3A_253] : memref<256x128xf32, #tpu.memory_space<vmem>>[vector<16xi32>, vector<16xi32>], vector<16xf32>,
      %add3A_255 = arith.constant 8 : i32
      %add3A_256 = vector.broadcast %add3A_255 : i32 to vector<16xi32>
      %add3A_257 = arith.addi %mul3A_51, %add3A_256 : vector<16xi32>
      %gather3A_258 = tpu.vector_load_idx %arg16[%add3A_37, %add3A_257] : memref<256x128xf32, #tpu.memory_space<vmem>>[vector<16xi32>, vector<16xi32>], vector<16xf32>,
      %add3A_259 = arith.constant 8 : i32
      %add3A_260 = vector.broadcast %add3A_259 : i32 to vector<16xi32>
      %add3A_261 = arith.addi %mul3A_59, %add3A_260 : vector<16xi32>
      %gather3A_262 = tpu.vector_load_idx %arg15[%add3A_37, %add3A_261] : memref<256x128xf32, #tpu.memory_space<vmem>>[vector<16xi32>, vector<16xi32>], vector<16xf32>,
      %mul3A_263 = arith.mulf %gather3A_254, %gather3A_254 : vector<16xf32>
      %add3A_264 = arith.addf %add3A_240, %mul3A_263 : vector<16xf32>
      %mul3A_265 = arith.mulf %gather3A_258, %gather3A_258 : vector<16xf32>
      %add3A_266 = arith.addf %add3A_242, %mul3A_265 : vector<16xf32>
      %mul3A_267 = arith.mulf %gather3A_262, %gather3A_262 : vector<16xf32>
      %add3A_268 = arith.addf %add3A_244, %mul3A_267 : vector<16xf32>
      %mul3A_269 = arith.mulf %gather3A_254, %gather3A_258 : vector<16xf32>
      %add3A_270 = arith.addf %add3A_246, %mul3A_269 : vector<16xf32>
      %mul3A_271 = arith.mulf %gather3A_254, %gather3A_262 : vector<16xf32>
      %add3A_272 = arith.addf %add3A_248, %mul3A_271 : vector<16xf32>
      %mul3A_273 = arith.mulf %gather3A_258, %gather3A_262 : vector<16xf32>
      %add3A_274 = arith.addf %add3A_250, %mul3A_273 : vector<16xf32>
      %add3A_275 = arith.constant 9 : i32
      %add3A_276 = vector.broadcast %add3A_275 : i32 to vector<16xi32>
      %add3A_277 = arith.addi %mul3A_43, %add3A_276 : vector<16xi32>
      %gather3A_278 = tpu.vector_load_idx %arg14[%add3A_37, %add3A_277] : memref<256x128xf32, #tpu.memory_space<vmem>>[vector<16xi32>, vector<16xi32>], vector<16xf32>,
      %add3A_279 = arith.constant 9 : i32
      %add3A_280 = vector.broadcast %add3A_279 : i32 to vector<16xi32>
      %add3A_281 = arith.addi %mul3A_51, %add3A_280 : vector<16xi32>
      %gather3A_282 = tpu.vector_load_idx %arg16[%add3A_37, %add3A_281] : memref<256x128xf32, #tpu.memory_space<vmem>>[vector<16xi32>, vector<16xi32>], vector<16xf32>,
      %add3A_283 = arith.constant 9 : i32
      %add3A_284 = vector.broadcast %add3A_283 : i32 to vector<16xi32>
      %add3A_285 = arith.addi %mul3A_59, %add3A_284 : vector<16xi32>
      %gather3A_286 = tpu.vector_load_idx %arg15[%add3A_37, %add3A_285] : memref<256x128xf32, #tpu.memory_space<vmem>>[vector<16xi32>, vector<16xi32>], vector<16xf32>,
      %mul3A_287 = arith.mulf %gather3A_278, %gather3A_278 : vector<16xf32>
      %add3A_288 = arith.addf %add3A_264, %mul3A_287 : vector<16xf32>
      %mul3A_289 = arith.mulf %gather3A_282, %gather3A_282 : vector<16xf32>
      %add3A_290 = arith.addf %add3A_266, %mul3A_289 : vector<16xf32>
      %mul3A_291 = arith.mulf %gather3A_286, %gather3A_286 : vector<16xf32>
      %add3A_292 = arith.addf %add3A_268, %mul3A_291 : vector<16xf32>
      %mul3A_293 = arith.mulf %gather3A_278, %gather3A_282 : vector<16xf32>
      %add3A_294 = arith.addf %add3A_270, %mul3A_293 : vector<16xf32>
      %mul3A_295 = arith.mulf %gather3A_278, %gather3A_286 : vector<16xf32>
      %add3A_296 = arith.addf %add3A_272, %mul3A_295 : vector<16xf32>
      %mul3A_297 = arith.mulf %gather3A_282, %gather3A_286 : vector<16xf32>
      %add3A_298 = arith.addf %add3A_274, %mul3A_297 : vector<16xf32>
      %add3A_299 = arith.constant 10 : i32
      %add3A_300 = vector.broadcast %add3A_299 : i32 to vector<16xi32>
      %add3A_301 = arith.addi %mul3A_43, %add3A_300 : vector<16xi32>
      %gather3A_302 = tpu.vector_load_idx %arg14[%add3A_37, %add3A_301] : memref<256x128xf32, #tpu.memory_space<vmem>>[vector<16xi32>, vector<16xi32>], vector<16xf32>,
      %add3A_303 = arith.constant 10 : i32
      %add3A_304 = vector.broadcast %add3A_303 : i32 to vector<16xi32>
      %add3A_305 = arith.addi %mul3A_51, %add3A_304 : vector<16xi32>
      %gather3A_306 = tpu.vector_load_idx %arg16[%add3A_37, %add3A_305] : memref<256x128xf32, #tpu.memory_space<vmem>>[vector<16xi32>, vector<16xi32>], vector<16xf32>,
      %add3A_307 = arith.constant 10 : i32
      %add3A_308 = vector.broadcast %add3A_307 : i32 to vector<16xi32>
      %add3A_309 = arith.addi %mul3A_59, %add3A_308 : vector<16xi32>
      %gather3A_310 = tpu.vector_load_idx %arg15[%add3A_37, %add3A_309] : memref<256x128xf32, #tpu.memory_space<vmem>>[vector<16xi32>, vector<16xi32>], vector<16xf32>,
      %mul3A_311 = arith.mulf %gather3A_302, %gather3A_302 : vector<16xf32>
      %add3A_312 = arith.addf %add3A_288, %mul3A_311 : vector<16xf32>
      %mul3A_313 = arith.mulf %gather3A_306, %gather3A_306 : vector<16xf32>
      %add3A_314 = arith.addf %add3A_290, %mul3A_313 : vector<16xf32>
      %mul3A_315 = arith.mulf %gather3A_310, %gather3A_310 : vector<16xf32>
      %add3A_316 = arith.addf %add3A_292, %mul3A_315 : vector<16xf32>
      %mul3A_317 = arith.mulf %gather3A_302, %gather3A_306 : vector<16xf32>
      %add3A_318 = arith.addf %add3A_294, %mul3A_317 : vector<16xf32>
      %mul3A_319 = arith.mulf %gather3A_302, %gather3A_310 : vector<16xf32>
      %add3A_320 = arith.addf %add3A_296, %mul3A_319 : vector<16xf32>
      %mul3A_321 = arith.mulf %gather3A_306, %gather3A_310 : vector<16xf32>
      %add3A_322 = arith.addf %add3A_298, %mul3A_321 : vector<16xf32>
      %add3A_323 = arith.constant 11 : i32
      %add3A_324 = vector.broadcast %add3A_323 : i32 to vector<16xi32>
      %add3A_325 = arith.addi %mul3A_43, %add3A_324 : vector<16xi32>
      %gather3A_326 = tpu.vector_load_idx %arg14[%add3A_37, %add3A_325] : memref<256x128xf32, #tpu.memory_space<vmem>>[vector<16xi32>, vector<16xi32>], vector<16xf32>,
      %add3A_327 = arith.constant 11 : i32
      %add3A_328 = vector.broadcast %add3A_327 : i32 to vector<16xi32>
      %add3A_329 = arith.addi %mul3A_51, %add3A_328 : vector<16xi32>
      %gather3A_330 = tpu.vector_load_idx %arg16[%add3A_37, %add3A_329] : memref<256x128xf32, #tpu.memory_space<vmem>>[vector<16xi32>, vector<16xi32>], vector<16xf32>,
      %add3A_331 = arith.constant 11 : i32
      %add3A_332 = vector.broadcast %add3A_331 : i32 to vector<16xi32>
      %add3A_333 = arith.addi %mul3A_59, %add3A_332 : vector<16xi32>
      %gather3A_334 = tpu.vector_load_idx %arg15[%add3A_37, %add3A_333] : memref<256x128xf32, #tpu.memory_space<vmem>>[vector<16xi32>, vector<16xi32>], vector<16xf32>,
      %mul3A_335 = arith.mulf %gather3A_326, %gather3A_326 : vector<16xf32>
      %add3A_336 = arith.addf %add3A_312, %mul3A_335 : vector<16xf32>
      %mul3A_337 = arith.mulf %gather3A_330, %gather3A_330 : vector<16xf32>
      %add3A_338 = arith.addf %add3A_314, %mul3A_337 : vector<16xf32>
      %mul3A_339 = arith.mulf %gather3A_334, %gather3A_334 : vector<16xf32>
      %add3A_340 = arith.addf %add3A_316, %mul3A_339 : vector<16xf32>
      %mul3A_341 = arith.mulf %gather3A_326, %gather3A_330 : vector<16xf32>
      %add3A_342 = arith.addf %add3A_318, %mul3A_341 : vector<16xf32>
      %mul3A_343 = arith.mulf %gather3A_326, %gather3A_334 : vector<16xf32>
      %add3A_344 = arith.addf %add3A_320, %mul3A_343 : vector<16xf32>
      %mul3A_345 = arith.mulf %gather3A_330, %gather3A_334 : vector<16xf32>
      %add3A_346 = arith.addf %add3A_322, %mul3A_345 : vector<16xf32>
      %add3A_347 = arith.constant 12 : i32
      %add3A_348 = vector.broadcast %add3A_347 : i32 to vector<16xi32>
      %add3A_349 = arith.addi %mul3A_43, %add3A_348 : vector<16xi32>
      %gather3A_350 = tpu.vector_load_idx %arg14[%add3A_37, %add3A_349] : memref<256x128xf32, #tpu.memory_space<vmem>>[vector<16xi32>, vector<16xi32>], vector<16xf32>,
      %add3A_351 = arith.constant 12 : i32
      %add3A_352 = vector.broadcast %add3A_351 : i32 to vector<16xi32>
      %add3A_353 = arith.addi %mul3A_51, %add3A_352 : vector<16xi32>
      %gather3A_354 = tpu.vector_load_idx %arg16[%add3A_37, %add3A_353] : memref<256x128xf32, #tpu.memory_space<vmem>>[vector<16xi32>, vector<16xi32>], vector<16xf32>,
      %add3A_355 = arith.constant 12 : i32
      %add3A_356 = vector.broadcast %add3A_355 : i32 to vector<16xi32>
      %add3A_357 = arith.addi %mul3A_59, %add3A_356 : vector<16xi32>
      %gather3A_358 = tpu.vector_load_idx %arg15[%add3A_37, %add3A_357] : memref<256x128xf32, #tpu.memory_space<vmem>>[vector<16xi32>, vector<16xi32>], vector<16xf32>,
      %mul3A_359 = arith.mulf %gather3A_350, %gather3A_350 : vector<16xf32>
      %add3A_360 = arith.addf %add3A_336, %mul3A_359 : vector<16xf32>
      %mul3A_361 = arith.mulf %gather3A_354, %gather3A_354 : vector<16xf32>
      %add3A_362 = arith.addf %add3A_338, %mul3A_361 : vector<16xf32>
      %mul3A_363 = arith.mulf %gather3A_358, %gather3A_358 : vector<16xf32>
      %add3A_364 = arith.addf %add3A_340, %mul3A_363 : vector<16xf32>
      %mul3A_365 = arith.mulf %gather3A_350, %gather3A_354 : vector<16xf32>
      %add3A_366 = arith.addf %add3A_342, %mul3A_365 : vector<16xf32>
      %mul3A_367 = arith.mulf %gather3A_350, %gather3A_358 : vector<16xf32>
      %add3A_368 = arith.addf %add3A_344, %mul3A_367 : vector<16xf32>
      %mul3A_369 = arith.mulf %gather3A_354, %gather3A_358 : vector<16xf32>
      %add3A_370 = arith.addf %add3A_346, %mul3A_369 : vector<16xf32>
      %add3A_371 = arith.constant 13 : i32
      %add3A_372 = vector.broadcast %add3A_371 : i32 to vector<16xi32>
      %add3A_373 = arith.addi %mul3A_43, %add3A_372 : vector<16xi32>
      %gather3A_374 = tpu.vector_load_idx %arg14[%add3A_37, %add3A_373] : memref<256x128xf32, #tpu.memory_space<vmem>>[vector<16xi32>, vector<16xi32>], vector<16xf32>,
      %add3A_375 = arith.constant 13 : i32
      %add3A_376 = vector.broadcast %add3A_375 : i32 to vector<16xi32>
      %add3A_377 = arith.addi %mul3A_51, %add3A_376 : vector<16xi32>
      %gather3A_378 = tpu.vector_load_idx %arg16[%add3A_37, %add3A_377] : memref<256x128xf32, #tpu.memory_space<vmem>>[vector<16xi32>, vector<16xi32>], vector<16xf32>,
      %add3A_379 = arith.constant 13 : i32
      %add3A_380 = vector.broadcast %add3A_379 : i32 to vector<16xi32>
      %add3A_381 = arith.addi %mul3A_59, %add3A_380 : vector<16xi32>
      %gather3A_382 = tpu.vector_load_idx %arg15[%add3A_37, %add3A_381] : memref<256x128xf32, #tpu.memory_space<vmem>>[vector<16xi32>, vector<16xi32>], vector<16xf32>,
      %mul3A_383 = arith.mulf %gather3A_374, %gather3A_374 : vector<16xf32>
      %add3A_384 = arith.addf %add3A_360, %mul3A_383 : vector<16xf32>
      %mul3A_385 = arith.mulf %gather3A_378, %gather3A_378 : vector<16xf32>
      %add3A_386 = arith.addf %add3A_362, %mul3A_385 : vector<16xf32>
      %mul3A_387 = arith.mulf %gather3A_382, %gather3A_382 : vector<16xf32>
      %add3A_388 = arith.addf %add3A_364, %mul3A_387 : vector<16xf32>
      %mul3A_389 = arith.mulf %gather3A_374, %gather3A_378 : vector<16xf32>
      %add3A_390 = arith.addf %add3A_366, %mul3A_389 : vector<16xf32>
      %mul3A_391 = arith.mulf %gather3A_374, %gather3A_382 : vector<16xf32>
      %add3A_392 = arith.addf %add3A_368, %mul3A_391 : vector<16xf32>
      %mul3A_393 = arith.mulf %gather3A_378, %gather3A_382 : vector<16xf32>
      %add3A_394 = arith.addf %add3A_370, %mul3A_393 : vector<16xf32>
      %add3A_395 = arith.constant 14 : i32
      %add3A_396 = vector.broadcast %add3A_395 : i32 to vector<16xi32>
      %add3A_397 = arith.addi %mul3A_43, %add3A_396 : vector<16xi32>
      %gather3A_398 = tpu.vector_load_idx %arg14[%add3A_37, %add3A_397] : memref<256x128xf32, #tpu.memory_space<vmem>>[vector<16xi32>, vector<16xi32>], vector<16xf32>,
      %add3A_399 = arith.constant 14 : i32
      %add3A_400 = vector.broadcast %add3A_399 : i32 to vector<16xi32>
      %add3A_401 = arith.addi %mul3A_51, %add3A_400 : vector<16xi32>
      %gather3A_402 = tpu.vector_load_idx %arg16[%add3A_37, %add3A_401] : memref<256x128xf32, #tpu.memory_space<vmem>>[vector<16xi32>, vector<16xi32>], vector<16xf32>,
      %add3A_403 = arith.constant 14 : i32
      %add3A_404 = vector.broadcast %add3A_403 : i32 to vector<16xi32>
      %add3A_405 = arith.addi %mul3A_59, %add3A_404 : vector<16xi32>
      %gather3A_406 = tpu.vector_load_idx %arg15[%add3A_37, %add3A_405] : memref<256x128xf32, #tpu.memory_space<vmem>>[vector<16xi32>, vector<16xi32>], vector<16xf32>,
      %mul3A_407 = arith.mulf %gather3A_398, %gather3A_398 : vector<16xf32>
      %add3A_408 = arith.addf %add3A_384, %mul3A_407 : vector<16xf32>
      %mul3A_409 = arith.mulf %gather3A_402, %gather3A_402 : vector<16xf32>
      %add3A_410 = arith.addf %add3A_386, %mul3A_409 : vector<16xf32>
      %mul3A_411 = arith.mulf %gather3A_406, %gather3A_406 : vector<16xf32>
      %add3A_412 = arith.addf %add3A_388, %mul3A_411 : vector<16xf32>
      %mul3A_413 = arith.mulf %gather3A_398, %gather3A_402 : vector<16xf32>
      %add3A_414 = arith.addf %add3A_390, %mul3A_413 : vector<16xf32>
      %mul3A_415 = arith.mulf %gather3A_398, %gather3A_406 : vector<16xf32>
      %add3A_416 = arith.addf %add3A_392, %mul3A_415 : vector<16xf32>
      %mul3A_417 = arith.mulf %gather3A_402, %gather3A_406 : vector<16xf32>
      %add3A_418 = arith.addf %add3A_394, %mul3A_417 : vector<16xf32>
      %add3A_419 = arith.constant 15 : i32
      %add3A_420 = vector.broadcast %add3A_419 : i32 to vector<16xi32>
      %add3A_421 = arith.addi %mul3A_43, %add3A_420 : vector<16xi32>
      %gather3A_422 = tpu.vector_load_idx %arg14[%add3A_37, %add3A_421] : memref<256x128xf32, #tpu.memory_space<vmem>>[vector<16xi32>, vector<16xi32>], vector<16xf32>,
      %add3A_423 = arith.constant 15 : i32
      %add3A_424 = vector.broadcast %add3A_423 : i32 to vector<16xi32>
      %add3A_425 = arith.addi %mul3A_51, %add3A_424 : vector<16xi32>
      %gather3A_426 = tpu.vector_load_idx %arg16[%add3A_37, %add3A_425] : memref<256x128xf32, #tpu.memory_space<vmem>>[vector<16xi32>, vector<16xi32>], vector<16xf32>,
      %add3A_427 = arith.constant 15 : i32
      %add3A_428 = vector.broadcast %add3A_427 : i32 to vector<16xi32>
      %add3A_429 = arith.addi %mul3A_59, %add3A_428 : vector<16xi32>
      %gather3A_430 = tpu.vector_load_idx %arg15[%add3A_37, %add3A_429] : memref<256x128xf32, #tpu.memory_space<vmem>>[vector<16xi32>, vector<16xi32>], vector<16xf32>,
      %mul3A_431 = arith.mulf %gather3A_422, %gather3A_422 : vector<16xf32>
      %add3A_432 = arith.addf %add3A_408, %mul3A_431 : vector<16xf32>
      %mul3A_433 = arith.mulf %gather3A_426, %gather3A_426 : vector<16xf32>
      %add3A_434 = arith.addf %add3A_410, %mul3A_433 : vector<16xf32>
      %mul3A_435 = arith.mulf %gather3A_430, %gather3A_430 : vector<16xf32>
      %add3A_436 = arith.addf %add3A_412, %mul3A_435 : vector<16xf32>
      %mul3A_437 = arith.mulf %gather3A_422, %gather3A_426 : vector<16xf32>
      %add3A_438 = arith.addf %add3A_414, %mul3A_437 : vector<16xf32>
      %mul3A_439 = arith.mulf %gather3A_422, %gather3A_430 : vector<16xf32>
      %add3A_440 = arith.addf %add3A_416, %mul3A_439 : vector<16xf32>
      %mul3A_441 = arith.mulf %gather3A_426, %gather3A_430 : vector<16xf32>
      %add3A_442 = arith.addf %add3A_418, %mul3A_441 : vector<16xf32>
      %add3A_443 = arith.constant 16 : i32
      %add3A_444 = vector.broadcast %add3A_443 : i32 to vector<16xi32>
      %add3A_445 = arith.addi %mul3A_43, %add3A_444 : vector<16xi32>
      %gather3A_446 = tpu.vector_load_idx %arg14[%add3A_37, %add3A_445] : memref<256x128xf32, #tpu.memory_space<vmem>>[vector<16xi32>, vector<16xi32>], vector<16xf32>,
      %add3A_447 = arith.constant 16 : i32
      %add3A_448 = vector.broadcast %add3A_447 : i32 to vector<16xi32>
      %add3A_449 = arith.addi %mul3A_51, %add3A_448 : vector<16xi32>
      %gather3A_450 = tpu.vector_load_idx %arg16[%add3A_37, %add3A_449] : memref<256x128xf32, #tpu.memory_space<vmem>>[vector<16xi32>, vector<16xi32>], vector<16xf32>,
      %add3A_451 = arith.constant 16 : i32
      %add3A_452 = vector.broadcast %add3A_451 : i32 to vector<16xi32>
      %add3A_453 = arith.addi %mul3A_59, %add3A_452 : vector<16xi32>
      %gather3A_454 = tpu.vector_load_idx %arg15[%add3A_37, %add3A_453] : memref<256x128xf32, #tpu.memory_space<vmem>>[vector<16xi32>, vector<16xi32>], vector<16xf32>,
      %mul3A_455 = arith.mulf %gather3A_446, %gather3A_446 : vector<16xf32>
      %add3A_456 = arith.addf %add3A_432, %mul3A_455 : vector<16xf32>
      %mul3A_457 = arith.mulf %gather3A_450, %gather3A_450 : vector<16xf32>
      %add3A_458 = arith.addf %add3A_434, %mul3A_457 : vector<16xf32>
      %mul3A_459 = arith.mulf %gather3A_454, %gather3A_454 : vector<16xf32>
      %add3A_460 = arith.addf %add3A_436, %mul3A_459 : vector<16xf32>
      %mul3A_461 = arith.mulf %gather3A_446, %gather3A_450 : vector<16xf32>
      %add3A_462 = arith.addf %add3A_438, %mul3A_461 : vector<16xf32>
      %mul3A_463 = arith.mulf %gather3A_446, %gather3A_454 : vector<16xf32>
      %add3A_464 = arith.addf %add3A_440, %mul3A_463 : vector<16xf32>
      %mul3A_465 = arith.mulf %gather3A_450, %gather3A_454 : vector<16xf32>
      %add3A_466 = arith.addf %add3A_442, %mul3A_465 : vector<16xf32>
      %add3A_467 = arith.constant 17 : i32
      %add3A_468 = vector.broadcast %add3A_467 : i32 to vector<16xi32>
      %add3A_469 = arith.addi %mul3A_43, %add3A_468 : vector<16xi32>
      %gather3A_470 = tpu.vector_load_idx %arg14[%add3A_37, %add3A_469] : memref<256x128xf32, #tpu.memory_space<vmem>>[vector<16xi32>, vector<16xi32>], vector<16xf32>,
      %add3A_471 = arith.constant 17 : i32
      %add3A_472 = vector.broadcast %add3A_471 : i32 to vector<16xi32>
      %add3A_473 = arith.addi %mul3A_51, %add3A_472 : vector<16xi32>
      %gather3A_474 = tpu.vector_load_idx %arg16[%add3A_37, %add3A_473] : memref<256x128xf32, #tpu.memory_space<vmem>>[vector<16xi32>, vector<16xi32>], vector<16xf32>,
      %add3A_475 = arith.constant 17 : i32
      %add3A_476 = vector.broadcast %add3A_475 : i32 to vector<16xi32>
      %add3A_477 = arith.addi %mul3A_59, %add3A_476 : vector<16xi32>
      %gather3A_478 = tpu.vector_load_idx %arg15[%add3A_37, %add3A_477] : memref<256x128xf32, #tpu.memory_space<vmem>>[vector<16xi32>, vector<16xi32>], vector<16xf32>,
      %mul3A_479 = arith.mulf %gather3A_470, %gather3A_470 : vector<16xf32>
      %add3A_480 = arith.addf %add3A_456, %mul3A_479 : vector<16xf32>
      %mul3A_481 = arith.mulf %gather3A_474, %gather3A_474 : vector<16xf32>
      %add3A_482 = arith.addf %add3A_458, %mul3A_481 : vector<16xf32>
      %mul3A_483 = arith.mulf %gather3A_478, %gather3A_478 : vector<16xf32>
      %add3A_484 = arith.addf %add3A_460, %mul3A_483 : vector<16xf32>
      %mul3A_485 = arith.mulf %gather3A_470, %gather3A_474 : vector<16xf32>
      %add3A_486 = arith.addf %add3A_462, %mul3A_485 : vector<16xf32>
      %mul3A_487 = arith.mulf %gather3A_470, %gather3A_478 : vector<16xf32>
      %add3A_488 = arith.addf %add3A_464, %mul3A_487 : vector<16xf32>
      %mul3A_489 = arith.mulf %gather3A_474, %gather3A_478 : vector<16xf32>
      %add3A_490 = arith.addf %add3A_466, %mul3A_489 : vector<16xf32>
      %add3A_491 = arith.constant 18 : i32
      %add3A_492 = vector.broadcast %add3A_491 : i32 to vector<16xi32>
      %add3A_493 = arith.addi %mul3A_43, %add3A_492 : vector<16xi32>
      %gather3A_494 = tpu.vector_load_idx %arg14[%add3A_37, %add3A_493] : memref<256x128xf32, #tpu.memory_space<vmem>>[vector<16xi32>, vector<16xi32>], vector<16xf32>,
      %add3A_495 = arith.constant 18 : i32
      %add3A_496 = vector.broadcast %add3A_495 : i32 to vector<16xi32>
      %add3A_497 = arith.addi %mul3A_51, %add3A_496 : vector<16xi32>
      %gather3A_498 = tpu.vector_load_idx %arg16[%add3A_37, %add3A_497] : memref<256x128xf32, #tpu.memory_space<vmem>>[vector<16xi32>, vector<16xi32>], vector<16xf32>,
      %add3A_499 = arith.constant 18 : i32
      %add3A_500 = vector.broadcast %add3A_499 : i32 to vector<16xi32>
      %add3A_501 = arith.addi %mul3A_59, %add3A_500 : vector<16xi32>
      %gather3A_502 = tpu.vector_load_idx %arg15[%add3A_37, %add3A_501] : memref<256x128xf32, #tpu.memory_space<vmem>>[vector<16xi32>, vector<16xi32>], vector<16xf32>,
      %mul3A_503 = arith.mulf %gather3A_494, %gather3A_494 : vector<16xf32>
      %add3A_504 = arith.addf %add3A_480, %mul3A_503 : vector<16xf32>
      %mul3A_505 = arith.mulf %gather3A_498, %gather3A_498 : vector<16xf32>
      %add3A_506 = arith.addf %add3A_482, %mul3A_505 : vector<16xf32>
      %mul3A_507 = arith.mulf %gather3A_502, %gather3A_502 : vector<16xf32>
      %add3A_508 = arith.addf %add3A_484, %mul3A_507 : vector<16xf32>
      %mul3A_509 = arith.mulf %gather3A_494, %gather3A_498 : vector<16xf32>
      %add3A_510 = arith.addf %add3A_486, %mul3A_509 : vector<16xf32>
      %mul3A_511 = arith.mulf %gather3A_494, %gather3A_502 : vector<16xf32>
      %add3A_512 = arith.addf %add3A_488, %mul3A_511 : vector<16xf32>
      %mul3A_513 = arith.mulf %gather3A_498, %gather3A_502 : vector<16xf32>
      %add3A_514 = arith.addf %add3A_490, %mul3A_513 : vector<16xf32>
      %add3A_515 = arith.constant 19 : i32
      %add3A_516 = vector.broadcast %add3A_515 : i32 to vector<16xi32>
      %add3A_517 = arith.addi %mul3A_43, %add3A_516 : vector<16xi32>
      %gather3A_518 = tpu.vector_load_idx %arg14[%add3A_37, %add3A_517] : memref<256x128xf32, #tpu.memory_space<vmem>>[vector<16xi32>, vector<16xi32>], vector<16xf32>,
      %add3A_519 = arith.constant 19 : i32
      %add3A_520 = vector.broadcast %add3A_519 : i32 to vector<16xi32>
      %add3A_521 = arith.addi %mul3A_51, %add3A_520 : vector<16xi32>
      %gather3A_522 = tpu.vector_load_idx %arg16[%add3A_37, %add3A_521] : memref<256x128xf32, #tpu.memory_space<vmem>>[vector<16xi32>, vector<16xi32>], vector<16xf32>,
      %add3A_523 = arith.constant 19 : i32
      %add3A_524 = vector.broadcast %add3A_523 : i32 to vector<16xi32>
      %add3A_525 = arith.addi %mul3A_59, %add3A_524 : vector<16xi32>
      %gather3A_526 = tpu.vector_load_idx %arg15[%add3A_37, %add3A_525] : memref<256x128xf32, #tpu.memory_space<vmem>>[vector<16xi32>, vector<16xi32>], vector<16xf32>,
      %mul3A_527 = arith.mulf %gather3A_518, %gather3A_518 : vector<16xf32>
      %add3A_528 = arith.addf %add3A_504, %mul3A_527 : vector<16xf32>
      %mul3A_529 = arith.mulf %gather3A_522, %gather3A_522 : vector<16xf32>
      %add3A_530 = arith.addf %add3A_506, %mul3A_529 : vector<16xf32>
      %mul3A_531 = arith.mulf %gather3A_526, %gather3A_526 : vector<16xf32>
      %add3A_532 = arith.addf %add3A_508, %mul3A_531 : vector<16xf32>
      %mul3A_533 = arith.mulf %gather3A_518, %gather3A_522 : vector<16xf32>
      %add3A_534 = arith.addf %add3A_510, %mul3A_533 : vector<16xf32>
      %mul3A_535 = arith.mulf %gather3A_518, %gather3A_526 : vector<16xf32>
      %add3A_536 = arith.addf %add3A_512, %mul3A_535 : vector<16xf32>
      %mul3A_537 = arith.mulf %gather3A_522, %gather3A_526 : vector<16xf32>
      %add3A_538 = arith.addf %add3A_514, %mul3A_537 : vector<16xf32>
      %add3A_539 = arith.constant 20 : i32
      %add3A_540 = vector.broadcast %add3A_539 : i32 to vector<16xi32>
      %add3A_541 = arith.addi %mul3A_43, %add3A_540 : vector<16xi32>
      %gather3A_542 = tpu.vector_load_idx %arg14[%add3A_37, %add3A_541] : memref<256x128xf32, #tpu.memory_space<vmem>>[vector<16xi32>, vector<16xi32>], vector<16xf32>,
      %add3A_543 = arith.constant 20 : i32
      %add3A_544 = vector.broadcast %add3A_543 : i32 to vector<16xi32>
      %add3A_545 = arith.addi %mul3A_51, %add3A_544 : vector<16xi32>
      %gather3A_546 = tpu.vector_load_idx %arg16[%add3A_37, %add3A_545] : memref<256x128xf32, #tpu.memory_space<vmem>>[vector<16xi32>, vector<16xi32>], vector<16xf32>,
      %add3A_547 = arith.constant 20 : i32
      %add3A_548 = vector.broadcast %add3A_547 : i32 to vector<16xi32>
      %add3A_549 = arith.addi %mul3A_59, %add3A_548 : vector<16xi32>
      %gather3A_550 = tpu.vector_load_idx %arg15[%add3A_37, %add3A_549] : memref<256x128xf32, #tpu.memory_space<vmem>>[vector<16xi32>, vector<16xi32>], vector<16xf32>,
      %mul3A_551 = arith.mulf %gather3A_542, %gather3A_542 : vector<16xf32>
      %add3A_552 = arith.addf %add3A_528, %mul3A_551 : vector<16xf32>
      %mul3A_553 = arith.mulf %gather3A_546, %gather3A_546 : vector<16xf32>
      %add3A_554 = arith.addf %add3A_530, %mul3A_553 : vector<16xf32>
      %mul3A_555 = arith.mulf %gather3A_550, %gather3A_550 : vector<16xf32>
      %add3A_556 = arith.addf %add3A_532, %mul3A_555 : vector<16xf32>
      %mul3A_557 = arith.mulf %gather3A_542, %gather3A_546 : vector<16xf32>
      %add3A_558 = arith.addf %add3A_534, %mul3A_557 : vector<16xf32>
      %mul3A_559 = arith.mulf %gather3A_542, %gather3A_550 : vector<16xf32>
      %add3A_560 = arith.addf %add3A_536, %mul3A_559 : vector<16xf32>
      %mul3A_561 = arith.mulf %gather3A_546, %gather3A_550 : vector<16xf32>
      %add3A_562 = arith.addf %add3A_538, %mul3A_561 : vector<16xf32>
      %add3A_563 = arith.constant 21 : i32
      %add3A_564 = vector.broadcast %add3A_563 : i32 to vector<16xi32>
      %add3A_565 = arith.addi %mul3A_43, %add3A_564 : vector<16xi32>
      %gather3A_566 = tpu.vector_load_idx %arg14[%add3A_37, %add3A_565] : memref<256x128xf32, #tpu.memory_space<vmem>>[vector<16xi32>, vector<16xi32>], vector<16xf32>,
      %add3A_567 = arith.constant 21 : i32
      %add3A_568 = vector.broadcast %add3A_567 : i32 to vector<16xi32>
      %add3A_569 = arith.addi %mul3A_51, %add3A_568 : vector<16xi32>
      %gather3A_570 = tpu.vector_load_idx %arg16[%add3A_37, %add3A_569] : memref<256x128xf32, #tpu.memory_space<vmem>>[vector<16xi32>, vector<16xi32>], vector<16xf32>,
      %add3A_571 = arith.constant 21 : i32
      %add3A_572 = vector.broadcast %add3A_571 : i32 to vector<16xi32>
      %add3A_573 = arith.addi %mul3A_59, %add3A_572 : vector<16xi32>
      %gather3A_574 = tpu.vector_load_idx %arg15[%add3A_37, %add3A_573] : memref<256x128xf32, #tpu.memory_space<vmem>>[vector<16xi32>, vector<16xi32>], vector<16xf32>,
      %mul3A_575 = arith.mulf %gather3A_566, %gather3A_566 : vector<16xf32>
      %add3A_576 = arith.addf %add3A_552, %mul3A_575 : vector<16xf32>
      %mul3A_577 = arith.mulf %gather3A_570, %gather3A_570 : vector<16xf32>
      %add3A_578 = arith.addf %add3A_554, %mul3A_577 : vector<16xf32>
      %mul3A_579 = arith.mulf %gather3A_574, %gather3A_574 : vector<16xf32>
      %add3A_580 = arith.addf %add3A_556, %mul3A_579 : vector<16xf32>
      %mul3A_581 = arith.mulf %gather3A_566, %gather3A_570 : vector<16xf32>
      %add3A_582 = arith.addf %add3A_558, %mul3A_581 : vector<16xf32>
      %mul3A_583 = arith.mulf %gather3A_566, %gather3A_574 : vector<16xf32>
      %add3A_584 = arith.addf %add3A_560, %mul3A_583 : vector<16xf32>
      %mul3A_585 = arith.mulf %gather3A_570, %gather3A_574 : vector<16xf32>
      %add3A_586 = arith.addf %add3A_562, %mul3A_585 : vector<16xf32>
      %add3A_587 = arith.constant 22 : i32
      %add3A_588 = vector.broadcast %add3A_587 : i32 to vector<16xi32>
      %add3A_589 = arith.addi %mul3A_43, %add3A_588 : vector<16xi32>
      %gather3A_590 = tpu.vector_load_idx %arg14[%add3A_37, %add3A_589] : memref<256x128xf32, #tpu.memory_space<vmem>>[vector<16xi32>, vector<16xi32>], vector<16xf32>,
      %add3A_591 = arith.constant 22 : i32
      %add3A_592 = vector.broadcast %add3A_591 : i32 to vector<16xi32>
      %add3A_593 = arith.addi %mul3A_51, %add3A_592 : vector<16xi32>
      %gather3A_594 = tpu.vector_load_idx %arg16[%add3A_37, %add3A_593] : memref<256x128xf32, #tpu.memory_space<vmem>>[vector<16xi32>, vector<16xi32>], vector<16xf32>,
      %add3A_595 = arith.constant 22 : i32
      %add3A_596 = vector.broadcast %add3A_595 : i32 to vector<16xi32>
      %add3A_597 = arith.addi %mul3A_59, %add3A_596 : vector<16xi32>
      %gather3A_598 = tpu.vector_load_idx %arg15[%add3A_37, %add3A_597] : memref<256x128xf32, #tpu.memory_space<vmem>>[vector<16xi32>, vector<16xi32>], vector<16xf32>,
      %mul3A_599 = arith.mulf %gather3A_590, %gather3A_590 : vector<16xf32>
      %add3A_600 = arith.addf %add3A_576, %mul3A_599 : vector<16xf32>
      %mul3A_601 = arith.mulf %gather3A_594, %gather3A_594 : vector<16xf32>
      %add3A_602 = arith.addf %add3A_578, %mul3A_601 : vector<16xf32>
      %mul3A_603 = arith.mulf %gather3A_598, %gather3A_598 : vector<16xf32>
      %add3A_604 = arith.addf %add3A_580, %mul3A_603 : vector<16xf32>
      %mul3A_605 = arith.mulf %gather3A_590, %gather3A_594 : vector<16xf32>
      %add3A_606 = arith.addf %add3A_582, %mul3A_605 : vector<16xf32>
      %mul3A_607 = arith.mulf %gather3A_590, %gather3A_598 : vector<16xf32>
      %add3A_608 = arith.addf %add3A_584, %mul3A_607 : vector<16xf32>
      %mul3A_609 = arith.mulf %gather3A_594, %gather3A_598 : vector<16xf32>
      %add3A_610 = arith.addf %add3A_586, %mul3A_609 : vector<16xf32>
      %add3A_611 = arith.constant 23 : i32
      %add3A_612 = vector.broadcast %add3A_611 : i32 to vector<16xi32>
      %add3A_613 = arith.addi %mul3A_43, %add3A_612 : vector<16xi32>
      %gather3A_614 = tpu.vector_load_idx %arg14[%add3A_37, %add3A_613] : memref<256x128xf32, #tpu.memory_space<vmem>>[vector<16xi32>, vector<16xi32>], vector<16xf32>,
      %add3A_615 = arith.constant 23 : i32
      %add3A_616 = vector.broadcast %add3A_615 : i32 to vector<16xi32>
      %add3A_617 = arith.addi %mul3A_51, %add3A_616 : vector<16xi32>
      %gather3A_618 = tpu.vector_load_idx %arg16[%add3A_37, %add3A_617] : memref<256x128xf32, #tpu.memory_space<vmem>>[vector<16xi32>, vector<16xi32>], vector<16xf32>,
      %add3A_619 = arith.constant 23 : i32
      %add3A_620 = vector.broadcast %add3A_619 : i32 to vector<16xi32>
      %add3A_621 = arith.addi %mul3A_59, %add3A_620 : vector<16xi32>
      %gather3A_622 = tpu.vector_load_idx %arg15[%add3A_37, %add3A_621] : memref<256x128xf32, #tpu.memory_space<vmem>>[vector<16xi32>, vector<16xi32>], vector<16xf32>,
      %mul3A_623 = arith.mulf %gather3A_614, %gather3A_614 : vector<16xf32>
      %add3A_624 = arith.addf %add3A_600, %mul3A_623 : vector<16xf32>
      %mul3A_625 = arith.mulf %gather3A_618, %gather3A_618 : vector<16xf32>
      %add3A_626 = arith.addf %add3A_602, %mul3A_625 : vector<16xf32>
      %mul3A_627 = arith.mulf %gather3A_622, %gather3A_622 : vector<16xf32>
      %add3A_628 = arith.addf %add3A_604, %mul3A_627 : vector<16xf32>
      %mul3A_629 = arith.mulf %gather3A_614, %gather3A_618 : vector<16xf32>
      %add3A_630 = arith.addf %add3A_606, %mul3A_629 : vector<16xf32>
      %mul3A_631 = arith.mulf %gather3A_614, %gather3A_622 : vector<16xf32>
      %add3A_632 = arith.addf %add3A_608, %mul3A_631 : vector<16xf32>
      %mul3A_633 = arith.mulf %gather3A_618, %gather3A_622 : vector<16xf32>
      %add3A_634 = arith.addf %add3A_610, %mul3A_633 : vector<16xf32>
      %add3A_635 = arith.constant 24 : i32
      %add3A_636 = vector.broadcast %add3A_635 : i32 to vector<16xi32>
      %add3A_637 = arith.addi %mul3A_43, %add3A_636 : vector<16xi32>
      %gather3A_638 = tpu.vector_load_idx %arg14[%add3A_37, %add3A_637] : memref<256x128xf32, #tpu.memory_space<vmem>>[vector<16xi32>, vector<16xi32>], vector<16xf32>,
      %add3A_639 = arith.constant 24 : i32
      %add3A_640 = vector.broadcast %add3A_639 : i32 to vector<16xi32>
      %add3A_641 = arith.addi %mul3A_51, %add3A_640 : vector<16xi32>
      %gather3A_642 = tpu.vector_load_idx %arg16[%add3A_37, %add3A_641] : memref<256x128xf32, #tpu.memory_space<vmem>>[vector<16xi32>, vector<16xi32>], vector<16xf32>,
      %add3A_643 = arith.constant 24 : i32
      %add3A_644 = vector.broadcast %add3A_643 : i32 to vector<16xi32>
      %add3A_645 = arith.addi %mul3A_59, %add3A_644 : vector<16xi32>
      %gather3A_646 = tpu.vector_load_idx %arg15[%add3A_37, %add3A_645] : memref<256x128xf32, #tpu.memory_space<vmem>>[vector<16xi32>, vector<16xi32>], vector<16xf32>,
      %mul3A_647 = arith.mulf %gather3A_638, %gather3A_638 : vector<16xf32>
      %add3A_648 = arith.addf %add3A_624, %mul3A_647 : vector<16xf32>
      %mul3A_649 = arith.mulf %gather3A_642, %gather3A_642 : vector<16xf32>
      %add3A_650 = arith.addf %add3A_626, %mul3A_649 : vector<16xf32>
      %mul3A_651 = arith.mulf %gather3A_646, %gather3A_646 : vector<16xf32>
      %add3A_652 = arith.addf %add3A_628, %mul3A_651 : vector<16xf32>
      %mul3A_653 = arith.mulf %gather3A_638, %gather3A_642 : vector<16xf32>
      %add3A_654 = arith.addf %add3A_630, %mul3A_653 : vector<16xf32>
      %mul3A_655 = arith.mulf %gather3A_638, %gather3A_646 : vector<16xf32>
      %add3A_656 = arith.addf %add3A_632, %mul3A_655 : vector<16xf32>
      %mul3A_657 = arith.mulf %gather3A_642, %gather3A_646 : vector<16xf32>
      %add3A_658 = arith.addf %add3A_634, %mul3A_657 : vector<16xf32>
      %add3A_659 = arith.constant 25 : i32
      %add3A_660 = vector.broadcast %add3A_659 : i32 to vector<16xi32>
      %add3A_661 = arith.addi %mul3A_43, %add3A_660 : vector<16xi32>
      %gather3A_662 = tpu.vector_load_idx %arg14[%add3A_37, %add3A_661] : memref<256x128xf32, #tpu.memory_space<vmem>>[vector<16xi32>, vector<16xi32>], vector<16xf32>,
      %add3A_663 = arith.constant 25 : i32
      %add3A_664 = vector.broadcast %add3A_663 : i32 to vector<16xi32>
      %add3A_665 = arith.addi %mul3A_51, %add3A_664 : vector<16xi32>
      %gather3A_666 = tpu.vector_load_idx %arg16[%add3A_37, %add3A_665] : memref<256x128xf32, #tpu.memory_space<vmem>>[vector<16xi32>, vector<16xi32>], vector<16xf32>,
      %add3A_667 = arith.constant 25 : i32
      %add3A_668 = vector.broadcast %add3A_667 : i32 to vector<16xi32>
      %add3A_669 = arith.addi %mul3A_59, %add3A_668 : vector<16xi32>
      %gather3A_670 = tpu.vector_load_idx %arg15[%add3A_37, %add3A_669] : memref<256x128xf32, #tpu.memory_space<vmem>>[vector<16xi32>, vector<16xi32>], vector<16xf32>,
      %mul3A_671 = arith.mulf %gather3A_662, %gather3A_662 : vector<16xf32>
      %add3A_672 = arith.addf %add3A_648, %mul3A_671 : vector<16xf32>
      %mul3A_673 = arith.mulf %gather3A_666, %gather3A_666 : vector<16xf32>
      %add3A_674 = arith.addf %add3A_650, %mul3A_673 : vector<16xf32>
      %mul3A_675 = arith.mulf %gather3A_670, %gather3A_670 : vector<16xf32>
      %add3A_676 = arith.addf %add3A_652, %mul3A_675 : vector<16xf32>
      %mul3A_677 = arith.mulf %gather3A_662, %gather3A_666 : vector<16xf32>
      %add3A_678 = arith.addf %add3A_654, %mul3A_677 : vector<16xf32>
      %mul3A_679 = arith.mulf %gather3A_662, %gather3A_670 : vector<16xf32>
      %add3A_680 = arith.addf %add3A_656, %mul3A_679 : vector<16xf32>
      %mul3A_681 = arith.mulf %gather3A_666, %gather3A_670 : vector<16xf32>
      %add3A_682 = arith.addf %add3A_658, %mul3A_681 : vector<16xf32>
      %add3A_683 = arith.constant 26 : i32
      %add3A_684 = vector.broadcast %add3A_683 : i32 to vector<16xi32>
      %add3A_685 = arith.addi %mul3A_43, %add3A_684 : vector<16xi32>
      %gather3A_686 = tpu.vector_load_idx %arg14[%add3A_37, %add3A_685] : memref<256x128xf32, #tpu.memory_space<vmem>>[vector<16xi32>, vector<16xi32>], vector<16xf32>,
      %add3A_687 = arith.constant 26 : i32
      %add3A_688 = vector.broadcast %add3A_687 : i32 to vector<16xi32>
      %add3A_689 = arith.addi %mul3A_51, %add3A_688 : vector<16xi32>
      %gather3A_690 = tpu.vector_load_idx %arg16[%add3A_37, %add3A_689] : memref<256x128xf32, #tpu.memory_space<vmem>>[vector<16xi32>, vector<16xi32>], vector<16xf32>,
      %add3A_691 = arith.constant 26 : i32
      %add3A_692 = vector.broadcast %add3A_691 : i32 to vector<16xi32>
      %add3A_693 = arith.addi %mul3A_59, %add3A_692 : vector<16xi32>
      %gather3A_694 = tpu.vector_load_idx %arg15[%add3A_37, %add3A_693] : memref<256x128xf32, #tpu.memory_space<vmem>>[vector<16xi32>, vector<16xi32>], vector<16xf32>,
      %mul3A_695 = arith.mulf %gather3A_686, %gather3A_686 : vector<16xf32>
      %add3A_696 = arith.addf %add3A_672, %mul3A_695 : vector<16xf32>
      %mul3A_697 = arith.mulf %gather3A_690, %gather3A_690 : vector<16xf32>
      %add3A_698 = arith.addf %add3A_674, %mul3A_697 : vector<16xf32>
      %mul3A_699 = arith.mulf %gather3A_694, %gather3A_694 : vector<16xf32>
      %add3A_700 = arith.addf %add3A_676, %mul3A_699 : vector<16xf32>
      %mul3A_701 = arith.mulf %gather3A_686, %gather3A_690 : vector<16xf32>
      %add3A_702 = arith.addf %add3A_678, %mul3A_701 : vector<16xf32>
      %mul3A_703 = arith.mulf %gather3A_686, %gather3A_694 : vector<16xf32>
      %add3A_704 = arith.addf %add3A_680, %mul3A_703 : vector<16xf32>
      %mul3A_705 = arith.mulf %gather3A_690, %gather3A_694 : vector<16xf32>
      %add3A_706 = arith.addf %add3A_682, %mul3A_705 : vector<16xf32>
      %add3A_707 = arith.constant 27 : i32
      %add3A_708 = vector.broadcast %add3A_707 : i32 to vector<16xi32>
      %add3A_709 = arith.addi %mul3A_43, %add3A_708 : vector<16xi32>
      %gather3A_710 = tpu.vector_load_idx %arg14[%add3A_37, %add3A_709] : memref<256x128xf32, #tpu.memory_space<vmem>>[vector<16xi32>, vector<16xi32>], vector<16xf32>,
      %add3A_711 = arith.constant 27 : i32
      %add3A_712 = vector.broadcast %add3A_711 : i32 to vector<16xi32>
      %add3A_713 = arith.addi %mul3A_51, %add3A_712 : vector<16xi32>
      %gather3A_714 = tpu.vector_load_idx %arg16[%add3A_37, %add3A_713] : memref<256x128xf32, #tpu.memory_space<vmem>>[vector<16xi32>, vector<16xi32>], vector<16xf32>,
      %add3A_715 = arith.constant 27 : i32
      %add3A_716 = vector.broadcast %add3A_715 : i32 to vector<16xi32>
      %add3A_717 = arith.addi %mul3A_59, %add3A_716 : vector<16xi32>
      %gather3A_718 = tpu.vector_load_idx %arg15[%add3A_37, %add3A_717] : memref<256x128xf32, #tpu.memory_space<vmem>>[vector<16xi32>, vector<16xi32>], vector<16xf32>,
      %mul3A_719 = arith.mulf %gather3A_710, %gather3A_710 : vector<16xf32>
      %add3A_720 = arith.addf %add3A_696, %mul3A_719 : vector<16xf32>
      %mul3A_721 = arith.mulf %gather3A_714, %gather3A_714 : vector<16xf32>
      %add3A_722 = arith.addf %add3A_698, %mul3A_721 : vector<16xf32>
      %mul3A_723 = arith.mulf %gather3A_718, %gather3A_718 : vector<16xf32>
      %add3A_724 = arith.addf %add3A_700, %mul3A_723 : vector<16xf32>
      %mul3A_725 = arith.mulf %gather3A_710, %gather3A_714 : vector<16xf32>
      %add3A_726 = arith.addf %add3A_702, %mul3A_725 : vector<16xf32>
      %mul3A_727 = arith.mulf %gather3A_710, %gather3A_718 : vector<16xf32>
      %add3A_728 = arith.addf %add3A_704, %mul3A_727 : vector<16xf32>
      %mul3A_729 = arith.mulf %gather3A_714, %gather3A_718 : vector<16xf32>
      %add3A_730 = arith.addf %add3A_706, %mul3A_729 : vector<16xf32>
      %add3A_731 = arith.constant 28 : i32
      %add3A_732 = vector.broadcast %add3A_731 : i32 to vector<16xi32>
      %add3A_733 = arith.addi %mul3A_43, %add3A_732 : vector<16xi32>
      %gather3A_734 = tpu.vector_load_idx %arg14[%add3A_37, %add3A_733] : memref<256x128xf32, #tpu.memory_space<vmem>>[vector<16xi32>, vector<16xi32>], vector<16xf32>,
      %add3A_735 = arith.constant 28 : i32
      %add3A_736 = vector.broadcast %add3A_735 : i32 to vector<16xi32>
      %add3A_737 = arith.addi %mul3A_51, %add3A_736 : vector<16xi32>
      %gather3A_738 = tpu.vector_load_idx %arg16[%add3A_37, %add3A_737] : memref<256x128xf32, #tpu.memory_space<vmem>>[vector<16xi32>, vector<16xi32>], vector<16xf32>,
      %add3A_739 = arith.constant 28 : i32
      %add3A_740 = vector.broadcast %add3A_739 : i32 to vector<16xi32>
      %add3A_741 = arith.addi %mul3A_59, %add3A_740 : vector<16xi32>
      %gather3A_742 = tpu.vector_load_idx %arg15[%add3A_37, %add3A_741] : memref<256x128xf32, #tpu.memory_space<vmem>>[vector<16xi32>, vector<16xi32>], vector<16xf32>,
      %mul3A_743 = arith.mulf %gather3A_734, %gather3A_734 : vector<16xf32>
      %add3A_744 = arith.addf %add3A_720, %mul3A_743 : vector<16xf32>
      %mul3A_745 = arith.mulf %gather3A_738, %gather3A_738 : vector<16xf32>
      %add3A_746 = arith.addf %add3A_722, %mul3A_745 : vector<16xf32>
      %mul3A_747 = arith.mulf %gather3A_742, %gather3A_742 : vector<16xf32>
      %add3A_748 = arith.addf %add3A_724, %mul3A_747 : vector<16xf32>
      %mul3A_749 = arith.mulf %gather3A_734, %gather3A_738 : vector<16xf32>
      %add3A_750 = arith.addf %add3A_726, %mul3A_749 : vector<16xf32>
      %mul3A_751 = arith.mulf %gather3A_734, %gather3A_742 : vector<16xf32>
      %add3A_752 = arith.addf %add3A_728, %mul3A_751 : vector<16xf32>
      %mul3A_753 = arith.mulf %gather3A_738, %gather3A_742 : vector<16xf32>
      %add3A_754 = arith.addf %add3A_730, %mul3A_753 : vector<16xf32>
      %add3A_755 = arith.constant 29 : i32
      %add3A_756 = vector.broadcast %add3A_755 : i32 to vector<16xi32>
      %add3A_757 = arith.addi %mul3A_43, %add3A_756 : vector<16xi32>
      %gather3A_758 = tpu.vector_load_idx %arg14[%add3A_37, %add3A_757] : memref<256x128xf32, #tpu.memory_space<vmem>>[vector<16xi32>, vector<16xi32>], vector<16xf32>,
      %add3A_759 = arith.constant 29 : i32
      %add3A_760 = vector.broadcast %add3A_759 : i32 to vector<16xi32>
      %add3A_761 = arith.addi %mul3A_51, %add3A_760 : vector<16xi32>
      %gather3A_762 = tpu.vector_load_idx %arg16[%add3A_37, %add3A_761] : memref<256x128xf32, #tpu.memory_space<vmem>>[vector<16xi32>, vector<16xi32>], vector<16xf32>,
      %add3A_763 = arith.constant 29 : i32
      %add3A_764 = vector.broadcast %add3A_763 : i32 to vector<16xi32>
      %add3A_765 = arith.addi %mul3A_59, %add3A_764 : vector<16xi32>
      %gather3A_766 = tpu.vector_load_idx %arg15[%add3A_37, %add3A_765] : memref<256x128xf32, #tpu.memory_space<vmem>>[vector<16xi32>, vector<16xi32>], vector<16xf32>,
      %mul3A_767 = arith.mulf %gather3A_758, %gather3A_758 : vector<16xf32>
      %add3A_768 = arith.addf %add3A_744, %mul3A_767 : vector<16xf32>
      %mul3A_769 = arith.mulf %gather3A_762, %gather3A_762 : vector<16xf32>
      %add3A_770 = arith.addf %add3A_746, %mul3A_769 : vector<16xf32>
      %mul3A_771 = arith.mulf %gather3A_766, %gather3A_766 : vector<16xf32>
      %add3A_772 = arith.addf %add3A_748, %mul3A_771 : vector<16xf32>
      %mul3A_773 = arith.mulf %gather3A_758, %gather3A_762 : vector<16xf32>
      %add3A_774 = arith.addf %add3A_750, %mul3A_773 : vector<16xf32>
      %mul3A_775 = arith.mulf %gather3A_758, %gather3A_766 : vector<16xf32>
      %add3A_776 = arith.addf %add3A_752, %mul3A_775 : vector<16xf32>
      %mul3A_777 = arith.mulf %gather3A_762, %gather3A_766 : vector<16xf32>
      %add3A_778 = arith.addf %add3A_754, %mul3A_777 : vector<16xf32>
      %add3A_779 = arith.constant 30 : i32
      %add3A_780 = vector.broadcast %add3A_779 : i32 to vector<16xi32>
      %add3A_781 = arith.addi %mul3A_43, %add3A_780 : vector<16xi32>
      %gather3A_782 = tpu.vector_load_idx %arg14[%add3A_37, %add3A_781] : memref<256x128xf32, #tpu.memory_space<vmem>>[vector<16xi32>, vector<16xi32>], vector<16xf32>,
      %add3A_783 = arith.constant 30 : i32
      %add3A_784 = vector.broadcast %add3A_783 : i32 to vector<16xi32>
      %add3A_785 = arith.addi %mul3A_51, %add3A_784 : vector<16xi32>
      %gather3A_786 = tpu.vector_load_idx %arg16[%add3A_37, %add3A_785] : memref<256x128xf32, #tpu.memory_space<vmem>>[vector<16xi32>, vector<16xi32>], vector<16xf32>,
      %add3A_787 = arith.constant 30 : i32
      %add3A_788 = vector.broadcast %add3A_787 : i32 to vector<16xi32>
      %add3A_789 = arith.addi %mul3A_59, %add3A_788 : vector<16xi32>
      %gather3A_790 = tpu.vector_load_idx %arg15[%add3A_37, %add3A_789] : memref<256x128xf32, #tpu.memory_space<vmem>>[vector<16xi32>, vector<16xi32>], vector<16xf32>,
      %mul3A_791 = arith.mulf %gather3A_782, %gather3A_782 : vector<16xf32>
      %add3A_792 = arith.addf %add3A_768, %mul3A_791 : vector<16xf32>
      %mul3A_793 = arith.mulf %gather3A_786, %gather3A_786 : vector<16xf32>
      %add3A_794 = arith.addf %add3A_770, %mul3A_793 : vector<16xf32>
      %mul3A_795 = arith.mulf %gather3A_790, %gather3A_790 : vector<16xf32>
      %add3A_796 = arith.addf %add3A_772, %mul3A_795 : vector<16xf32>
      %mul3A_797 = arith.mulf %gather3A_782, %gather3A_786 : vector<16xf32>
      %add3A_798 = arith.addf %add3A_774, %mul3A_797 : vector<16xf32>
      %mul3A_799 = arith.mulf %gather3A_782, %gather3A_790 : vector<16xf32>
      %add3A_800 = arith.addf %add3A_776, %mul3A_799 : vector<16xf32>
      %mul3A_801 = arith.mulf %gather3A_786, %gather3A_790 : vector<16xf32>
      %add3A_802 = arith.addf %add3A_778, %mul3A_801 : vector<16xf32>
      %add3A_803 = arith.constant 31 : i32
      %add3A_804 = vector.broadcast %add3A_803 : i32 to vector<16xi32>
      %add3A_805 = arith.addi %mul3A_43, %add3A_804 : vector<16xi32>
      %gather3A_806 = tpu.vector_load_idx %arg14[%add3A_37, %add3A_805] : memref<256x128xf32, #tpu.memory_space<vmem>>[vector<16xi32>, vector<16xi32>], vector<16xf32>,
      %add3A_807 = arith.constant 31 : i32
      %add3A_808 = vector.broadcast %add3A_807 : i32 to vector<16xi32>
      %add3A_809 = arith.addi %mul3A_51, %add3A_808 : vector<16xi32>
      %gather3A_810 = tpu.vector_load_idx %arg16[%add3A_37, %add3A_809] : memref<256x128xf32, #tpu.memory_space<vmem>>[vector<16xi32>, vector<16xi32>], vector<16xf32>,
      %add3A_811 = arith.constant 31 : i32
      %add3A_812 = vector.broadcast %add3A_811 : i32 to vector<16xi32>
      %add3A_813 = arith.addi %mul3A_59, %add3A_812 : vector<16xi32>
      %gather3A_814 = tpu.vector_load_idx %arg15[%add3A_37, %add3A_813] : memref<256x128xf32, #tpu.memory_space<vmem>>[vector<16xi32>, vector<16xi32>], vector<16xf32>,
      %mul3A_815 = arith.mulf %gather3A_806, %gather3A_806 : vector<16xf32>
      %add3A_816 = arith.addf %add3A_792, %mul3A_815 : vector<16xf32>
      %mul3A_817 = arith.mulf %gather3A_810, %gather3A_810 : vector<16xf32>
      %add3A_818 = arith.addf %add3A_794, %mul3A_817 : vector<16xf32>
      %mul3A_819 = arith.mulf %gather3A_814, %gather3A_814 : vector<16xf32>
      %add3A_820 = arith.addf %add3A_796, %mul3A_819 : vector<16xf32>
      %mul3A_821 = arith.mulf %gather3A_806, %gather3A_810 : vector<16xf32>
      %add3A_822 = arith.addf %add3A_798, %mul3A_821 : vector<16xf32>
      %mul3A_823 = arith.mulf %gather3A_806, %gather3A_814 : vector<16xf32>
      %add3A_824 = arith.addf %add3A_800, %mul3A_823 : vector<16xf32>
      %mul3A_825 = arith.mulf %gather3A_810, %gather3A_814 : vector<16xf32>
      %add3A_826 = arith.addf %add3A_802, %mul3A_825 : vector<16xf32>
      %add3A_827 = arith.constant 32 : i32
      %add3A_828 = vector.broadcast %add3A_827 : i32 to vector<16xi32>
      %add3A_829 = arith.addi %mul3A_43, %add3A_828 : vector<16xi32>
      %gather3A_830 = tpu.vector_load_idx %arg14[%add3A_37, %add3A_829] : memref<256x128xf32, #tpu.memory_space<vmem>>[vector<16xi32>, vector<16xi32>], vector<16xf32>,
      %add3A_831 = arith.constant 32 : i32
      %add3A_832 = vector.broadcast %add3A_831 : i32 to vector<16xi32>
      %add3A_833 = arith.addi %mul3A_51, %add3A_832 : vector<16xi32>
      %gather3A_834 = tpu.vector_load_idx %arg16[%add3A_37, %add3A_833] : memref<256x128xf32, #tpu.memory_space<vmem>>[vector<16xi32>, vector<16xi32>], vector<16xf32>,
      %add3A_835 = arith.constant 32 : i32
      %add3A_836 = vector.broadcast %add3A_835 : i32 to vector<16xi32>
      %add3A_837 = arith.addi %mul3A_59, %add3A_836 : vector<16xi32>
      %gather3A_838 = tpu.vector_load_idx %arg15[%add3A_37, %add3A_837] : memref<256x128xf32, #tpu.memory_space<vmem>>[vector<16xi32>, vector<16xi32>], vector<16xf32>,
      %mul3A_839 = arith.mulf %gather3A_830, %gather3A_830 : vector<16xf32>
      %add3A_840 = arith.addf %add3A_816, %mul3A_839 : vector<16xf32>
      %mul3A_841 = arith.mulf %gather3A_834, %gather3A_834 : vector<16xf32>
      %add3A_842 = arith.addf %add3A_818, %mul3A_841 : vector<16xf32>
      %mul3A_843 = arith.mulf %gather3A_838, %gather3A_838 : vector<16xf32>
      %add3A_844 = arith.addf %add3A_820, %mul3A_843 : vector<16xf32>
      %mul3A_845 = arith.mulf %gather3A_830, %gather3A_834 : vector<16xf32>
      %add3A_846 = arith.addf %add3A_822, %mul3A_845 : vector<16xf32>
      %mul3A_847 = arith.mulf %gather3A_830, %gather3A_838 : vector<16xf32>
      %add3A_848 = arith.addf %add3A_824, %mul3A_847 : vector<16xf32>
      %mul3A_849 = arith.mulf %gather3A_834, %gather3A_838 : vector<16xf32>
      %add3A_850 = arith.addf %add3A_826, %mul3A_849 : vector<16xf32>
      %add3A_851 = arith.constant 33 : i32
      %add3A_852 = vector.broadcast %add3A_851 : i32 to vector<16xi32>
      %add3A_853 = arith.addi %mul3A_43, %add3A_852 : vector<16xi32>
      %gather3A_854 = tpu.vector_load_idx %arg14[%add3A_37, %add3A_853] : memref<256x128xf32, #tpu.memory_space<vmem>>[vector<16xi32>, vector<16xi32>], vector<16xf32>,
      %add3A_855 = arith.constant 33 : i32
      %add3A_856 = vector.broadcast %add3A_855 : i32 to vector<16xi32>
      %add3A_857 = arith.addi %mul3A_51, %add3A_856 : vector<16xi32>
      %gather3A_858 = tpu.vector_load_idx %arg16[%add3A_37, %add3A_857] : memref<256x128xf32, #tpu.memory_space<vmem>>[vector<16xi32>, vector<16xi32>], vector<16xf32>,
      %add3A_859 = arith.constant 33 : i32
      %add3A_860 = vector.broadcast %add3A_859 : i32 to vector<16xi32>
      %add3A_861 = arith.addi %mul3A_59, %add3A_860 : vector<16xi32>
      %gather3A_862 = tpu.vector_load_idx %arg15[%add3A_37, %add3A_861] : memref<256x128xf32, #tpu.memory_space<vmem>>[vector<16xi32>, vector<16xi32>], vector<16xf32>,
      %mul3A_863 = arith.mulf %gather3A_854, %gather3A_854 : vector<16xf32>
      %add3A_864 = arith.addf %add3A_840, %mul3A_863 : vector<16xf32>
      %mul3A_865 = arith.mulf %gather3A_858, %gather3A_858 : vector<16xf32>
      %add3A_866 = arith.addf %add3A_842, %mul3A_865 : vector<16xf32>
      %mul3A_867 = arith.mulf %gather3A_862, %gather3A_862 : vector<16xf32>
      %add3A_868 = arith.addf %add3A_844, %mul3A_867 : vector<16xf32>
      %mul3A_869 = arith.mulf %gather3A_854, %gather3A_858 : vector<16xf32>
      %add3A_870 = arith.addf %add3A_846, %mul3A_869 : vector<16xf32>
      %mul3A_871 = arith.mulf %gather3A_854, %gather3A_862 : vector<16xf32>
      %add3A_872 = arith.addf %add3A_848, %mul3A_871 : vector<16xf32>
      %mul3A_873 = arith.mulf %gather3A_858, %gather3A_862 : vector<16xf32>
      %add3A_874 = arith.addf %add3A_850, %mul3A_873 : vector<16xf32>
      %add3A_875 = arith.constant 34 : i32
      %add3A_876 = vector.broadcast %add3A_875 : i32 to vector<16xi32>
      %add3A_877 = arith.addi %mul3A_43, %add3A_876 : vector<16xi32>
      %gather3A_878 = tpu.vector_load_idx %arg14[%add3A_37, %add3A_877] : memref<256x128xf32, #tpu.memory_space<vmem>>[vector<16xi32>, vector<16xi32>], vector<16xf32>,
      %add3A_879 = arith.constant 34 : i32
      %add3A_880 = vector.broadcast %add3A_879 : i32 to vector<16xi32>
      %add3A_881 = arith.addi %mul3A_51, %add3A_880 : vector<16xi32>
      %gather3A_882 = tpu.vector_load_idx %arg16[%add3A_37, %add3A_881] : memref<256x128xf32, #tpu.memory_space<vmem>>[vector<16xi32>, vector<16xi32>], vector<16xf32>,
      %add3A_883 = arith.constant 34 : i32
      %add3A_884 = vector.broadcast %add3A_883 : i32 to vector<16xi32>
      %add3A_885 = arith.addi %mul3A_59, %add3A_884 : vector<16xi32>
      %gather3A_886 = tpu.vector_load_idx %arg15[%add3A_37, %add3A_885] : memref<256x128xf32, #tpu.memory_space<vmem>>[vector<16xi32>, vector<16xi32>], vector<16xf32>,
      %mul3A_887 = arith.mulf %gather3A_878, %gather3A_878 : vector<16xf32>
      %add3A_888 = arith.addf %add3A_864, %mul3A_887 : vector<16xf32>
      %mul3A_889 = arith.mulf %gather3A_882, %gather3A_882 : vector<16xf32>
      %add3A_890 = arith.addf %add3A_866, %mul3A_889 : vector<16xf32>
      %mul3A_891 = arith.mulf %gather3A_886, %gather3A_886 : vector<16xf32>
      %add3A_892 = arith.addf %add3A_868, %mul3A_891 : vector<16xf32>
      %mul3A_893 = arith.mulf %gather3A_878, %gather3A_882 : vector<16xf32>
      %add3A_894 = arith.addf %add3A_870, %mul3A_893 : vector<16xf32>
      %mul3A_895 = arith.mulf %gather3A_878, %gather3A_886 : vector<16xf32>
      %add3A_896 = arith.addf %add3A_872, %mul3A_895 : vector<16xf32>
      %mul3A_897 = arith.mulf %gather3A_882, %gather3A_886 : vector<16xf32>
      %add3A_898 = arith.addf %add3A_874, %mul3A_897 : vector<16xf32>
      %add3A_899 = arith.constant 35 : i32
      %add3A_900 = vector.broadcast %add3A_899 : i32 to vector<16xi32>
      %add3A_901 = arith.addi %mul3A_43, %add3A_900 : vector<16xi32>
      %gather3A_902 = tpu.vector_load_idx %arg14[%add3A_37, %add3A_901] : memref<256x128xf32, #tpu.memory_space<vmem>>[vector<16xi32>, vector<16xi32>], vector<16xf32>,
      %add3A_903 = arith.constant 35 : i32
      %add3A_904 = vector.broadcast %add3A_903 : i32 to vector<16xi32>
      %add3A_905 = arith.addi %mul3A_51, %add3A_904 : vector<16xi32>
      %gather3A_906 = tpu.vector_load_idx %arg16[%add3A_37, %add3A_905] : memref<256x128xf32, #tpu.memory_space<vmem>>[vector<16xi32>, vector<16xi32>], vector<16xf32>,
      %add3A_907 = arith.constant 35 : i32
      %add3A_908 = vector.broadcast %add3A_907 : i32 to vector<16xi32>
      %add3A_909 = arith.addi %mul3A_59, %add3A_908 : vector<16xi32>
      %gather3A_910 = tpu.vector_load_idx %arg15[%add3A_37, %add3A_909] : memref<256x128xf32, #tpu.memory_space<vmem>>[vector<16xi32>, vector<16xi32>], vector<16xf32>,
      %mul3A_911 = arith.mulf %gather3A_902, %gather3A_902 : vector<16xf32>
      %add3A_912 = arith.addf %add3A_888, %mul3A_911 : vector<16xf32>
      %mul3A_913 = arith.mulf %gather3A_906, %gather3A_906 : vector<16xf32>
      %add3A_914 = arith.addf %add3A_890, %mul3A_913 : vector<16xf32>
      %mul3A_915 = arith.mulf %gather3A_910, %gather3A_910 : vector<16xf32>
      %add3A_916 = arith.addf %add3A_892, %mul3A_915 : vector<16xf32>
      %mul3A_917 = arith.mulf %gather3A_902, %gather3A_906 : vector<16xf32>
      %add3A_918 = arith.addf %add3A_894, %mul3A_917 : vector<16xf32>
      %mul3A_919 = arith.mulf %gather3A_902, %gather3A_910 : vector<16xf32>
      %add3A_920 = arith.addf %add3A_896, %mul3A_919 : vector<16xf32>
      %mul3A_921 = arith.mulf %gather3A_906, %gather3A_910 : vector<16xf32>
      %add3A_922 = arith.addf %add3A_898, %mul3A_921 : vector<16xf32>
      %add3A_923 = arith.constant 36 : i32
      %add3A_924 = vector.broadcast %add3A_923 : i32 to vector<16xi32>
      %add3A_925 = arith.addi %mul3A_43, %add3A_924 : vector<16xi32>
      %gather3A_926 = tpu.vector_load_idx %arg14[%add3A_37, %add3A_925] : memref<256x128xf32, #tpu.memory_space<vmem>>[vector<16xi32>, vector<16xi32>], vector<16xf32>,
      %add3A_927 = arith.constant 36 : i32
      %add3A_928 = vector.broadcast %add3A_927 : i32 to vector<16xi32>
      %add3A_929 = arith.addi %mul3A_51, %add3A_928 : vector<16xi32>
      %gather3A_930 = tpu.vector_load_idx %arg16[%add3A_37, %add3A_929] : memref<256x128xf32, #tpu.memory_space<vmem>>[vector<16xi32>, vector<16xi32>], vector<16xf32>,
      %add3A_931 = arith.constant 36 : i32
      %add3A_932 = vector.broadcast %add3A_931 : i32 to vector<16xi32>
      %add3A_933 = arith.addi %mul3A_59, %add3A_932 : vector<16xi32>
      %gather3A_934 = tpu.vector_load_idx %arg15[%add3A_37, %add3A_933] : memref<256x128xf32, #tpu.memory_space<vmem>>[vector<16xi32>, vector<16xi32>], vector<16xf32>,
      %mul3A_935 = arith.mulf %gather3A_926, %gather3A_926 : vector<16xf32>
      %add3A_936 = arith.addf %add3A_912, %mul3A_935 : vector<16xf32>
      %mul3A_937 = arith.mulf %gather3A_930, %gather3A_930 : vector<16xf32>
      %add3A_938 = arith.addf %add3A_914, %mul3A_937 : vector<16xf32>
      %mul3A_939 = arith.mulf %gather3A_934, %gather3A_934 : vector<16xf32>
      %add3A_940 = arith.addf %add3A_916, %mul3A_939 : vector<16xf32>
      %mul3A_941 = arith.mulf %gather3A_926, %gather3A_930 : vector<16xf32>
      %add3A_942 = arith.addf %add3A_918, %mul3A_941 : vector<16xf32>
      %mul3A_943 = arith.mulf %gather3A_926, %gather3A_934 : vector<16xf32>
      %add3A_944 = arith.addf %add3A_920, %mul3A_943 : vector<16xf32>
      %mul3A_945 = arith.mulf %gather3A_930, %gather3A_934 : vector<16xf32>
      %add3A_946 = arith.addf %add3A_922, %mul3A_945 : vector<16xf32>
      %add3A_947 = arith.constant 37 : i32
      %add3A_948 = vector.broadcast %add3A_947 : i32 to vector<16xi32>
      %add3A_949 = arith.addi %mul3A_43, %add3A_948 : vector<16xi32>
      %gather3A_950 = tpu.vector_load_idx %arg14[%add3A_37, %add3A_949] : memref<256x128xf32, #tpu.memory_space<vmem>>[vector<16xi32>, vector<16xi32>], vector<16xf32>,
      %add3A_951 = arith.constant 37 : i32
      %add3A_952 = vector.broadcast %add3A_951 : i32 to vector<16xi32>
      %add3A_953 = arith.addi %mul3A_51, %add3A_952 : vector<16xi32>
      %gather3A_954 = tpu.vector_load_idx %arg16[%add3A_37, %add3A_953] : memref<256x128xf32, #tpu.memory_space<vmem>>[vector<16xi32>, vector<16xi32>], vector<16xf32>,
      %add3A_955 = arith.constant 37 : i32
      %add3A_956 = vector.broadcast %add3A_955 : i32 to vector<16xi32>
      %add3A_957 = arith.addi %mul3A_59, %add3A_956 : vector<16xi32>
      %gather3A_958 = tpu.vector_load_idx %arg15[%add3A_37, %add3A_957] : memref<256x128xf32, #tpu.memory_space<vmem>>[vector<16xi32>, vector<16xi32>], vector<16xf32>,
      %mul3A_959 = arith.mulf %gather3A_950, %gather3A_950 : vector<16xf32>
      %add3A_960 = arith.addf %add3A_936, %mul3A_959 : vector<16xf32>
      %mul3A_961 = arith.mulf %gather3A_954, %gather3A_954 : vector<16xf32>
      %add3A_962 = arith.addf %add3A_938, %mul3A_961 : vector<16xf32>
      %mul3A_963 = arith.mulf %gather3A_958, %gather3A_958 : vector<16xf32>
      %add3A_964 = arith.addf %add3A_940, %mul3A_963 : vector<16xf32>
      %mul3A_965 = arith.mulf %gather3A_950, %gather3A_954 : vector<16xf32>
      %add3A_966 = arith.addf %add3A_942, %mul3A_965 : vector<16xf32>
      %mul3A_967 = arith.mulf %gather3A_950, %gather3A_958 : vector<16xf32>
      %add3A_968 = arith.addf %add3A_944, %mul3A_967 : vector<16xf32>
      %mul3A_969 = arith.mulf %gather3A_954, %gather3A_958 : vector<16xf32>
      %add3A_970 = arith.addf %add3A_946, %mul3A_969 : vector<16xf32>
      %add3A_971 = arith.constant 38 : i32
      %add3A_972 = vector.broadcast %add3A_971 : i32 to vector<16xi32>
      %add3A_973 = arith.addi %mul3A_43, %add3A_972 : vector<16xi32>
      %gather3A_974 = tpu.vector_load_idx %arg14[%add3A_37, %add3A_973] : memref<256x128xf32, #tpu.memory_space<vmem>>[vector<16xi32>, vector<16xi32>], vector<16xf32>,
      %add3A_975 = arith.constant 38 : i32
      %add3A_976 = vector.broadcast %add3A_975 : i32 to vector<16xi32>
      %add3A_977 = arith.addi %mul3A_51, %add3A_976 : vector<16xi32>
      %gather3A_978 = tpu.vector_load_idx %arg16[%add3A_37, %add3A_977] : memref<256x128xf32, #tpu.memory_space<vmem>>[vector<16xi32>, vector<16xi32>], vector<16xf32>,
      %add3A_979 = arith.constant 38 : i32
      %add3A_980 = vector.broadcast %add3A_979 : i32 to vector<16xi32>
      %add3A_981 = arith.addi %mul3A_59, %add3A_980 : vector<16xi32>
      %gather3A_982 = tpu.vector_load_idx %arg15[%add3A_37, %add3A_981] : memref<256x128xf32, #tpu.memory_space<vmem>>[vector<16xi32>, vector<16xi32>], vector<16xf32>,
      %mul3A_983 = arith.mulf %gather3A_974, %gather3A_974 : vector<16xf32>
      %add3A_984 = arith.addf %add3A_960, %mul3A_983 : vector<16xf32>
      %mul3A_985 = arith.mulf %gather3A_978, %gather3A_978 : vector<16xf32>
      %add3A_986 = arith.addf %add3A_962, %mul3A_985 : vector<16xf32>
      %mul3A_987 = arith.mulf %gather3A_982, %gather3A_982 : vector<16xf32>
      %add3A_988 = arith.addf %add3A_964, %mul3A_987 : vector<16xf32>
      %mul3A_989 = arith.mulf %gather3A_974, %gather3A_978 : vector<16xf32>
      %add3A_990 = arith.addf %add3A_966, %mul3A_989 : vector<16xf32>
      %mul3A_991 = arith.mulf %gather3A_974, %gather3A_982 : vector<16xf32>
      %add3A_992 = arith.addf %add3A_968, %mul3A_991 : vector<16xf32>
      %mul3A_993 = arith.mulf %gather3A_978, %gather3A_982 : vector<16xf32>
      %add3A_994 = arith.addf %add3A_970, %mul3A_993 : vector<16xf32>
      %add3A_995 = arith.constant 39 : i32
      %add3A_996 = vector.broadcast %add3A_995 : i32 to vector<16xi32>
      %add3A_997 = arith.addi %mul3A_43, %add3A_996 : vector<16xi32>
      %gather3A_998 = tpu.vector_load_idx %arg14[%add3A_37, %add3A_997] : memref<256x128xf32, #tpu.memory_space<vmem>>[vector<16xi32>, vector<16xi32>], vector<16xf32>,
      %add3A_999 = arith.constant 39 : i32
      %add3A_1000 = vector.broadcast %add3A_999 : i32 to vector<16xi32>
      %add3A_1001 = arith.addi %mul3A_51, %add3A_1000 : vector<16xi32>
      %gather3A_1002 = tpu.vector_load_idx %arg16[%add3A_37, %add3A_1001] : memref<256x128xf32, #tpu.memory_space<vmem>>[vector<16xi32>, vector<16xi32>], vector<16xf32>,
      %add3A_1003 = arith.constant 39 : i32
      %add3A_1004 = vector.broadcast %add3A_1003 : i32 to vector<16xi32>
      %add3A_1005 = arith.addi %mul3A_59, %add3A_1004 : vector<16xi32>
      %gather3A_1006 = tpu.vector_load_idx %arg15[%add3A_37, %add3A_1005] : memref<256x128xf32, #tpu.memory_space<vmem>>[vector<16xi32>, vector<16xi32>], vector<16xf32>,
      %mul3A_1007 = arith.mulf %gather3A_998, %gather3A_998 : vector<16xf32>
      %add3A_1008 = arith.addf %add3A_984, %mul3A_1007 : vector<16xf32>
      %mul3A_1009 = arith.mulf %gather3A_1002, %gather3A_1002 : vector<16xf32>
      %add3A_1010 = arith.addf %add3A_986, %mul3A_1009 : vector<16xf32>
      %mul3A_1011 = arith.mulf %gather3A_1006, %gather3A_1006 : vector<16xf32>
      %add3A_1012 = arith.addf %add3A_988, %mul3A_1011 : vector<16xf32>
      %mul3A_1013 = arith.mulf %gather3A_998, %gather3A_1002 : vector<16xf32>
      %add3A_1014 = arith.addf %add3A_990, %mul3A_1013 : vector<16xf32>
      %mul3A_1015 = arith.mulf %gather3A_998, %gather3A_1006 : vector<16xf32>
      %add3A_1016 = arith.addf %add3A_992, %mul3A_1015 : vector<16xf32>
      %mul3A_1017 = arith.mulf %gather3A_1002, %gather3A_1006 : vector<16xf32>
      %add3A_1018 = arith.addf %add3A_994, %mul3A_1017 : vector<16xf32>
      %add3A_1019 = arith.constant 40 : i32
      %add3A_1020 = vector.broadcast %add3A_1019 : i32 to vector<16xi32>
      %add3A_1021 = arith.addi %mul3A_43, %add3A_1020 : vector<16xi32>
      %gather3A_1022 = tpu.vector_load_idx %arg14[%add3A_37, %add3A_1021] : memref<256x128xf32, #tpu.memory_space<vmem>>[vector<16xi32>, vector<16xi32>], vector<16xf32>,
      %add3A_1023 = arith.constant 40 : i32
      %add3A_1024 = vector.broadcast %add3A_1023 : i32 to vector<16xi32>
      %add3A_1025 = arith.addi %mul3A_51, %add3A_1024 : vector<16xi32>
      %gather3A_1026 = tpu.vector_load_idx %arg16[%add3A_37, %add3A_1025] : memref<256x128xf32, #tpu.memory_space<vmem>>[vector<16xi32>, vector<16xi32>], vector<16xf32>,
      %add3A_1027 = arith.constant 40 : i32
      %add3A_1028 = vector.broadcast %add3A_1027 : i32 to vector<16xi32>
      %add3A_1029 = arith.addi %mul3A_59, %add3A_1028 : vector<16xi32>
      %gather3A_1030 = tpu.vector_load_idx %arg15[%add3A_37, %add3A_1029] : memref<256x128xf32, #tpu.memory_space<vmem>>[vector<16xi32>, vector<16xi32>], vector<16xf32>,
      %mul3A_1031 = arith.mulf %gather3A_1022, %gather3A_1022 : vector<16xf32>
      %add3A_1032 = arith.addf %add3A_1008, %mul3A_1031 : vector<16xf32>
      %mul3A_1033 = arith.mulf %gather3A_1026, %gather3A_1026 : vector<16xf32>
      %add3A_1034 = arith.addf %add3A_1010, %mul3A_1033 : vector<16xf32>
      %mul3A_1035 = arith.mulf %gather3A_1030, %gather3A_1030 : vector<16xf32>
      %add3A_1036 = arith.addf %add3A_1012, %mul3A_1035 : vector<16xf32>
      %mul3A_1037 = arith.mulf %gather3A_1022, %gather3A_1026 : vector<16xf32>
      %add3A_1038 = arith.addf %add3A_1014, %mul3A_1037 : vector<16xf32>
      %mul3A_1039 = arith.mulf %gather3A_1022, %gather3A_1030 : vector<16xf32>
      %add3A_1040 = arith.addf %add3A_1016, %mul3A_1039 : vector<16xf32>
      %mul3A_1041 = arith.mulf %gather3A_1026, %gather3A_1030 : vector<16xf32>
      %add3A_1042 = arith.addf %add3A_1018, %mul3A_1041 : vector<16xf32>
      %add3A_1043 = arith.constant 41 : i32
      %add3A_1044 = vector.broadcast %add3A_1043 : i32 to vector<16xi32>
      %add3A_1045 = arith.addi %mul3A_43, %add3A_1044 : vector<16xi32>
      %gather3A_1046 = tpu.vector_load_idx %arg14[%add3A_37, %add3A_1045] : memref<256x128xf32, #tpu.memory_space<vmem>>[vector<16xi32>, vector<16xi32>], vector<16xf32>,
      %add3A_1047 = arith.constant 41 : i32
      %add3A_1048 = vector.broadcast %add3A_1047 : i32 to vector<16xi32>
      %add3A_1049 = arith.addi %mul3A_51, %add3A_1048 : vector<16xi32>
      %gather3A_1050 = tpu.vector_load_idx %arg16[%add3A_37, %add3A_1049] : memref<256x128xf32, #tpu.memory_space<vmem>>[vector<16xi32>, vector<16xi32>], vector<16xf32>,
      %add3A_1051 = arith.constant 41 : i32
      %add3A_1052 = vector.broadcast %add3A_1051 : i32 to vector<16xi32>
      %add3A_1053 = arith.addi %mul3A_59, %add3A_1052 : vector<16xi32>
      %gather3A_1054 = tpu.vector_load_idx %arg15[%add3A_37, %add3A_1053] : memref<256x128xf32, #tpu.memory_space<vmem>>[vector<16xi32>, vector<16xi32>], vector<16xf32>,
      %mul3A_1055 = arith.mulf %gather3A_1046, %gather3A_1046 : vector<16xf32>
      %add3A_1056 = arith.addf %add3A_1032, %mul3A_1055 : vector<16xf32>
      %mul3A_1057 = arith.mulf %gather3A_1050, %gather3A_1050 : vector<16xf32>
      %add3A_1058 = arith.addf %add3A_1034, %mul3A_1057 : vector<16xf32>
      %mul3A_1059 = arith.mulf %gather3A_1054, %gather3A_1054 : vector<16xf32>
      %add3A_1060 = arith.addf %add3A_1036, %mul3A_1059 : vector<16xf32>
      %mul3A_1061 = arith.mulf %gather3A_1046, %gather3A_1050 : vector<16xf32>
      %add3A_1062 = arith.addf %add3A_1038, %mul3A_1061 : vector<16xf32>
      %mul3A_1063 = arith.mulf %gather3A_1046, %gather3A_1054 : vector<16xf32>
      %add3A_1064 = arith.addf %add3A_1040, %mul3A_1063 : vector<16xf32>
      %mul3A_1065 = arith.mulf %gather3A_1050, %gather3A_1054 : vector<16xf32>
      %add3A_1066 = arith.addf %add3A_1042, %mul3A_1065 : vector<16xf32>
      %add3A_1067 = arith.constant 42 : i32
      %add3A_1068 = vector.broadcast %add3A_1067 : i32 to vector<16xi32>
      %add3A_1069 = arith.addi %mul3A_43, %add3A_1068 : vector<16xi32>
      %gather3A_1070 = tpu.vector_load_idx %arg14[%add3A_37, %add3A_1069] : memref<256x128xf32, #tpu.memory_space<vmem>>[vector<16xi32>, vector<16xi32>], vector<16xf32>,
      %add3A_1071 = arith.constant 42 : i32
      %add3A_1072 = vector.broadcast %add3A_1071 : i32 to vector<16xi32>
      %add3A_1073 = arith.addi %mul3A_51, %add3A_1072 : vector<16xi32>
      %gather3A_1074 = tpu.vector_load_idx %arg16[%add3A_37, %add3A_1073] : memref<256x128xf32, #tpu.memory_space<vmem>>[vector<16xi32>, vector<16xi32>], vector<16xf32>,
      %add3A_1075 = arith.constant 42 : i32
      %add3A_1076 = vector.broadcast %add3A_1075 : i32 to vector<16xi32>
      %add3A_1077 = arith.addi %mul3A_59, %add3A_1076 : vector<16xi32>
      %gather3A_1078 = tpu.vector_load_idx %arg15[%add3A_37, %add3A_1077] : memref<256x128xf32, #tpu.memory_space<vmem>>[vector<16xi32>, vector<16xi32>], vector<16xf32>,
      %mul3A_1079 = arith.mulf %gather3A_1070, %gather3A_1070 : vector<16xf32>
      %add3A_1080 = arith.addf %add3A_1056, %mul3A_1079 : vector<16xf32>
      %mul3A_1081 = arith.mulf %gather3A_1074, %gather3A_1074 : vector<16xf32>
      %add3A_1082 = arith.addf %add3A_1058, %mul3A_1081 : vector<16xf32>
      %mul3A_1083 = arith.mulf %gather3A_1078, %gather3A_1078 : vector<16xf32>
      %add3A_1084 = arith.addf %add3A_1060, %mul3A_1083 : vector<16xf32>
      %mul3A_1085 = arith.mulf %gather3A_1070, %gather3A_1074 : vector<16xf32>
      %add3A_1086 = arith.addf %add3A_1062, %mul3A_1085 : vector<16xf32>
      %mul3A_1087 = arith.mulf %gather3A_1070, %gather3A_1078 : vector<16xf32>
      %add3A_1088 = arith.addf %add3A_1064, %mul3A_1087 : vector<16xf32>
      %mul3A_1089 = arith.mulf %gather3A_1074, %gather3A_1078 : vector<16xf32>
      %add3A_1090 = arith.addf %add3A_1066, %mul3A_1089 : vector<16xf32>
      %add3A_1091 = arith.constant 43 : i32
      %add3A_1092 = vector.broadcast %add3A_1091 : i32 to vector<16xi32>
      %add3A_1093 = arith.addi %mul3A_43, %add3A_1092 : vector<16xi32>
      %gather3A_1094 = tpu.vector_load_idx %arg14[%add3A_37, %add3A_1093] : memref<256x128xf32, #tpu.memory_space<vmem>>[vector<16xi32>, vector<16xi32>], vector<16xf32>,
      %add3A_1095 = arith.constant 43 : i32
      %add3A_1096 = vector.broadcast %add3A_1095 : i32 to vector<16xi32>
      %add3A_1097 = arith.addi %mul3A_51, %add3A_1096 : vector<16xi32>
      %gather3A_1098 = tpu.vector_load_idx %arg16[%add3A_37, %add3A_1097] : memref<256x128xf32, #tpu.memory_space<vmem>>[vector<16xi32>, vector<16xi32>], vector<16xf32>,
      %add3A_1099 = arith.constant 43 : i32
      %add3A_1100 = vector.broadcast %add3A_1099 : i32 to vector<16xi32>
      %add3A_1101 = arith.addi %mul3A_59, %add3A_1100 : vector<16xi32>
      %gather3A_1102 = tpu.vector_load_idx %arg15[%add3A_37, %add3A_1101] : memref<256x128xf32, #tpu.memory_space<vmem>>[vector<16xi32>, vector<16xi32>], vector<16xf32>,
      %mul3A_1103 = arith.mulf %gather3A_1094, %gather3A_1094 : vector<16xf32>
      %add3A_1104 = arith.addf %add3A_1080, %mul3A_1103 : vector<16xf32>
      %mul3A_1105 = arith.mulf %gather3A_1098, %gather3A_1098 : vector<16xf32>
      %add3A_1106 = arith.addf %add3A_1082, %mul3A_1105 : vector<16xf32>
      %mul3A_1107 = arith.mulf %gather3A_1102, %gather3A_1102 : vector<16xf32>
      %add3A_1108 = arith.addf %add3A_1084, %mul3A_1107 : vector<16xf32>
      %mul3A_1109 = arith.mulf %gather3A_1094, %gather3A_1098 : vector<16xf32>
      %add3A_1110 = arith.addf %add3A_1086, %mul3A_1109 : vector<16xf32>
      %mul3A_1111 = arith.mulf %gather3A_1094, %gather3A_1102 : vector<16xf32>
      %add3A_1112 = arith.addf %add3A_1088, %mul3A_1111 : vector<16xf32>
      %mul3A_1113 = arith.mulf %gather3A_1098, %gather3A_1102 : vector<16xf32>
      %add3A_1114 = arith.addf %add3A_1090, %mul3A_1113 : vector<16xf32>
      %add3A_1115 = arith.constant 44 : i32
      %add3A_1116 = vector.broadcast %add3A_1115 : i32 to vector<16xi32>
      %add3A_1117 = arith.addi %mul3A_43, %add3A_1116 : vector<16xi32>
      %gather3A_1118 = tpu.vector_load_idx %arg14[%add3A_37, %add3A_1117] : memref<256x128xf32, #tpu.memory_space<vmem>>[vector<16xi32>, vector<16xi32>], vector<16xf32>,
      %add3A_1119 = arith.constant 44 : i32
      %add3A_1120 = vector.broadcast %add3A_1119 : i32 to vector<16xi32>
      %add3A_1121 = arith.addi %mul3A_51, %add3A_1120 : vector<16xi32>
      %gather3A_1122 = tpu.vector_load_idx %arg16[%add3A_37, %add3A_1121] : memref<256x128xf32, #tpu.memory_space<vmem>>[vector<16xi32>, vector<16xi32>], vector<16xf32>,
      %add3A_1123 = arith.constant 44 : i32
      %add3A_1124 = vector.broadcast %add3A_1123 : i32 to vector<16xi32>
      %add3A_1125 = arith.addi %mul3A_59, %add3A_1124 : vector<16xi32>
      %gather3A_1126 = tpu.vector_load_idx %arg15[%add3A_37, %add3A_1125] : memref<256x128xf32, #tpu.memory_space<vmem>>[vector<16xi32>, vector<16xi32>], vector<16xf32>,
      %mul3A_1127 = arith.mulf %gather3A_1118, %gather3A_1118 : vector<16xf32>
      %add3A_1128 = arith.addf %add3A_1104, %mul3A_1127 : vector<16xf32>
      %mul3A_1129 = arith.mulf %gather3A_1122, %gather3A_1122 : vector<16xf32>
      %add3A_1130 = arith.addf %add3A_1106, %mul3A_1129 : vector<16xf32>
      %mul3A_1131 = arith.mulf %gather3A_1126, %gather3A_1126 : vector<16xf32>
      %add3A_1132 = arith.addf %add3A_1108, %mul3A_1131 : vector<16xf32>
      %mul3A_1133 = arith.mulf %gather3A_1118, %gather3A_1122 : vector<16xf32>
      %add3A_1134 = arith.addf %add3A_1110, %mul3A_1133 : vector<16xf32>
      %mul3A_1135 = arith.mulf %gather3A_1118, %gather3A_1126 : vector<16xf32>
      %add3A_1136 = arith.addf %add3A_1112, %mul3A_1135 : vector<16xf32>
      %mul3A_1137 = arith.mulf %gather3A_1122, %gather3A_1126 : vector<16xf32>
      %add3A_1138 = arith.addf %add3A_1114, %mul3A_1137 : vector<16xf32>
      %add3A_1139 = arith.constant 45 : i32
      %add3A_1140 = vector.broadcast %add3A_1139 : i32 to vector<16xi32>
      %add3A_1141 = arith.addi %mul3A_43, %add3A_1140 : vector<16xi32>
      %gather3A_1142 = tpu.vector_load_idx %arg14[%add3A_37, %add3A_1141] : memref<256x128xf32, #tpu.memory_space<vmem>>[vector<16xi32>, vector<16xi32>], vector<16xf32>,
      %add3A_1143 = arith.constant 45 : i32
      %add3A_1144 = vector.broadcast %add3A_1143 : i32 to vector<16xi32>
      %add3A_1145 = arith.addi %mul3A_51, %add3A_1144 : vector<16xi32>
      %gather3A_1146 = tpu.vector_load_idx %arg16[%add3A_37, %add3A_1145] : memref<256x128xf32, #tpu.memory_space<vmem>>[vector<16xi32>, vector<16xi32>], vector<16xf32>,
      %add3A_1147 = arith.constant 45 : i32
      %add3A_1148 = vector.broadcast %add3A_1147 : i32 to vector<16xi32>
      %add3A_1149 = arith.addi %mul3A_59, %add3A_1148 : vector<16xi32>
      %gather3A_1150 = tpu.vector_load_idx %arg15[%add3A_37, %add3A_1149] : memref<256x128xf32, #tpu.memory_space<vmem>>[vector<16xi32>, vector<16xi32>], vector<16xf32>,
      %mul3A_1151 = arith.mulf %gather3A_1142, %gather3A_1142 : vector<16xf32>
      %add3A_1152 = arith.addf %add3A_1128, %mul3A_1151 : vector<16xf32>
      %mul3A_1153 = arith.mulf %gather3A_1146, %gather3A_1146 : vector<16xf32>
      %add3A_1154 = arith.addf %add3A_1130, %mul3A_1153 : vector<16xf32>
      %mul3A_1155 = arith.mulf %gather3A_1150, %gather3A_1150 : vector<16xf32>
      %add3A_1156 = arith.addf %add3A_1132, %mul3A_1155 : vector<16xf32>
      %mul3A_1157 = arith.mulf %gather3A_1142, %gather3A_1146 : vector<16xf32>
      %add3A_1158 = arith.addf %add3A_1134, %mul3A_1157 : vector<16xf32>
      %mul3A_1159 = arith.mulf %gather3A_1142, %gather3A_1150 : vector<16xf32>
      %add3A_1160 = arith.addf %add3A_1136, %mul3A_1159 : vector<16xf32>
      %mul3A_1161 = arith.mulf %gather3A_1146, %gather3A_1150 : vector<16xf32>
      %add3A_1162 = arith.addf %add3A_1138, %mul3A_1161 : vector<16xf32>
      %add3A_1163 = arith.constant 46 : i32
      %add3A_1164 = vector.broadcast %add3A_1163 : i32 to vector<16xi32>
      %add3A_1165 = arith.addi %mul3A_43, %add3A_1164 : vector<16xi32>
      %gather3A_1166 = tpu.vector_load_idx %arg14[%add3A_37, %add3A_1165] : memref<256x128xf32, #tpu.memory_space<vmem>>[vector<16xi32>, vector<16xi32>], vector<16xf32>,
      %add3A_1167 = arith.constant 46 : i32
      %add3A_1168 = vector.broadcast %add3A_1167 : i32 to vector<16xi32>
      %add3A_1169 = arith.addi %mul3A_51, %add3A_1168 : vector<16xi32>
      %gather3A_1170 = tpu.vector_load_idx %arg16[%add3A_37, %add3A_1169] : memref<256x128xf32, #tpu.memory_space<vmem>>[vector<16xi32>, vector<16xi32>], vector<16xf32>,
      %add3A_1171 = arith.constant 46 : i32
      %add3A_1172 = vector.broadcast %add3A_1171 : i32 to vector<16xi32>
      %add3A_1173 = arith.addi %mul3A_59, %add3A_1172 : vector<16xi32>
      %gather3A_1174 = tpu.vector_load_idx %arg15[%add3A_37, %add3A_1173] : memref<256x128xf32, #tpu.memory_space<vmem>>[vector<16xi32>, vector<16xi32>], vector<16xf32>,
      %mul3A_1175 = arith.mulf %gather3A_1166, %gather3A_1166 : vector<16xf32>
      %add3A_1176 = arith.addf %add3A_1152, %mul3A_1175 : vector<16xf32>
      %mul3A_1177 = arith.mulf %gather3A_1170, %gather3A_1170 : vector<16xf32>
      %add3A_1178 = arith.addf %add3A_1154, %mul3A_1177 : vector<16xf32>
      %mul3A_1179 = arith.mulf %gather3A_1174, %gather3A_1174 : vector<16xf32>
      %add3A_1180 = arith.addf %add3A_1156, %mul3A_1179 : vector<16xf32>
      %mul3A_1181 = arith.mulf %gather3A_1166, %gather3A_1170 : vector<16xf32>
      %add3A_1182 = arith.addf %add3A_1158, %mul3A_1181 : vector<16xf32>
      %mul3A_1183 = arith.mulf %gather3A_1166, %gather3A_1174 : vector<16xf32>
      %add3A_1184 = arith.addf %add3A_1160, %mul3A_1183 : vector<16xf32>
      %mul3A_1185 = arith.mulf %gather3A_1170, %gather3A_1174 : vector<16xf32>
      %add3A_1186 = arith.addf %add3A_1162, %mul3A_1185 : vector<16xf32>
      %add3A_1187 = arith.constant 47 : i32
      %add3A_1188 = vector.broadcast %add3A_1187 : i32 to vector<16xi32>
      %add3A_1189 = arith.addi %mul3A_43, %add3A_1188 : vector<16xi32>
      %gather3A_1190 = tpu.vector_load_idx %arg14[%add3A_37, %add3A_1189] : memref<256x128xf32, #tpu.memory_space<vmem>>[vector<16xi32>, vector<16xi32>], vector<16xf32>,
      %add3A_1191 = arith.constant 47 : i32
      %add3A_1192 = vector.broadcast %add3A_1191 : i32 to vector<16xi32>
      %add3A_1193 = arith.addi %mul3A_51, %add3A_1192 : vector<16xi32>
      %gather3A_1194 = tpu.vector_load_idx %arg16[%add3A_37, %add3A_1193] : memref<256x128xf32, #tpu.memory_space<vmem>>[vector<16xi32>, vector<16xi32>], vector<16xf32>,
      %add3A_1195 = arith.constant 47 : i32
      %add3A_1196 = vector.broadcast %add3A_1195 : i32 to vector<16xi32>
      %add3A_1197 = arith.addi %mul3A_59, %add3A_1196 : vector<16xi32>
      %gather3A_1198 = tpu.vector_load_idx %arg15[%add3A_37, %add3A_1197] : memref<256x128xf32, #tpu.memory_space<vmem>>[vector<16xi32>, vector<16xi32>], vector<16xf32>,
      %mul3A_1199 = arith.mulf %gather3A_1190, %gather3A_1190 : vector<16xf32>
      %add3A_1200 = arith.addf %add3A_1176, %mul3A_1199 : vector<16xf32>
      %mul3A_1201 = arith.mulf %gather3A_1194, %gather3A_1194 : vector<16xf32>
      %add3A_1202 = arith.addf %add3A_1178, %mul3A_1201 : vector<16xf32>
      %mul3A_1203 = arith.mulf %gather3A_1198, %gather3A_1198 : vector<16xf32>
      %add3A_1204 = arith.addf %add3A_1180, %mul3A_1203 : vector<16xf32>
      %mul3A_1205 = arith.mulf %gather3A_1190, %gather3A_1194 : vector<16xf32>
      %add3A_1206 = arith.addf %add3A_1182, %mul3A_1205 : vector<16xf32>
      %mul3A_1207 = arith.mulf %gather3A_1190, %gather3A_1198 : vector<16xf32>
      %add3A_1208 = arith.addf %add3A_1184, %mul3A_1207 : vector<16xf32>
      %mul3A_1209 = arith.mulf %gather3A_1194, %gather3A_1198 : vector<16xf32>
      %add3A_1210 = arith.addf %add3A_1186, %mul3A_1209 : vector<16xf32>
      %add3A_1211 = arith.constant 48 : i32
      %add3A_1212 = vector.broadcast %add3A_1211 : i32 to vector<16xi32>
      %add3A_1213 = arith.addi %mul3A_43, %add3A_1212 : vector<16xi32>
      %gather3A_1214 = tpu.vector_load_idx %arg14[%add3A_37, %add3A_1213] : memref<256x128xf32, #tpu.memory_space<vmem>>[vector<16xi32>, vector<16xi32>], vector<16xf32>,
      %add3A_1215 = arith.constant 48 : i32
      %add3A_1216 = vector.broadcast %add3A_1215 : i32 to vector<16xi32>
      %add3A_1217 = arith.addi %mul3A_51, %add3A_1216 : vector<16xi32>
      %gather3A_1218 = tpu.vector_load_idx %arg16[%add3A_37, %add3A_1217] : memref<256x128xf32, #tpu.memory_space<vmem>>[vector<16xi32>, vector<16xi32>], vector<16xf32>,
      %add3A_1219 = arith.constant 48 : i32
      %add3A_1220 = vector.broadcast %add3A_1219 : i32 to vector<16xi32>
      %add3A_1221 = arith.addi %mul3A_59, %add3A_1220 : vector<16xi32>
      %gather3A_1222 = tpu.vector_load_idx %arg15[%add3A_37, %add3A_1221] : memref<256x128xf32, #tpu.memory_space<vmem>>[vector<16xi32>, vector<16xi32>], vector<16xf32>,
      %mul3A_1223 = arith.mulf %gather3A_1214, %gather3A_1214 : vector<16xf32>
      %add3A_1224 = arith.addf %add3A_1200, %mul3A_1223 : vector<16xf32>
      %mul3A_1225 = arith.mulf %gather3A_1218, %gather3A_1218 : vector<16xf32>
      %add3A_1226 = arith.addf %add3A_1202, %mul3A_1225 : vector<16xf32>
      %mul3A_1227 = arith.mulf %gather3A_1222, %gather3A_1222 : vector<16xf32>
      %add3A_1228 = arith.addf %add3A_1204, %mul3A_1227 : vector<16xf32>
      %mul3A_1229 = arith.mulf %gather3A_1214, %gather3A_1218 : vector<16xf32>
      %add3A_1230 = arith.addf %add3A_1206, %mul3A_1229 : vector<16xf32>
      %mul3A_1231 = arith.mulf %gather3A_1214, %gather3A_1222 : vector<16xf32>
      %add3A_1232 = arith.addf %add3A_1208, %mul3A_1231 : vector<16xf32>
      %mul3A_1233 = arith.mulf %gather3A_1218, %gather3A_1222 : vector<16xf32>
      %add3A_1234 = arith.addf %add3A_1210, %mul3A_1233 : vector<16xf32>
      %add3A_1235 = arith.constant 49 : i32
      %add3A_1236 = vector.broadcast %add3A_1235 : i32 to vector<16xi32>
      %add3A_1237 = arith.addi %mul3A_43, %add3A_1236 : vector<16xi32>
      %gather3A_1238 = tpu.vector_load_idx %arg14[%add3A_37, %add3A_1237] : memref<256x128xf32, #tpu.memory_space<vmem>>[vector<16xi32>, vector<16xi32>], vector<16xf32>,
      %add3A_1239 = arith.constant 49 : i32
      %add3A_1240 = vector.broadcast %add3A_1239 : i32 to vector<16xi32>
      %add3A_1241 = arith.addi %mul3A_51, %add3A_1240 : vector<16xi32>
      %gather3A_1242 = tpu.vector_load_idx %arg16[%add3A_37, %add3A_1241] : memref<256x128xf32, #tpu.memory_space<vmem>>[vector<16xi32>, vector<16xi32>], vector<16xf32>,
      %add3A_1243 = arith.constant 49 : i32
      %add3A_1244 = vector.broadcast %add3A_1243 : i32 to vector<16xi32>
      %add3A_1245 = arith.addi %mul3A_59, %add3A_1244 : vector<16xi32>
      %gather3A_1246 = tpu.vector_load_idx %arg15[%add3A_37, %add3A_1245] : memref<256x128xf32, #tpu.memory_space<vmem>>[vector<16xi32>, vector<16xi32>], vector<16xf32>,
      %mul3A_1247 = arith.mulf %gather3A_1238, %gather3A_1238 : vector<16xf32>
      %add3A_1248 = arith.addf %add3A_1224, %mul3A_1247 : vector<16xf32>
      %mul3A_1249 = arith.mulf %gather3A_1242, %gather3A_1242 : vector<16xf32>
      %add3A_1250 = arith.addf %add3A_1226, %mul3A_1249 : vector<16xf32>
      %mul3A_1251 = arith.mulf %gather3A_1246, %gather3A_1246 : vector<16xf32>
      %add3A_1252 = arith.addf %add3A_1228, %mul3A_1251 : vector<16xf32>
      %mul3A_1253 = arith.mulf %gather3A_1238, %gather3A_1242 : vector<16xf32>
      %add3A_1254 = arith.addf %add3A_1230, %mul3A_1253 : vector<16xf32>
      %mul3A_1255 = arith.mulf %gather3A_1238, %gather3A_1246 : vector<16xf32>
      %add3A_1256 = arith.addf %add3A_1232, %mul3A_1255 : vector<16xf32>
      %mul3A_1257 = arith.mulf %gather3A_1242, %gather3A_1246 : vector<16xf32>
      %add3A_1258 = arith.addf %add3A_1234, %mul3A_1257 : vector<16xf32>
      %add3A_1259 = arith.constant 50 : i32
      %add3A_1260 = vector.broadcast %add3A_1259 : i32 to vector<16xi32>
      %add3A_1261 = arith.addi %mul3A_43, %add3A_1260 : vector<16xi32>
      %gather3A_1262 = tpu.vector_load_idx %arg14[%add3A_37, %add3A_1261] : memref<256x128xf32, #tpu.memory_space<vmem>>[vector<16xi32>, vector<16xi32>], vector<16xf32>,
      %add3A_1263 = arith.constant 50 : i32
      %add3A_1264 = vector.broadcast %add3A_1263 : i32 to vector<16xi32>
      %add3A_1265 = arith.addi %mul3A_51, %add3A_1264 : vector<16xi32>
      %gather3A_1266 = tpu.vector_load_idx %arg16[%add3A_37, %add3A_1265] : memref<256x128xf32, #tpu.memory_space<vmem>>[vector<16xi32>, vector<16xi32>], vector<16xf32>,
      %add3A_1267 = arith.constant 50 : i32
      %add3A_1268 = vector.broadcast %add3A_1267 : i32 to vector<16xi32>
      %add3A_1269 = arith.addi %mul3A_59, %add3A_1268 : vector<16xi32>
      %gather3A_1270 = tpu.vector_load_idx %arg15[%add3A_37, %add3A_1269] : memref<256x128xf32, #tpu.memory_space<vmem>>[vector<16xi32>, vector<16xi32>], vector<16xf32>,
      %mul3A_1271 = arith.mulf %gather3A_1262, %gather3A_1262 : vector<16xf32>
      %add3A_1272 = arith.addf %add3A_1248, %mul3A_1271 : vector<16xf32>
      %mul3A_1273 = arith.mulf %gather3A_1266, %gather3A_1266 : vector<16xf32>
      %add3A_1274 = arith.addf %add3A_1250, %mul3A_1273 : vector<16xf32>
      %mul3A_1275 = arith.mulf %gather3A_1270, %gather3A_1270 : vector<16xf32>
      %add3A_1276 = arith.addf %add3A_1252, %mul3A_1275 : vector<16xf32>
      %mul3A_1277 = arith.mulf %gather3A_1262, %gather3A_1266 : vector<16xf32>
      %add3A_1278 = arith.addf %add3A_1254, %mul3A_1277 : vector<16xf32>
      %mul3A_1279 = arith.mulf %gather3A_1262, %gather3A_1270 : vector<16xf32>
      %add3A_1280 = arith.addf %add3A_1256, %mul3A_1279 : vector<16xf32>
      %mul3A_1281 = arith.mulf %gather3A_1266, %gather3A_1270 : vector<16xf32>
      %add3A_1282 = arith.addf %add3A_1258, %mul3A_1281 : vector<16xf32>
      %add3A_1283 = arith.constant 51 : i32
      %add3A_1284 = vector.broadcast %add3A_1283 : i32 to vector<16xi32>
      %add3A_1285 = arith.addi %mul3A_43, %add3A_1284 : vector<16xi32>
      %gather3A_1286 = tpu.vector_load_idx %arg14[%add3A_37, %add3A_1285] : memref<256x128xf32, #tpu.memory_space<vmem>>[vector<16xi32>, vector<16xi32>], vector<16xf32>,
      %add3A_1287 = arith.constant 51 : i32
      %add3A_1288 = vector.broadcast %add3A_1287 : i32 to vector<16xi32>
      %add3A_1289 = arith.addi %mul3A_51, %add3A_1288 : vector<16xi32>
      %gather3A_1290 = tpu.vector_load_idx %arg16[%add3A_37, %add3A_1289] : memref<256x128xf32, #tpu.memory_space<vmem>>[vector<16xi32>, vector<16xi32>], vector<16xf32>,
      %add3A_1291 = arith.constant 51 : i32
      %add3A_1292 = vector.broadcast %add3A_1291 : i32 to vector<16xi32>
      %add3A_1293 = arith.addi %mul3A_59, %add3A_1292 : vector<16xi32>
      %gather3A_1294 = tpu.vector_load_idx %arg15[%add3A_37, %add3A_1293] : memref<256x128xf32, #tpu.memory_space<vmem>>[vector<16xi32>, vector<16xi32>], vector<16xf32>,
      %mul3A_1295 = arith.mulf %gather3A_1286, %gather3A_1286 : vector<16xf32>
      %add3A_1296 = arith.addf %add3A_1272, %mul3A_1295 : vector<16xf32>
      %mul3A_1297 = arith.mulf %gather3A_1290, %gather3A_1290 : vector<16xf32>
      %add3A_1298 = arith.addf %add3A_1274, %mul3A_1297 : vector<16xf32>
      %mul3A_1299 = arith.mulf %gather3A_1294, %gather3A_1294 : vector<16xf32>
      %add3A_1300 = arith.addf %add3A_1276, %mul3A_1299 : vector<16xf32>
      %mul3A_1301 = arith.mulf %gather3A_1286, %gather3A_1290 : vector<16xf32>
      %add3A_1302 = arith.addf %add3A_1278, %mul3A_1301 : vector<16xf32>
      %mul3A_1303 = arith.mulf %gather3A_1286, %gather3A_1294 : vector<16xf32>
      %add3A_1304 = arith.addf %add3A_1280, %mul3A_1303 : vector<16xf32>
      %mul3A_1305 = arith.mulf %gather3A_1290, %gather3A_1294 : vector<16xf32>
      %add3A_1306 = arith.addf %add3A_1282, %mul3A_1305 : vector<16xf32>
      %add3A_1307 = arith.constant 52 : i32
      %add3A_1308 = vector.broadcast %add3A_1307 : i32 to vector<16xi32>
      %add3A_1309 = arith.addi %mul3A_43, %add3A_1308 : vector<16xi32>
      %gather3A_1310 = tpu.vector_load_idx %arg14[%add3A_37, %add3A_1309] : memref<256x128xf32, #tpu.memory_space<vmem>>[vector<16xi32>, vector<16xi32>], vector<16xf32>,
      %add3A_1311 = arith.constant 52 : i32
      %add3A_1312 = vector.broadcast %add3A_1311 : i32 to vector<16xi32>
      %add3A_1313 = arith.addi %mul3A_51, %add3A_1312 : vector<16xi32>
      %gather3A_1314 = tpu.vector_load_idx %arg16[%add3A_37, %add3A_1313] : memref<256x128xf32, #tpu.memory_space<vmem>>[vector<16xi32>, vector<16xi32>], vector<16xf32>,
      %add3A_1315 = arith.constant 52 : i32
      %add3A_1316 = vector.broadcast %add3A_1315 : i32 to vector<16xi32>
      %add3A_1317 = arith.addi %mul3A_59, %add3A_1316 : vector<16xi32>
      %gather3A_1318 = tpu.vector_load_idx %arg15[%add3A_37, %add3A_1317] : memref<256x128xf32, #tpu.memory_space<vmem>>[vector<16xi32>, vector<16xi32>], vector<16xf32>,
      %mul3A_1319 = arith.mulf %gather3A_1310, %gather3A_1310 : vector<16xf32>
      %add3A_1320 = arith.addf %add3A_1296, %mul3A_1319 : vector<16xf32>
      %mul3A_1321 = arith.mulf %gather3A_1314, %gather3A_1314 : vector<16xf32>
      %add3A_1322 = arith.addf %add3A_1298, %mul3A_1321 : vector<16xf32>
      %mul3A_1323 = arith.mulf %gather3A_1318, %gather3A_1318 : vector<16xf32>
      %add3A_1324 = arith.addf %add3A_1300, %mul3A_1323 : vector<16xf32>
      %mul3A_1325 = arith.mulf %gather3A_1310, %gather3A_1314 : vector<16xf32>
      %add3A_1326 = arith.addf %add3A_1302, %mul3A_1325 : vector<16xf32>
      %mul3A_1327 = arith.mulf %gather3A_1310, %gather3A_1318 : vector<16xf32>
      %add3A_1328 = arith.addf %add3A_1304, %mul3A_1327 : vector<16xf32>
      %mul3A_1329 = arith.mulf %gather3A_1314, %gather3A_1318 : vector<16xf32>
      %add3A_1330 = arith.addf %add3A_1306, %mul3A_1329 : vector<16xf32>
      %add3A_1331 = arith.constant 53 : i32
      %add3A_1332 = vector.broadcast %add3A_1331 : i32 to vector<16xi32>
      %add3A_1333 = arith.addi %mul3A_43, %add3A_1332 : vector<16xi32>
      %gather3A_1334 = tpu.vector_load_idx %arg14[%add3A_37, %add3A_1333] : memref<256x128xf32, #tpu.memory_space<vmem>>[vector<16xi32>, vector<16xi32>], vector<16xf32>,
      %add3A_1335 = arith.constant 53 : i32
      %add3A_1336 = vector.broadcast %add3A_1335 : i32 to vector<16xi32>
      %add3A_1337 = arith.addi %mul3A_51, %add3A_1336 : vector<16xi32>
      %gather3A_1338 = tpu.vector_load_idx %arg16[%add3A_37, %add3A_1337] : memref<256x128xf32, #tpu.memory_space<vmem>>[vector<16xi32>, vector<16xi32>], vector<16xf32>,
      %add3A_1339 = arith.constant 53 : i32
      %add3A_1340 = vector.broadcast %add3A_1339 : i32 to vector<16xi32>
      %add3A_1341 = arith.addi %mul3A_59, %add3A_1340 : vector<16xi32>
      %gather3A_1342 = tpu.vector_load_idx %arg15[%add3A_37, %add3A_1341] : memref<256x128xf32, #tpu.memory_space<vmem>>[vector<16xi32>, vector<16xi32>], vector<16xf32>,
      %mul3A_1343 = arith.mulf %gather3A_1334, %gather3A_1334 : vector<16xf32>
      %add3A_1344 = arith.addf %add3A_1320, %mul3A_1343 : vector<16xf32>
      %mul3A_1345 = arith.mulf %gather3A_1338, %gather3A_1338 : vector<16xf32>
      %add3A_1346 = arith.addf %add3A_1322, %mul3A_1345 : vector<16xf32>
      %mul3A_1347 = arith.mulf %gather3A_1342, %gather3A_1342 : vector<16xf32>
      %add3A_1348 = arith.addf %add3A_1324, %mul3A_1347 : vector<16xf32>
      %mul3A_1349 = arith.mulf %gather3A_1334, %gather3A_1338 : vector<16xf32>
      %add3A_1350 = arith.addf %add3A_1326, %mul3A_1349 : vector<16xf32>
      %mul3A_1351 = arith.mulf %gather3A_1334, %gather3A_1342 : vector<16xf32>
      %add3A_1352 = arith.addf %add3A_1328, %mul3A_1351 : vector<16xf32>
      %mul3A_1353 = arith.mulf %gather3A_1338, %gather3A_1342 : vector<16xf32>
      %add3A_1354 = arith.addf %add3A_1330, %mul3A_1353 : vector<16xf32>
      %add3A_1355 = arith.constant 54 : i32
      %add3A_1356 = vector.broadcast %add3A_1355 : i32 to vector<16xi32>
      %add3A_1357 = arith.addi %mul3A_43, %add3A_1356 : vector<16xi32>
      %gather3A_1358 = tpu.vector_load_idx %arg14[%add3A_37, %add3A_1357] : memref<256x128xf32, #tpu.memory_space<vmem>>[vector<16xi32>, vector<16xi32>], vector<16xf32>,
      %add3A_1359 = arith.constant 54 : i32
      %add3A_1360 = vector.broadcast %add3A_1359 : i32 to vector<16xi32>
      %add3A_1361 = arith.addi %mul3A_51, %add3A_1360 : vector<16xi32>
      %gather3A_1362 = tpu.vector_load_idx %arg16[%add3A_37, %add3A_1361] : memref<256x128xf32, #tpu.memory_space<vmem>>[vector<16xi32>, vector<16xi32>], vector<16xf32>,
      %add3A_1363 = arith.constant 54 : i32
      %add3A_1364 = vector.broadcast %add3A_1363 : i32 to vector<16xi32>
      %add3A_1365 = arith.addi %mul3A_59, %add3A_1364 : vector<16xi32>
      %gather3A_1366 = tpu.vector_load_idx %arg15[%add3A_37, %add3A_1365] : memref<256x128xf32, #tpu.memory_space<vmem>>[vector<16xi32>, vector<16xi32>], vector<16xf32>,
      %mul3A_1367 = arith.mulf %gather3A_1358, %gather3A_1358 : vector<16xf32>
      %add3A_1368 = arith.addf %add3A_1344, %mul3A_1367 : vector<16xf32>
      %mul3A_1369 = arith.mulf %gather3A_1362, %gather3A_1362 : vector<16xf32>
      %add3A_1370 = arith.addf %add3A_1346, %mul3A_1369 : vector<16xf32>
      %mul3A_1371 = arith.mulf %gather3A_1366, %gather3A_1366 : vector<16xf32>
      %add3A_1372 = arith.addf %add3A_1348, %mul3A_1371 : vector<16xf32>
      %mul3A_1373 = arith.mulf %gather3A_1358, %gather3A_1362 : vector<16xf32>
      %add3A_1374 = arith.addf %add3A_1350, %mul3A_1373 : vector<16xf32>
      %mul3A_1375 = arith.mulf %gather3A_1358, %gather3A_1366 : vector<16xf32>
      %add3A_1376 = arith.addf %add3A_1352, %mul3A_1375 : vector<16xf32>
      %mul3A_1377 = arith.mulf %gather3A_1362, %gather3A_1366 : vector<16xf32>
      %add3A_1378 = arith.addf %add3A_1354, %mul3A_1377 : vector<16xf32>
      %add3A_1379 = arith.constant 55 : i32
      %add3A_1380 = vector.broadcast %add3A_1379 : i32 to vector<16xi32>
      %add3A_1381 = arith.addi %mul3A_43, %add3A_1380 : vector<16xi32>
      %gather3A_1382 = tpu.vector_load_idx %arg14[%add3A_37, %add3A_1381] : memref<256x128xf32, #tpu.memory_space<vmem>>[vector<16xi32>, vector<16xi32>], vector<16xf32>,
      %add3A_1383 = arith.constant 55 : i32
      %add3A_1384 = vector.broadcast %add3A_1383 : i32 to vector<16xi32>
      %add3A_1385 = arith.addi %mul3A_51, %add3A_1384 : vector<16xi32>
      %gather3A_1386 = tpu.vector_load_idx %arg16[%add3A_37, %add3A_1385] : memref<256x128xf32, #tpu.memory_space<vmem>>[vector<16xi32>, vector<16xi32>], vector<16xf32>,
      %add3A_1387 = arith.constant 55 : i32
      %add3A_1388 = vector.broadcast %add3A_1387 : i32 to vector<16xi32>
      %add3A_1389 = arith.addi %mul3A_59, %add3A_1388 : vector<16xi32>
      %gather3A_1390 = tpu.vector_load_idx %arg15[%add3A_37, %add3A_1389] : memref<256x128xf32, #tpu.memory_space<vmem>>[vector<16xi32>, vector<16xi32>], vector<16xf32>,
      %mul3A_1391 = arith.mulf %gather3A_1382, %gather3A_1382 : vector<16xf32>
      %add3A_1392 = arith.addf %add3A_1368, %mul3A_1391 : vector<16xf32>
      %mul3A_1393 = arith.mulf %gather3A_1386, %gather3A_1386 : vector<16xf32>
      %add3A_1394 = arith.addf %add3A_1370, %mul3A_1393 : vector<16xf32>
      %mul3A_1395 = arith.mulf %gather3A_1390, %gather3A_1390 : vector<16xf32>
      %add3A_1396 = arith.addf %add3A_1372, %mul3A_1395 : vector<16xf32>
      %mul3A_1397 = arith.mulf %gather3A_1382, %gather3A_1386 : vector<16xf32>
      %add3A_1398 = arith.addf %add3A_1374, %mul3A_1397 : vector<16xf32>
      %mul3A_1399 = arith.mulf %gather3A_1382, %gather3A_1390 : vector<16xf32>
      %add3A_1400 = arith.addf %add3A_1376, %mul3A_1399 : vector<16xf32>
      %mul3A_1401 = arith.mulf %gather3A_1386, %gather3A_1390 : vector<16xf32>
      %add3A_1402 = arith.addf %add3A_1378, %mul3A_1401 : vector<16xf32>
      %add3A_1403 = arith.constant 56 : i32
      %add3A_1404 = vector.broadcast %add3A_1403 : i32 to vector<16xi32>
      %add3A_1405 = arith.addi %mul3A_43, %add3A_1404 : vector<16xi32>
      %gather3A_1406 = tpu.vector_load_idx %arg14[%add3A_37, %add3A_1405] : memref<256x128xf32, #tpu.memory_space<vmem>>[vector<16xi32>, vector<16xi32>], vector<16xf32>,
      %add3A_1407 = arith.constant 56 : i32
      %add3A_1408 = vector.broadcast %add3A_1407 : i32 to vector<16xi32>
      %add3A_1409 = arith.addi %mul3A_51, %add3A_1408 : vector<16xi32>
      %gather3A_1410 = tpu.vector_load_idx %arg16[%add3A_37, %add3A_1409] : memref<256x128xf32, #tpu.memory_space<vmem>>[vector<16xi32>, vector<16xi32>], vector<16xf32>,
      %add3A_1411 = arith.constant 56 : i32
      %add3A_1412 = vector.broadcast %add3A_1411 : i32 to vector<16xi32>
      %add3A_1413 = arith.addi %mul3A_59, %add3A_1412 : vector<16xi32>
      %gather3A_1414 = tpu.vector_load_idx %arg15[%add3A_37, %add3A_1413] : memref<256x128xf32, #tpu.memory_space<vmem>>[vector<16xi32>, vector<16xi32>], vector<16xf32>,
      %mul3A_1415 = arith.mulf %gather3A_1406, %gather3A_1406 : vector<16xf32>
      %add3A_1416 = arith.addf %add3A_1392, %mul3A_1415 : vector<16xf32>
      %mul3A_1417 = arith.mulf %gather3A_1410, %gather3A_1410 : vector<16xf32>
      %add3A_1418 = arith.addf %add3A_1394, %mul3A_1417 : vector<16xf32>
      %mul3A_1419 = arith.mulf %gather3A_1414, %gather3A_1414 : vector<16xf32>
      %add3A_1420 = arith.addf %add3A_1396, %mul3A_1419 : vector<16xf32>
      %mul3A_1421 = arith.mulf %gather3A_1406, %gather3A_1410 : vector<16xf32>
      %add3A_1422 = arith.addf %add3A_1398, %mul3A_1421 : vector<16xf32>
      %mul3A_1423 = arith.mulf %gather3A_1406, %gather3A_1414 : vector<16xf32>
      %add3A_1424 = arith.addf %add3A_1400, %mul3A_1423 : vector<16xf32>
      %mul3A_1425 = arith.mulf %gather3A_1410, %gather3A_1414 : vector<16xf32>
      %add3A_1426 = arith.addf %add3A_1402, %mul3A_1425 : vector<16xf32>
      %add3A_1427 = arith.constant 57 : i32
      %add3A_1428 = vector.broadcast %add3A_1427 : i32 to vector<16xi32>
      %add3A_1429 = arith.addi %mul3A_43, %add3A_1428 : vector<16xi32>
      %gather3A_1430 = tpu.vector_load_idx %arg14[%add3A_37, %add3A_1429] : memref<256x128xf32, #tpu.memory_space<vmem>>[vector<16xi32>, vector<16xi32>], vector<16xf32>,
      %add3A_1431 = arith.constant 57 : i32
      %add3A_1432 = vector.broadcast %add3A_1431 : i32 to vector<16xi32>
      %add3A_1433 = arith.addi %mul3A_51, %add3A_1432 : vector<16xi32>
      %gather3A_1434 = tpu.vector_load_idx %arg16[%add3A_37, %add3A_1433] : memref<256x128xf32, #tpu.memory_space<vmem>>[vector<16xi32>, vector<16xi32>], vector<16xf32>,
      %add3A_1435 = arith.constant 57 : i32
      %add3A_1436 = vector.broadcast %add3A_1435 : i32 to vector<16xi32>
      %add3A_1437 = arith.addi %mul3A_59, %add3A_1436 : vector<16xi32>
      %gather3A_1438 = tpu.vector_load_idx %arg15[%add3A_37, %add3A_1437] : memref<256x128xf32, #tpu.memory_space<vmem>>[vector<16xi32>, vector<16xi32>], vector<16xf32>,
      %mul3A_1439 = arith.mulf %gather3A_1430, %gather3A_1430 : vector<16xf32>
      %add3A_1440 = arith.addf %add3A_1416, %mul3A_1439 : vector<16xf32>
      %mul3A_1441 = arith.mulf %gather3A_1434, %gather3A_1434 : vector<16xf32>
      %add3A_1442 = arith.addf %add3A_1418, %mul3A_1441 : vector<16xf32>
      %mul3A_1443 = arith.mulf %gather3A_1438, %gather3A_1438 : vector<16xf32>
      %add3A_1444 = arith.addf %add3A_1420, %mul3A_1443 : vector<16xf32>
      %mul3A_1445 = arith.mulf %gather3A_1430, %gather3A_1434 : vector<16xf32>
      %add3A_1446 = arith.addf %add3A_1422, %mul3A_1445 : vector<16xf32>
      %mul3A_1447 = arith.mulf %gather3A_1430, %gather3A_1438 : vector<16xf32>
      %add3A_1448 = arith.addf %add3A_1424, %mul3A_1447 : vector<16xf32>
      %mul3A_1449 = arith.mulf %gather3A_1434, %gather3A_1438 : vector<16xf32>
      %add3A_1450 = arith.addf %add3A_1426, %mul3A_1449 : vector<16xf32>
      %add3A_1451 = arith.constant 58 : i32
      %add3A_1452 = vector.broadcast %add3A_1451 : i32 to vector<16xi32>
      %add3A_1453 = arith.addi %mul3A_43, %add3A_1452 : vector<16xi32>
      %gather3A_1454 = tpu.vector_load_idx %arg14[%add3A_37, %add3A_1453] : memref<256x128xf32, #tpu.memory_space<vmem>>[vector<16xi32>, vector<16xi32>], vector<16xf32>,
      %add3A_1455 = arith.constant 58 : i32
      %add3A_1456 = vector.broadcast %add3A_1455 : i32 to vector<16xi32>
      %add3A_1457 = arith.addi %mul3A_51, %add3A_1456 : vector<16xi32>
      %gather3A_1458 = tpu.vector_load_idx %arg16[%add3A_37, %add3A_1457] : memref<256x128xf32, #tpu.memory_space<vmem>>[vector<16xi32>, vector<16xi32>], vector<16xf32>,
      %add3A_1459 = arith.constant 58 : i32
      %add3A_1460 = vector.broadcast %add3A_1459 : i32 to vector<16xi32>
      %add3A_1461 = arith.addi %mul3A_59, %add3A_1460 : vector<16xi32>
      %gather3A_1462 = tpu.vector_load_idx %arg15[%add3A_37, %add3A_1461] : memref<256x128xf32, #tpu.memory_space<vmem>>[vector<16xi32>, vector<16xi32>], vector<16xf32>,
      %mul3A_1463 = arith.mulf %gather3A_1454, %gather3A_1454 : vector<16xf32>
      %add3A_1464 = arith.addf %add3A_1440, %mul3A_1463 : vector<16xf32>
      %mul3A_1465 = arith.mulf %gather3A_1458, %gather3A_1458 : vector<16xf32>
      %add3A_1466 = arith.addf %add3A_1442, %mul3A_1465 : vector<16xf32>
      %mul3A_1467 = arith.mulf %gather3A_1462, %gather3A_1462 : vector<16xf32>
      %add3A_1468 = arith.addf %add3A_1444, %mul3A_1467 : vector<16xf32>
      %mul3A_1469 = arith.mulf %gather3A_1454, %gather3A_1458 : vector<16xf32>
      %add3A_1470 = arith.addf %add3A_1446, %mul3A_1469 : vector<16xf32>
      %mul3A_1471 = arith.mulf %gather3A_1454, %gather3A_1462 : vector<16xf32>
      %add3A_1472 = arith.addf %add3A_1448, %mul3A_1471 : vector<16xf32>
      %mul3A_1473 = arith.mulf %gather3A_1458, %gather3A_1462 : vector<16xf32>
      %add3A_1474 = arith.addf %add3A_1450, %mul3A_1473 : vector<16xf32>
      %add3A_1475 = arith.constant 59 : i32
      %add3A_1476 = vector.broadcast %add3A_1475 : i32 to vector<16xi32>
      %add3A_1477 = arith.addi %mul3A_43, %add3A_1476 : vector<16xi32>
      %gather3A_1478 = tpu.vector_load_idx %arg14[%add3A_37, %add3A_1477] : memref<256x128xf32, #tpu.memory_space<vmem>>[vector<16xi32>, vector<16xi32>], vector<16xf32>,
      %add3A_1479 = arith.constant 59 : i32
      %add3A_1480 = vector.broadcast %add3A_1479 : i32 to vector<16xi32>
      %add3A_1481 = arith.addi %mul3A_51, %add3A_1480 : vector<16xi32>
      %gather3A_1482 = tpu.vector_load_idx %arg16[%add3A_37, %add3A_1481] : memref<256x128xf32, #tpu.memory_space<vmem>>[vector<16xi32>, vector<16xi32>], vector<16xf32>,
      %add3A_1483 = arith.constant 59 : i32
      %add3A_1484 = vector.broadcast %add3A_1483 : i32 to vector<16xi32>
      %add3A_1485 = arith.addi %mul3A_59, %add3A_1484 : vector<16xi32>
      %gather3A_1486 = tpu.vector_load_idx %arg15[%add3A_37, %add3A_1485] : memref<256x128xf32, #tpu.memory_space<vmem>>[vector<16xi32>, vector<16xi32>], vector<16xf32>,
      %mul3A_1487 = arith.mulf %gather3A_1478, %gather3A_1478 : vector<16xf32>
      %add3A_1488 = arith.addf %add3A_1464, %mul3A_1487 : vector<16xf32>
      %mul3A_1489 = arith.mulf %gather3A_1482, %gather3A_1482 : vector<16xf32>
      %add3A_1490 = arith.addf %add3A_1466, %mul3A_1489 : vector<16xf32>
      %mul3A_1491 = arith.mulf %gather3A_1486, %gather3A_1486 : vector<16xf32>
      %add3A_1492 = arith.addf %add3A_1468, %mul3A_1491 : vector<16xf32>
      %mul3A_1493 = arith.mulf %gather3A_1478, %gather3A_1482 : vector<16xf32>
      %add3A_1494 = arith.addf %add3A_1470, %mul3A_1493 : vector<16xf32>
      %mul3A_1495 = arith.mulf %gather3A_1478, %gather3A_1486 : vector<16xf32>
      %add3A_1496 = arith.addf %add3A_1472, %mul3A_1495 : vector<16xf32>
      %mul3A_1497 = arith.mulf %gather3A_1482, %gather3A_1486 : vector<16xf32>
      %add3A_1498 = arith.addf %add3A_1474, %mul3A_1497 : vector<16xf32>
      %add3A_1499 = arith.constant 60 : i32
      %add3A_1500 = vector.broadcast %add3A_1499 : i32 to vector<16xi32>
      %add3A_1501 = arith.addi %mul3A_43, %add3A_1500 : vector<16xi32>
      %gather3A_1502 = tpu.vector_load_idx %arg14[%add3A_37, %add3A_1501] : memref<256x128xf32, #tpu.memory_space<vmem>>[vector<16xi32>, vector<16xi32>], vector<16xf32>,
      %add3A_1503 = arith.constant 60 : i32
      %add3A_1504 = vector.broadcast %add3A_1503 : i32 to vector<16xi32>
      %add3A_1505 = arith.addi %mul3A_51, %add3A_1504 : vector<16xi32>
      %gather3A_1506 = tpu.vector_load_idx %arg16[%add3A_37, %add3A_1505] : memref<256x128xf32, #tpu.memory_space<vmem>>[vector<16xi32>, vector<16xi32>], vector<16xf32>,
      %add3A_1507 = arith.constant 60 : i32
      %add3A_1508 = vector.broadcast %add3A_1507 : i32 to vector<16xi32>
      %add3A_1509 = arith.addi %mul3A_59, %add3A_1508 : vector<16xi32>
      %gather3A_1510 = tpu.vector_load_idx %arg15[%add3A_37, %add3A_1509] : memref<256x128xf32, #tpu.memory_space<vmem>>[vector<16xi32>, vector<16xi32>], vector<16xf32>,
      %mul3A_1511 = arith.mulf %gather3A_1502, %gather3A_1502 : vector<16xf32>
      %add3A_1512 = arith.addf %add3A_1488, %mul3A_1511 : vector<16xf32>
      %mul3A_1513 = arith.mulf %gather3A_1506, %gather3A_1506 : vector<16xf32>
      %add3A_1514 = arith.addf %add3A_1490, %mul3A_1513 : vector<16xf32>
      %mul3A_1515 = arith.mulf %gather3A_1510, %gather3A_1510 : vector<16xf32>
      %add3A_1516 = arith.addf %add3A_1492, %mul3A_1515 : vector<16xf32>
      %mul3A_1517 = arith.mulf %gather3A_1502, %gather3A_1506 : vector<16xf32>
      %add3A_1518 = arith.addf %add3A_1494, %mul3A_1517 : vector<16xf32>
      %mul3A_1519 = arith.mulf %gather3A_1502, %gather3A_1510 : vector<16xf32>
      %add3A_1520 = arith.addf %add3A_1496, %mul3A_1519 : vector<16xf32>
      %mul3A_1521 = arith.mulf %gather3A_1506, %gather3A_1510 : vector<16xf32>
      %add3A_1522 = arith.addf %add3A_1498, %mul3A_1521 : vector<16xf32>
      %add3A_1523 = arith.constant 61 : i32
      %add3A_1524 = vector.broadcast %add3A_1523 : i32 to vector<16xi32>
      %add3A_1525 = arith.addi %mul3A_43, %add3A_1524 : vector<16xi32>
      %gather3A_1526 = tpu.vector_load_idx %arg14[%add3A_37, %add3A_1525] : memref<256x128xf32, #tpu.memory_space<vmem>>[vector<16xi32>, vector<16xi32>], vector<16xf32>,
      %add3A_1527 = arith.constant 61 : i32
      %add3A_1528 = vector.broadcast %add3A_1527 : i32 to vector<16xi32>
      %add3A_1529 = arith.addi %mul3A_51, %add3A_1528 : vector<16xi32>
      %gather3A_1530 = tpu.vector_load_idx %arg16[%add3A_37, %add3A_1529] : memref<256x128xf32, #tpu.memory_space<vmem>>[vector<16xi32>, vector<16xi32>], vector<16xf32>,
      %add3A_1531 = arith.constant 61 : i32
      %add3A_1532 = vector.broadcast %add3A_1531 : i32 to vector<16xi32>
      %add3A_1533 = arith.addi %mul3A_59, %add3A_1532 : vector<16xi32>
      %gather3A_1534 = tpu.vector_load_idx %arg15[%add3A_37, %add3A_1533] : memref<256x128xf32, #tpu.memory_space<vmem>>[vector<16xi32>, vector<16xi32>], vector<16xf32>,
      %mul3A_1535 = arith.mulf %gather3A_1526, %gather3A_1526 : vector<16xf32>
      %add3A_1536 = arith.addf %add3A_1512, %mul3A_1535 : vector<16xf32>
      %mul3A_1537 = arith.mulf %gather3A_1530, %gather3A_1530 : vector<16xf32>
      %add3A_1538 = arith.addf %add3A_1514, %mul3A_1537 : vector<16xf32>
      %mul3A_1539 = arith.mulf %gather3A_1534, %gather3A_1534 : vector<16xf32>
      %add3A_1540 = arith.addf %add3A_1516, %mul3A_1539 : vector<16xf32>
      %mul3A_1541 = arith.mulf %gather3A_1526, %gather3A_1530 : vector<16xf32>
      %add3A_1542 = arith.addf %add3A_1518, %mul3A_1541 : vector<16xf32>
      %mul3A_1543 = arith.mulf %gather3A_1526, %gather3A_1534 : vector<16xf32>
      %add3A_1544 = arith.addf %add3A_1520, %mul3A_1543 : vector<16xf32>
      %mul3A_1545 = arith.mulf %gather3A_1530, %gather3A_1534 : vector<16xf32>
      %add3A_1546 = arith.addf %add3A_1522, %mul3A_1545 : vector<16xf32>
      %add3A_1547 = arith.constant 62 : i32
      %add3A_1548 = vector.broadcast %add3A_1547 : i32 to vector<16xi32>
      %add3A_1549 = arith.addi %mul3A_43, %add3A_1548 : vector<16xi32>
      %gather3A_1550 = tpu.vector_load_idx %arg14[%add3A_37, %add3A_1549] : memref<256x128xf32, #tpu.memory_space<vmem>>[vector<16xi32>, vector<16xi32>], vector<16xf32>,
      %add3A_1551 = arith.constant 62 : i32
      %add3A_1552 = vector.broadcast %add3A_1551 : i32 to vector<16xi32>
      %add3A_1553 = arith.addi %mul3A_51, %add3A_1552 : vector<16xi32>
      %gather3A_1554 = tpu.vector_load_idx %arg16[%add3A_37, %add3A_1553] : memref<256x128xf32, #tpu.memory_space<vmem>>[vector<16xi32>, vector<16xi32>], vector<16xf32>,
      %add3A_1555 = arith.constant 62 : i32
      %add3A_1556 = vector.broadcast %add3A_1555 : i32 to vector<16xi32>
      %add3A_1557 = arith.addi %mul3A_59, %add3A_1556 : vector<16xi32>
      %gather3A_1558 = tpu.vector_load_idx %arg15[%add3A_37, %add3A_1557] : memref<256x128xf32, #tpu.memory_space<vmem>>[vector<16xi32>, vector<16xi32>], vector<16xf32>,
      %mul3A_1559 = arith.mulf %gather3A_1550, %gather3A_1550 : vector<16xf32>
      %add3A_1560 = arith.addf %add3A_1536, %mul3A_1559 : vector<16xf32>
      %mul3A_1561 = arith.mulf %gather3A_1554, %gather3A_1554 : vector<16xf32>
      %add3A_1562 = arith.addf %add3A_1538, %mul3A_1561 : vector<16xf32>
      %mul3A_1563 = arith.mulf %gather3A_1558, %gather3A_1558 : vector<16xf32>
      %add3A_1564 = arith.addf %add3A_1540, %mul3A_1563 : vector<16xf32>
      %mul3A_1565 = arith.mulf %gather3A_1550, %gather3A_1554 : vector<16xf32>
      %add3A_1566 = arith.addf %add3A_1542, %mul3A_1565 : vector<16xf32>
      %mul3A_1567 = arith.mulf %gather3A_1550, %gather3A_1558 : vector<16xf32>
      %add3A_1568 = arith.addf %add3A_1544, %mul3A_1567 : vector<16xf32>
      %mul3A_1569 = arith.mulf %gather3A_1554, %gather3A_1558 : vector<16xf32>
      %add3A_1570 = arith.addf %add3A_1546, %mul3A_1569 : vector<16xf32>
      %add3A_1571 = arith.constant 63 : i32
      %add3A_1572 = vector.broadcast %add3A_1571 : i32 to vector<16xi32>
      %add3A_1573 = arith.addi %mul3A_43, %add3A_1572 : vector<16xi32>
      %gather3A_1574 = tpu.vector_load_idx %arg14[%add3A_37, %add3A_1573] : memref<256x128xf32, #tpu.memory_space<vmem>>[vector<16xi32>, vector<16xi32>], vector<16xf32>,
      %add3A_1575 = arith.constant 63 : i32
      %add3A_1576 = vector.broadcast %add3A_1575 : i32 to vector<16xi32>
      %add3A_1577 = arith.addi %mul3A_51, %add3A_1576 : vector<16xi32>
      %gather3A_1578 = tpu.vector_load_idx %arg16[%add3A_37, %add3A_1577] : memref<256x128xf32, #tpu.memory_space<vmem>>[vector<16xi32>, vector<16xi32>], vector<16xf32>,
      %add3A_1579 = arith.constant 63 : i32
      %add3A_1580 = vector.broadcast %add3A_1579 : i32 to vector<16xi32>
      %add3A_1581 = arith.addi %mul3A_59, %add3A_1580 : vector<16xi32>
      %gather3A_1582 = tpu.vector_load_idx %arg15[%add3A_37, %add3A_1581] : memref<256x128xf32, #tpu.memory_space<vmem>>[vector<16xi32>, vector<16xi32>], vector<16xf32>,
      %mul3A_1583 = arith.mulf %gather3A_1574, %gather3A_1574 : vector<16xf32>
      %add3A_1584 = arith.addf %add3A_1560, %mul3A_1583 : vector<16xf32>
      %mul3A_1585 = arith.mulf %gather3A_1578, %gather3A_1578 : vector<16xf32>
      %add3A_1586 = arith.addf %add3A_1562, %mul3A_1585 : vector<16xf32>
      %mul3A_1587 = arith.mulf %gather3A_1582, %gather3A_1582 : vector<16xf32>
      %add3A_1588 = arith.addf %add3A_1564, %mul3A_1587 : vector<16xf32>
      %mul3A_1589 = arith.mulf %gather3A_1574, %gather3A_1578 : vector<16xf32>
      %add3A_1590 = arith.addf %add3A_1566, %mul3A_1589 : vector<16xf32>
      %mul3A_1591 = arith.mulf %gather3A_1574, %gather3A_1582 : vector<16xf32>
      %add3A_1592 = arith.addf %add3A_1568, %mul3A_1591 : vector<16xf32>
      %mul3A_1593 = arith.mulf %gather3A_1578, %gather3A_1582 : vector<16xf32>
      %add3A_1594 = arith.addf %add3A_1570, %mul3A_1593 : vector<16xf32>
      %mul3A_1595 = arith.mulf %add3A_1584, %add3A_1586 : vector<16xf32>
      %bitcast3A = vector.bitcast %mul3A_1595 : vector<16xf32> to vector<16xi32>
      %shift_right_arithmetic3A = arith.constant 1 : i32
      %shift_right_arithmetic3A_1596 = vector.broadcast %shift_right_arithmetic3A : i32 to vector<16xi32>
      %shift_right_arithmetic3A_1597 = arith.shrsi %bitcast3A, %shift_right_arithmetic3A_1596 : vector<16xi32>
      %sub3A = arith.constant 1597463007 : i32
      %sub3A_1598 = vector.broadcast %sub3A : i32 to vector<16xi32>
      %sub3A_1599 = arith.subi %sub3A_1598, %shift_right_arithmetic3A_1597 : vector<16xi32>
      %bitcast3A_1600 = vector.bitcast %sub3A_1599 : vector<16xi32> to vector<16xf32>
      %mul3A_1601 = arith.constant 5.000000e-01 : f32
      %mul3A_1602 = vector.broadcast %mul3A_1601 : f32 to vector<16xf32>
      %mul3A_1603 = arith.mulf %mul3A_1602, %mul3A_1595 : vector<16xf32>
      %mul3A_1604 = arith.mulf %mul3A_1603, %bitcast3A_1600 : vector<16xf32>
      %mul3A_1605 = arith.mulf %mul3A_1604, %bitcast3A_1600 : vector<16xf32>
      %sub3A_1606 = arith.constant 1.500000e+00 : f32
      %sub3A_1607 = vector.broadcast %sub3A_1606 : f32 to vector<16xf32>
      %sub3A_1608 = arith.subf %sub3A_1607, %mul3A_1605 : vector<16xf32>
      %mul3A_1609 = arith.mulf %bitcast3A_1600, %sub3A_1608 : vector<16xf32>
      %mul3A_1610 = arith.constant 5.000000e-01 : f32
      %mul3A_1611 = vector.broadcast %mul3A_1610 : f32 to vector<16xf32>
      %mul3A_1612 = arith.mulf %mul3A_1611, %mul3A_1595 : vector<16xf32>
      %mul3A_1613 = arith.mulf %mul3A_1612, %mul3A_1609 : vector<16xf32>
      %mul3A_1614 = arith.mulf %mul3A_1613, %mul3A_1609 : vector<16xf32>
      %sub3A_1615 = arith.constant 1.500000e+00 : f32
      %sub3A_1616 = vector.broadcast %sub3A_1615 : f32 to vector<16xf32>
      %sub3A_1617 = arith.subf %sub3A_1616, %mul3A_1614 : vector<16xf32>
      %mul3A_1618 = arith.mulf %mul3A_1609, %sub3A_1617 : vector<16xf32>
      %mul3A_1619 = arith.constant 5.000000e-01 : f32
      %mul3A_1620 = vector.broadcast %mul3A_1619 : f32 to vector<16xf32>
      %mul3A_1621 = arith.mulf %mul3A_1620, %mul3A_1595 : vector<16xf32>
      %mul3A_1622 = arith.mulf %mul3A_1621, %mul3A_1618 : vector<16xf32>
      %mul3A_1623 = arith.mulf %mul3A_1622, %mul3A_1618 : vector<16xf32>
      %sub3A_1624 = arith.constant 1.500000e+00 : f32
      %sub3A_1625 = vector.broadcast %sub3A_1624 : f32 to vector<16xf32>
      %sub3A_1626 = arith.subf %sub3A_1625, %mul3A_1623 : vector<16xf32>
      %mul3A_1627 = arith.mulf %mul3A_1618, %sub3A_1626 : vector<16xf32>
      %mul3A_1628 = arith.mulf %add3A_1590, %mul3A_1627 : vector<16xf32>
      %mul3A_1629 = arith.mulf %add3A_1584, %add3A_1588 : vector<16xf32>
      %bitcast3A_1630 = vector.bitcast %mul3A_1629 : vector<16xf32> to vector<16xi32>
      %shift_right_arithmetic3A_1631 = arith.constant 1 : i32
      %shift_right_arithmetic3A_1632 = vector.broadcast %shift_right_arithmetic3A_1631 : i32 to vector<16xi32>
      %shift_right_arithmetic3A_1633 = arith.shrsi %bitcast3A_1630, %shift_right_arithmetic3A_1632 : vector<16xi32>
      %sub3A_1634 = arith.constant 1597463007 : i32
      %sub3A_1635 = vector.broadcast %sub3A_1634 : i32 to vector<16xi32>
      %sub3A_1636 = arith.subi %sub3A_1635, %shift_right_arithmetic3A_1633 : vector<16xi32>
      %bitcast3A_1637 = vector.bitcast %sub3A_1636 : vector<16xi32> to vector<16xf32>
      %mul3A_1638 = arith.constant 5.000000e-01 : f32
      %mul3A_1639 = vector.broadcast %mul3A_1638 : f32 to vector<16xf32>
      %mul3A_1640 = arith.mulf %mul3A_1639, %mul3A_1629 : vector<16xf32>
      %mul3A_1641 = arith.mulf %mul3A_1640, %bitcast3A_1637 : vector<16xf32>
      %mul3A_1642 = arith.mulf %mul3A_1641, %bitcast3A_1637 : vector<16xf32>
      %sub3A_1643 = arith.constant 1.500000e+00 : f32
      %sub3A_1644 = vector.broadcast %sub3A_1643 : f32 to vector<16xf32>
      %sub3A_1645 = arith.subf %sub3A_1644, %mul3A_1642 : vector<16xf32>
      %mul3A_1646 = arith.mulf %bitcast3A_1637, %sub3A_1645 : vector<16xf32>
      %mul3A_1647 = arith.constant 5.000000e-01 : f32
      %mul3A_1648 = vector.broadcast %mul3A_1647 : f32 to vector<16xf32>
      %mul3A_1649 = arith.mulf %mul3A_1648, %mul3A_1629 : vector<16xf32>
      %mul3A_1650 = arith.mulf %mul3A_1649, %mul3A_1646 : vector<16xf32>
      %mul3A_1651 = arith.mulf %mul3A_1650, %mul3A_1646 : vector<16xf32>
      %sub3A_1652 = arith.constant 1.500000e+00 : f32
      %sub3A_1653 = vector.broadcast %sub3A_1652 : f32 to vector<16xf32>
      %sub3A_1654 = arith.subf %sub3A_1653, %mul3A_1651 : vector<16xf32>
      %mul3A_1655 = arith.mulf %mul3A_1646, %sub3A_1654 : vector<16xf32>
      %mul3A_1656 = arith.constant 5.000000e-01 : f32
      %mul3A_1657 = vector.broadcast %mul3A_1656 : f32 to vector<16xf32>
      %mul3A_1658 = arith.mulf %mul3A_1657, %mul3A_1629 : vector<16xf32>
      %mul3A_1659 = arith.mulf %mul3A_1658, %mul3A_1655 : vector<16xf32>
      %mul3A_1660 = arith.mulf %mul3A_1659, %mul3A_1655 : vector<16xf32>
      %sub3A_1661 = arith.constant 1.500000e+00 : f32
      %sub3A_1662 = vector.broadcast %sub3A_1661 : f32 to vector<16xf32>
      %sub3A_1663 = arith.subf %sub3A_1662, %mul3A_1660 : vector<16xf32>
      %mul3A_1664 = arith.mulf %mul3A_1655, %sub3A_1663 : vector<16xf32>
      %mul3A_1665 = arith.mulf %add3A_1592, %mul3A_1664 : vector<16xf32>
      %sub3A_1666 = arith.subf %mul3A_1628, %mul3A_1665 : vector<16xf32>
      %mul3A_1667 = arith.mulf %add3A_1586, %add3A_1588 : vector<16xf32>
      %bitcast3A_1668 = vector.bitcast %mul3A_1667 : vector<16xf32> to vector<16xi32>
      %shift_right_arithmetic3A_1669 = arith.constant 1 : i32
      %shift_right_arithmetic3A_1670 = vector.broadcast %shift_right_arithmetic3A_1669 : i32 to vector<16xi32>
      %shift_right_arithmetic3A_1671 = arith.shrsi %bitcast3A_1668, %shift_right_arithmetic3A_1670 : vector<16xi32>
      %sub3A_1672 = arith.constant 1597463007 : i32
      %sub3A_1673 = vector.broadcast %sub3A_1672 : i32 to vector<16xi32>
      %sub3A_1674 = arith.subi %sub3A_1673, %shift_right_arithmetic3A_1671 : vector<16xi32>
      %bitcast3A_1675 = vector.bitcast %sub3A_1674 : vector<16xi32> to vector<16xf32>
      %mul3A_1676 = arith.constant 5.000000e-01 : f32
      %mul3A_1677 = vector.broadcast %mul3A_1676 : f32 to vector<16xf32>
      %mul3A_1678 = arith.mulf %mul3A_1677, %mul3A_1667 : vector<16xf32>
      %mul3A_1679 = arith.mulf %mul3A_1678, %bitcast3A_1675 : vector<16xf32>
      %mul3A_1680 = arith.mulf %mul3A_1679, %bitcast3A_1675 : vector<16xf32>
      %sub3A_1681 = arith.constant 1.500000e+00 : f32
      %sub3A_1682 = vector.broadcast %sub3A_1681 : f32 to vector<16xf32>
      %sub3A_1683 = arith.subf %sub3A_1682, %mul3A_1680 : vector<16xf32>
      %mul3A_1684 = arith.mulf %bitcast3A_1675, %sub3A_1683 : vector<16xf32>
      %mul3A_1685 = arith.constant 5.000000e-01 : f32
      %mul3A_1686 = vector.broadcast %mul3A_1685 : f32 to vector<16xf32>
      %mul3A_1687 = arith.mulf %mul3A_1686, %mul3A_1667 : vector<16xf32>
      %mul3A_1688 = arith.mulf %mul3A_1687, %mul3A_1684 : vector<16xf32>
      %mul3A_1689 = arith.mulf %mul3A_1688, %mul3A_1684 : vector<16xf32>
      %sub3A_1690 = arith.constant 1.500000e+00 : f32
      %sub3A_1691 = vector.broadcast %sub3A_1690 : f32 to vector<16xf32>
      %sub3A_1692 = arith.subf %sub3A_1691, %mul3A_1689 : vector<16xf32>
      %mul3A_1693 = arith.mulf %mul3A_1684, %sub3A_1692 : vector<16xf32>
      %mul3A_1694 = arith.constant 5.000000e-01 : f32
      %mul3A_1695 = vector.broadcast %mul3A_1694 : f32 to vector<16xf32>
      %mul3A_1696 = arith.mulf %mul3A_1695, %mul3A_1667 : vector<16xf32>
      %mul3A_1697 = arith.mulf %mul3A_1696, %mul3A_1693 : vector<16xf32>
      %mul3A_1698 = arith.mulf %mul3A_1697, %mul3A_1693 : vector<16xf32>
      %sub3A_1699 = arith.constant 1.500000e+00 : f32
      %sub3A_1700 = vector.broadcast %sub3A_1699 : f32 to vector<16xf32>
      %sub3A_1701 = arith.subf %sub3A_1700, %mul3A_1698 : vector<16xf32>
      %mul3A_1702 = arith.mulf %mul3A_1693, %sub3A_1701 : vector<16xf32>
      %mul3A_1703 = arith.mulf %add3A_1594, %mul3A_1702 : vector<16xf32>
      %sub3A_1704 = arith.subf %sub3A_1666, %mul3A_1703 : vector<16xf32>
      %mul3A_1705 = arith.constant 2.000000e+00 : f32
      %mul3A_1706 = vector.broadcast %mul3A_1705 : f32 to vector<16xf32>
      %mul3A_1707 = arith.mulf %mul3A_1706, %sub3A_1704 : vector<16xf32>
      %add3A_1708 = arith.constant 3.000000e+00 : f32
      %add3A_1709 = vector.broadcast %add3A_1708 : f32 to vector<16xf32>
      %add3A_1710 = arith.addf %add3A_1709, %mul3A_1707 : vector<16xf32>
      %max3A = arith.constant 0.000000e+00 : f32
      %max3A_1711 = vector.broadcast %max3A : f32 to vector<16xf32>
      %max3A_1712 = arith.maximumf %add3A_1710, %max3A_1711 : vector<16xf32>
      %max3A_1713 = arith.constant 9.99999968E-21 : f32
      %max3A_1714 = vector.broadcast %max3A_1713 : f32 to vector<16xf32>
      %max3A_1715 = arith.maximumf %max3A_1712, %max3A_1714 : vector<16xf32>
      %bitcast3A_1716 = vector.bitcast %max3A_1715 : vector<16xf32> to vector<16xi32>
      %shift_right_arithmetic3A_1717 = arith.constant 1 : i32
      %shift_right_arithmetic3A_1718 = vector.broadcast %shift_right_arithmetic3A_1717 : i32 to vector<16xi32>
      %shift_right_arithmetic3A_1719 = arith.shrsi %bitcast3A_1716, %shift_right_arithmetic3A_1718 : vector<16xi32>
      %sub3A_1720 = arith.constant 1597463007 : i32
      %sub3A_1721 = vector.broadcast %sub3A_1720 : i32 to vector<16xi32>
      %sub3A_1722 = arith.subi %sub3A_1721, %shift_right_arithmetic3A_1719 : vector<16xi32>
      %bitcast3A_1723 = vector.bitcast %sub3A_1722 : vector<16xi32> to vector<16xf32>
      %mul3A_1724 = arith.constant 5.000000e-01 : f32
      %mul3A_1725 = vector.broadcast %mul3A_1724 : f32 to vector<16xf32>
      %mul3A_1726 = arith.mulf %mul3A_1725, %max3A_1715 : vector<16xf32>
      %mul3A_1727 = arith.mulf %mul3A_1726, %bitcast3A_1723 : vector<16xf32>
      %mul3A_1728 = arith.mulf %mul3A_1727, %bitcast3A_1723 : vector<16xf32>
      %sub3A_1729 = arith.constant 1.500000e+00 : f32
      %sub3A_1730 = vector.broadcast %sub3A_1729 : f32 to vector<16xf32>
      %sub3A_1731 = arith.subf %sub3A_1730, %mul3A_1728 : vector<16xf32>
      %mul3A_1732 = arith.mulf %bitcast3A_1723, %sub3A_1731 : vector<16xf32>
      %mul3A_1733 = arith.constant 5.000000e-01 : f32
      %mul3A_1734 = vector.broadcast %mul3A_1733 : f32 to vector<16xf32>
      %mul3A_1735 = arith.mulf %mul3A_1734, %max3A_1715 : vector<16xf32>
      %mul3A_1736 = arith.mulf %mul3A_1735, %mul3A_1732 : vector<16xf32>
      %mul3A_1737 = arith.mulf %mul3A_1736, %mul3A_1732 : vector<16xf32>
      %sub3A_1738 = arith.constant 1.500000e+00 : f32
      %sub3A_1739 = vector.broadcast %sub3A_1738 : f32 to vector<16xf32>
      %sub3A_1740 = arith.subf %sub3A_1739, %mul3A_1737 : vector<16xf32>
      %mul3A_1741 = arith.mulf %mul3A_1732, %sub3A_1740 : vector<16xf32>
      %mul3A_1742 = arith.constant 5.000000e-01 : f32
      %mul3A_1743 = vector.broadcast %mul3A_1742 : f32 to vector<16xf32>
      %mul3A_1744 = arith.mulf %mul3A_1743, %max3A_1715 : vector<16xf32>
      %mul3A_1745 = arith.mulf %mul3A_1744, %mul3A_1741 : vector<16xf32>
      %mul3A_1746 = arith.mulf %mul3A_1745, %mul3A_1741 : vector<16xf32>
      %sub3A_1747 = arith.constant 1.500000e+00 : f32
      %sub3A_1748 = vector.broadcast %sub3A_1747 : f32 to vector<16xf32>
      %sub3A_1749 = arith.subf %sub3A_1748, %mul3A_1746 : vector<16xf32>
      %mul3A_1750 = arith.mulf %mul3A_1741, %sub3A_1749 : vector<16xf32>
      %mul3A_1751 = arith.mulf %max3A_1712, %mul3A_1750 : vector<16xf32>
      %swap3A = arith.index_cast %mul3A_35 : i32 to index
      %swap3A_1752 = tpu.vector_load %arg17[%swap3A] {strides = array<i32>} : memref<256xf32, #tpu.memory_space<vmem>>, vector<16xf32>,
      tpu.vector_store %arg17[%swap3A], %mul3A_1751 {strides = array<i32>} : memref<256xf32, #tpu.memory_space<vmem>>, vector<16xf32>,
    }
    %scan3A_28 = arith.constant 16 : i32
    "tpu.region"() ({
      %run_scoped3A = tpu.sem_alloc : memref<!tpu.dma_semaphore, #tpu.memory_space<semaphore_mem>>
      %dma_start3A_29 = tpu.memref_slice %arg7[%mul3A_2] : memref<8192xf32, #tpu.memory_space<hbm>> -> memref<256xf32, #tpu.memory_space<hbm>>
      %dma_start3A_30 = tpu.memref_slice %arg7[%mul3A_2] : memref<8192xf32, #tpu.memory_space<hbm>> -> memref<256xf32, #tpu.memory_space<hbm>>
      tpu.enqueue_dma source(%arg17 : memref<256xf32, #tpu.memory_space<vmem>>) target(%dma_start3A_30 : memref<256xf32, #tpu.memory_space<hbm>>) target_semaphore(%run_scoped3A : memref<!tpu.dma_semaphore, #tpu.memory_space<semaphore_mem>>)
      %dma_wait3A_31 = tpu.memref_slice %arg7[%mul3A_2] : memref<8192xf32, #tpu.memory_space<hbm>> -> memref<256xf32, #tpu.memory_space<hbm>>
      %dma_wait3A_32 = tpu.memref_slice %arg7[%mul3A_2] : memref<8192xf32, #tpu.memory_space<hbm>> -> memref<256xf32, #tpu.memory_space<hbm>>
      tpu.wait_dma2 semaphore(%run_scoped3A : memref<!tpu.dma_semaphore, #tpu.memory_space<semaphore_mem>>) src(%arg17 : memref<256xf32, #tpu.memory_space<vmem>>) dst(%dma_wait3A_32 : memref<256xf32, #tpu.memory_space<hbm>>)
      tpu.yield
    }) : () -> ()
    return
  }
}

</mosaic_0001>

<sc_bundles>
// kernel: _scores.3.cloned.1.call-start
scs
__scs_entry_jumppad:
0x0: {  	(pc) =	sbr.rel $0x88, $3  }
0x1: {  	(tag) =	ssettag $0x0;
	lr =	simm.s32 $0x1  }
0x2: {  	[smem:$0x3F9C] =	sst lr;
	_ =	strace $0xD0000000  }
0x3: {  	_ = 	snop  }
0x4: {  	_ = 	snop  }
0x5: {  	_ = 	snop  }
0x6: {  	_ = 	snop  }
0x7: {  	_ = 	snop  }
__scs_overlays_trampoline_lowered:
0x8: {  	[smem:$0x3FAB] =	sst s0  }
0x9: {  	[smem:$0x3FAC] =	sst s1  }
0xa: {  	[smem:$0x3FAD] =	sst s2  }
0xb: {  	[smem:$0x3FAE] =	sst s3  }
0xc: {  	[smem:$0x3FAF] =	sst s4  }
0xd: {  	[smem:$0x3FB0] =	sst s5  }
0xe: {  	[smem:$0x3FB1] =	sst s6  }
0xf: {  	[smem:$0x3FB2] =	sst s7  }
0x10: {  	[smem:$0x3FB3] =	sst s8  }
0x11: {  	[smem:$0x3FB4] =	sst s9;
	s0 =	simm.s32 @!p0 $0x0  }
0x12: {  	s1 =	sld [smem:$0x3F9A];
	s0 =	simm.s32 @p0 $0x1  }
0x13: {  	[smem:$0x3FB5] =	sst s0;
	s0 =	simm.s32 @!p1 $0x0  }
0x14: {  	s2 =	sld [smem:$0x3F99];
	s0 =	simm.s32 @p1 $0x1  }
0x15: {  	[smem:$0x3FB6] =	sst s0;
	s0 =	simm.s32 @!p2 $0x0  }
0x16: {  	s3 =	sld [smem:$0x3FDB];
	s0 =	simm.s32 @p2 $0x1  }
0x17: {  	s4 =	simm.s32 $0x1BF5;
	[smem:$0x3FB8] =	sst s0  }
0x18: {  	s0 =	sld [smem:$0x3F9B];
	_ =	swait.ge [sflag:s4], $0x0  }
0x19: {  	s7 =	sld [smem:$0x3F9C]  }
0x1a: {  	s8 =	sadd.s32 $0xFFFFE003, lr  }
0x1b: {  	s9 =	sadd.s32 $0xFFFFFEF7, lr;
	s5 =	simm.s32 $0xFFFFFFFF;
	p2 =	slt.u32 s8, $0xFFFFF086  }
0x1c: {  	p1 =	slt.u32 s9, $0xF7A;
	s5 =	simm.s32 @!p2 $0x0  }
0x1d: {  	s5 =	simm.s32 @p1 $0x1;
	p0 =	seq.s32 s7, s2  }
0x1e: {  	s7 =	smul.u32 @!p0 $0xF7A, s2;
	p2 =	seq.s32 @!p0 s5, $0x0  }
0x1f: {  	s9 =	smul.u32 $0xF7A, s1;
	s8 =	simm.s32 @!p0 $0x1BF5;
	p2 =	por !p2, p0  }
0x20: {  	[sflag:s8] =	ssyncset.s32 @!p0 $0xFFFFF086;
	s6 =	sadd.s32 @!p0 s3, s7;
	s7 =	simm.s32 @!p0 $0x108  }
0x21: {  	s3 =	sadd.s32 s3, s9;
	s6 =	sadd.s32 @!p0 $0x88, s6;
	s7 =	simm.s32 @p2 $0x1082  }
0x22: {  	[simem:s7], [sflag:s8] =	dma.local @!p0 [hbm:s6], $0xF7A  }
0x23: {  	s9 =	sor.u32 $0xD0000000, s2;
	s6 =	simm.s32 $0x108;
	_ =	swait.ge @!p0 [sflag:s8], $0x0  }
0x24: {  	s3 =	sadd.s32 $0x88, s3;
	s6 =	simm.s32 @!p1 $0x1082;
	[sflag:s4] =	ssyncset.s32 $0xFFFFF086  }
0x25: {  	[simem:s6], [sflag:s4] =	dma.local [hbm:s3], $0xF7A  }
0x26: {  	[smem:$0x3F9C] =	sst s1;
	(tag) =	ssettag s2;
	_ =	strace s9  }
0x27: {  	s1 =	sld [smem:$0x3FAC]  }
0x28: {  	s2 =	sld [smem:$0x3FAD]  }
0x29: {  	s4 =	sld [smem:$0x3FAF]  }
0x2a: {  	p0 =	seq.s32 s5, $0x0;
	s5 =	sld [smem:$0x3FB0]  }
0x2b: {  	s6 =	sld [smem:$0x3FB1]  }
0x2c: {  	s7 =	sld [smem:$0x3FB2]  }
0x2d: {  	s3 =	simm.s32 $0x108;
	s8 =	sld [smem:$0x3FB3]  }
0x2e: {  	s3 =	simm.s32 @!p0 $0x1082;
	s9 =	sld [smem:$0x3FB4]  }
0x2f: {  	lr =	sadd.s32 s0, s3;
	s0 =	sld [smem:$0x3FAB]  }
0x30: {  	s3 =	sld [smem:$0x3FAE]  }
0x31: {  	[smem:$0x3FB7] =	sst s10  }
0x32: {  	s10 =	sld [smem:$0x3FB5];
	_ =	sdelay $0x3  }
0x33: {  	p0 =	seq.s32 s10, $0x1;
	s10 =	sld [smem:$0x3FB7];
	_ =	sdelay $0x3  }
0x34: {  	[smem:$0x3FB7] =	sst s10  }
0x35: {  	s10 =	sld [smem:$0x3FB6];
	_ =	sdelay $0x3  }
0x36: {  	p1 =	seq.s32 s10, $0x1;
	s10 =	sld [smem:$0x3FB7];
	_ =	sdelay $0x3  }
0x37: {  	[smem:$0x3FB7] =	sst s10  }
0x38: {  	s10 =	sld [smem:$0x3FB8]  }
0x39: {  	_ = 	snop;
	(pc) =	sbr.ind lr, $3  }
0x3a: {  	_ = 	snop  }
0x3b: {  	_ = 	snop  }
0x3c: {  	p2 =	seq.s32 s10, $0x1;
	s10 =	sld [smem:$0x3FB7]  }
0x3d: {  	_ =	shalt  }
0x3e: {  	_ =	shalt  }
0x3f: {  	_ =	shalt  }
0x40: {  	_ =	shalt  }
0x41: {  	_ =	shalt  }
0x42: {  	_ =	shalt  }
0x43: {  	_ =	shalt  }
0x44: {  	_ =	shalt  }
0x45: {  	_ =	shalt  }
0x46: {  	_ =	shalt  }
0x47: {  	_ =	shalt  }
0x48: {  	_ =	shalt  }
0x49: {  	_ =	shalt  }
0x4a: {  	_ =	shalt  }
0x4b: {  	_ =	shalt  }
0x4c: {  	_ =	shalt  }
0x4d: {  	_ =	shalt  }
0x4e: {  	_ =	shalt  }
0x4f: {  	_ =	shalt  }
0x50: {  	_ =	shalt  }
0x51: {  	_ =	shalt  }
0x52: {  	_ =	shalt  }
0x53: {  	_ =	shalt  }
0x54: {  	_ =	shalt  }
0x55: {  	_ =	shalt  }
0x56: {  	_ =	shalt  }
0x57: {  	_ =	shalt  }
0x58: {  	_ =	shalt  }
0x59: {  	_ =	shalt  }
0x5a: {  	_ =	shalt  }
0x5b: {  	_ =	shalt  }
0x5c: {  	_ =	shalt  }
0x5d: {  	_ =	shalt  }
0x5e: {  	_ =	shalt  }
0x5f: {  	_ =	shalt  }
0x60: {  	_ =	shalt  }
0x61: {  	_ =	shalt  }
0x62: {  	_ =	shalt  }
0x63: {  	_ =	shalt  }
0x64: {  	_ =	shalt  }
0x65: {  	_ =	shalt  }
0x66: {  	_ =	shalt  }
0x67: {  	_ =	shalt  }
0x68: {  	_ =	shalt  }
0x69: {  	_ =	shalt  }
0x6a: {  	_ =	shalt  }
0x6b: {  	_ =	shalt  }
0x6c: {  	_ =	shalt  }
0x6d: {  	_ =	shalt  }
0x6e: {  	_ =	shalt  }
0x6f: {  	_ =	shalt  }
0x70: {  	_ =	shalt  }
0x71: {  	_ =	shalt  }
0x72: {  	_ =	shalt  }
0x73: {  	_ =	shalt  }
0x74: {  	_ =	shalt  }
0x75: {  	_ =	shalt  }
0x76: {  	_ =	shalt  }
0x77: {  	_ =	shalt  }
0x78: {  	_ =	shalt  }
0x79: {  	_ =	shalt  }
0x7a: {  	_ =	shalt  }
0x7b: {  	_ =	shalt  }
0x7c: {  	_ =	shalt  }
0x7d: {  	_ =	shalt  }
0x7e: {  	_ =	shalt  }
0x7f: {  	_ =	shalt  }
0x80: {  	_ =	shalt  }
0x81: {  	_ =	shalt  }
0x82: {  	_ =	shalt  }
0x83: {  	_ =	shalt  }
0x84: {  	_ =	shalt  }
0x85: {  	_ =	shalt  }
0x86: {  	_ =	shalt  }
0x87: {  	_ =	shalt  }
.Lfunc_end0:
.L_simem_size_0:
called_computation_lowered:
.L_overlay_start_0:
0x88: {  	s2 =	sld [smem:$0x3FD9]  }
0x89: {  	s3 =	sld [smem:$0x3FFE];
	_ =	sdelay $0x1  }
0x8a: {  	s1 =	srdreg.scid  }
0x8b: {  	s0 =	sand.u32 $0x1, s1  }
0x8c: {  	s18 =	sshll.u32 s0, $0xA;
	s2 =	sadd.s32 s3, s2  }
0x8d: {  	s2 =	sadd.s32 s2, s18  }
0x8e: {  	[smem:$0x3FC3] =	sst s2  }
0x8f: {  	_ = 	snop  }
0x90: {  	s2 =	sld [smem:$0x3FC9]  }
0x91: {  	s19 =	sld [smem:$0x3FC8]  }
0x92: {  	s4 =	sld [smem:$0x3FC7]  }
0x93: {  	s5 =	sld [smem:$0x3FC6]  }
0x94: {  	s6 =	sld [smem:$0x3FC5]  }
0x95: {  	s7 =	sld [smem:$0x3FD0];
	(tm) =	ssettm $0x1  }
0x96: {  	s8 =	sld [smem:$0x3FFB];
	_ =	sdelay $0x3  }
0x97: {  	_ =	strace s8  }
0x98: {  	s8 =	sld [smem:$0x3FFC];
	_ =	sdelay $0x3  }
0x99: {  	_ =	strace s8  }
0x9a: {  	s8 =	sld [smem:$0x3FFD];
	_ =	sdelay $0x3  }
0x9b: {  	_ =	strace s8  }
0x9c: {  	_ =	strace $0x8FFFFFFF  }
0x9d: {  	s20 =	sld [smem:$0x3FDB];
	_ =	sdelay $0x1  }
0x9e: {  	s9 =	simm.s32 $_scs_section_size  }
0x9f: {  	s10 =	simm.s32 $_size__tile_overlayer_lowered;
	s11 =	simm.s32 $_tile_overlayer_lowered  }
0xa0: {  	s23 =	simm.s32 $0x1BFF;
	s22 =	sshll.u32 s11, $0x1;
	s8 =	sadd.s32 s9, s20  }
0xa1: {  	s12 =	simm.s32 $0x0;
	s21 =	sshll.u32 s10, $0x1;
	s10 =	sadd.s32 s22, s8  }
0xa2: {  	[timem:s12], [sflag:s23] =	dma.local [hbm:s10], s21  }
0xa3: {  	_ =	swait.ge [sflag:s23], s21  }
0xa4: {  	s9 =	ssub.s32 $0x0, s21;
	[sflag:s23] =	ssyncset.done $0x0  }
0xa5: {  	[sflag:s23] =	ssyncadd.s32 s9;
	_ =	sdelay $0x1  }
0xa6: {  	s24 =	simm.s32 $0x1B8B  }
0xa7: {  	_ =	swait.ge [sflag:s24], $0x1  }
0xa8: {  	[sflag:s24] =	ssyncset.done $0x0  }
0xa9: {  	s25 =	simm.s32 $0x1B8E;
	[sflag:s24] =	ssyncadd.s32 $0xFFFFFFFF  }
0xaa: {  	s26 =	simm.s32 $execute0_lowered;
	[smem:$0x3FD2] =	sst s25  }
0xab: {  	s9 =	sshll.u32 s26, $0x1;
	_ =	strace $0x80000046;
	[dreg:$0x1] =	wrdreg $0xFFFFFFFF  }
0xac: {  	s28 =	simm.s32 $_size_execute0_lowered;
	s8 =	sadd.s32 s8, s9;
	[dreg:$0x0] =	wrdreg $0x0  }
0xad: {  	s9 =	sshll.u32 s28, $0x1;
	[dreg:$0x2] =	wrdreg s8  }
0xae: {  	[dreg:$0x3] =	wrdreg s9  }
0xaf: {  	[dreg:$0x4] =	wrdreg $0xC0  }
0xb0: {  	_ =	task [dreg:s12], $0x5FFFF  }
0xb1: {  	[dreg:$0x1] =	wrdreg $0xFFFFFFFF  }
0xb2: {  	[dreg:$0x0] =	wrdreg $0x60  }
0xb3: {  	[dreg:$0x2] =	wrdreg s2  }
0xb4: {  	[dreg:$0x3] =	wrdreg s19  }
0xb5: {  	[dreg:$0x4] =	wrdreg s4  }
0xb6: {  	[dreg:$0x5] =	wrdreg s5  }
0xb7: {  	[dreg:$0x6] =	wrdreg s6  }
0xb8: {  	[dreg:$0x7] =	wrdreg s7  }
0xb9: {  	[dreg:$0x8] =	wrdreg $0x9  }
0xba: {  	_ =	task.clear_ibuf [dreg:s12], $0x9FFFF;
	_ =	strace $0x90000046  }
0xbb: {  	s29 =	simm.s32 $0x9;
	_ =	strace $0x80000048  }
0xbc: {  	_ =	swait.ge [sflag:s29], $0x1  }
0xbd: {  	[sflag:s29] =	ssyncadd.s32 $0xFFFFFFFF  }
0xbe: {  	_ =	strace $0x90000048  }
0xbf: {  	_ =	sfence  }
0xc0: {  	s30 =	sld [smem:$0x0];
	_ =	sdelay $0x2  }
0xc1: {  	s31 =	sshll.u32 s1, $0xD;
	s1 =	sshrl.u32 s1, $0x2  }
0xc2: {  	s3 =	sand.u32 $0x4000, s31;
	s1 =	sadd.s32 s1, s30  }
0xc3: {  	s0 =	sor.u32 s3, s0;
	s1 =	sshll.u32 s1, $0x11  }
0xc4: {  	s0 =	sor.u32 s1, s0  }
0xc5: {  	s0 =	sadd.s32 $0x8F2B, s0  }
0xc6: {  	[sflag:s0] =	ssyncadd.remote.s32 $0x1  }
0xc7: {  	_ =	sfence.sel $0xFFFF  }
0xc8: {  	[dreg:$0x0] =	wrdreg $0xFFFFFFFF;
	(pc) =	sbr.abs _section_cstart, $3  }
0xc9: {  	[dreg:$0x1] =	wrdreg $0xFFFFFFFF  }
0xca: {  	_ =	task.clear_ibuf [dreg:s12], $0x2FFFF;
	_ =	strace $0x9FFFFFFF  }
0xcb: {  	(tm) =	ssettm $0x7FFFFFFF  }
tec
execute0_lowered:
.L_overlay_start_1:
0x0: {  	(tag) =	ssettag $0x1  }
0x1: {  	s5 =	rddreg [dreg:$0x0]  }
0x2: {  	s6 =	rddreg [dreg:$0x1]  }
0x3: {  	s7 =	rddreg [dreg:$0x2]  }
0x4: {  	s1 =	rddreg [dreg:$0x3]  }
0x5: {  	s2 =	rddreg [dreg:$0x4]  }
0x6: {  	s8 =	rddreg [dreg:$0x5]  }
0x7: {  	s0 =	rddreg [dreg:$0x6];
	s4 =	simm.s32 $0x0;
	s9 =	srdreg.scid  }
0x8: {  	s3 =	stileid.u32;
	s13 =	simm.s32 $0x300;
	s14 =	simm.s32 $0x600  }
0x9: {  	s15 =	simm.s32 $0x400;
	s16 =	simm.s32 $0x10600;
	s17 =	simm.s32 $0x500  }
0xa: {  	s18 =	simm.s32 $0x8600;
	s19 =	simm.s32 $0x1;
	s20 =	simm.s32 $0x18600  }
0xb: {  	s21 =	simm.s32 $0x0;
	[smem:$0x7FF] =	sst s4;
	s9 =	sand.u32 $0x1, s9  }
0xc: {  	s11 =	sshll.u32 s3, $0x6;
	s10 =	ssub.s32 $0x2, s9;
	s9 =	sshll.u32 s9, $0x5  }
0xd: {  	_ =	strace $0x80000047;
	s12 =	sshrl.u32 s10, $0x1;
	s9 =	sor.u32 s9, s11  }
0xe: {  	s11 =	simm.s32 $0x100;
	s10 =	ssub.s32 s10, s12;
	s5 =	sadd.s32 s5, s9  }
0xf: {  	v0 =	vlaneseq.u32;
	s6 =	sadd.s32 s6, s9;
	s7 =	sadd.s32 s7, s9;
	s8 =	sadd.s32 s8, s9  }
0x10: {  	v0 =	vmul.u32 $0x80, v0;
	s12 =	simm.s32 $0x200;
	s9 =	smax.u32 s10, $0x1;
	s10 =	simm.s32 $0x2  }
.LBB2_1:
0x11: {  	[tilespmem:s4], [sflag:$0x2] =	stream.linear.gather [hbm4b:s5+s4], $0x100, $0x38;
	[tilespmem:$0x18700] =	vst v63  }
0x12: {  	_ =	swait.ge [sflag:s10], $0x100  }
0x13: {  	[sflag:s10] =	ssyncset.done $0x0  }
0x14: {  	[sflag:s10] =	ssyncadd.s32 $0xFFFFFF00  }
0x15: {  	[tilespmem:s11], [sflag:$0x2] =	stream.linear.gather [hbm4b:s6+s4], $0x100, $0x38;
	[tilespmem:$0x18700] =	vst v63  }
0x16: {  	_ =	swait.ge [sflag:s10], $0x100  }
0x17: {  	[sflag:s10] =	ssyncset.done $0x0  }
0x18: {  	[sflag:s10] =	ssyncadd.s32 $0xFFFFFF00  }
0x19: {  	[tilespmem:s12], [sflag:$0x2] =	stream.linear.gather [hbm4b:s7+s4], $0x100, $0x38;
	[tilespmem:$0x18700] =	vst v63  }
0x1a: {  	_ =	swait.ge [sflag:s10], $0x100  }
0x1b: {  	[sflag:s10] =	ssyncset.done $0x0  }
0x1c: {  	s22 =	simm.s32 $0x0;
	[sflag:s10] =	ssyncadd.s32 $0xFFFFFF00  }
0x1d: {  	v2 =	vld [tilespmem:s22+$0x200]  }
0x1e: {  	v3 =	vld [tilespmem:s22+$0x0]  }
0x1f: {  	s23 =	simm.s32 $0x40;
	v1 =	vld [tilespmem:s22+$0x100]  }
.LBB2_2:
0x20: {  	p0 =	sne.s32 s23, $0x3C0  }
.Ltmp0:
0x21: {  	_ = 	snop;
	(pc) =	sbr.rel @p0 .LBB2_2-.Ltmp0, $4  }
0x22: {  	s24 =	sshra.s32 s23, $0x2;
	v4 =	vshra.s32 v2, $0x1  }
0x23: {  	v2 =	vld [tilespmem:s24+$0x200];
	v5 =	vshra.s32 v3, $0x1;
	[tilespmem:s22+$0x500] =	vst v4  }
0x24: {  	v3 =	vld [tilespmem:s24+$0x0];
	[tilespmem:s22+$0x300] =	vst v5;
	v4 =	vshra.s32 v1, $0x1  }
0x25: {  	s23 =	sadd.s32 $0x40, s23;
	v1 =	vld [tilespmem:s24+$0x100];
	[tilespmem:s22+$0x400] =	vst v4;
	s22 =	smov.u32 s24  }
0x26: {  	_ =	sdelay $0x1  }
0x27: {  	v2 =	vshra.s32 v2, $0x1  }
0x28: {  	v3 =	vshra.s32 v3, $0x1;
	[tilespmem:s22+$0x500] =	vst v2  }
0x29: {  	[tilespmem:s22+$0x300] =	vst v3;
	v1 =	vshra.s32 v1, $0x1  }
0x2a: {  	[tilespmem:s22+$0x400] =	vst v1;
	s22 =	simm.s32 $0x100  }
0x2b: {  	[tilespmem:s14], [sflag:$0x1] =	stream.indirect.gather [hbm4b:s1+s22], $0x80, s13, s22, $0xb8;
	[tilespmem:$0x18700] =	vst v63  }
0x2c: {  	_ = 	snop  }
0x2d: {  	[tilespmem:s16], [sflag:$0x1] =	stream.indirect.gather [hbm4b:s2+s22], $0x80, s15, s22, $0xb8;
	[tilespmem:$0x18700] =	vst v63  }
0x2e: {  	_ = 	snop  }
0x2f: {  	[tilespmem:s18], [sflag:$0x1] =	stream.indirect.gather [hbm4b:s1+s22], $0x80, s17, s22, $0xb8;
	[tilespmem:$0x18700] =	vst v63  }
0x30: {  	_ =	swait.ge [sflag:s19], $0x8000  }
0x31: {  	[sflag:s19] =	ssyncset.done $0x0  }
0x32: {  	[sflag:s19] =	ssyncadd.s32 $0xFFFF8000  }
0x33: {  	_ =	swait.ge [sflag:s19], $0x8000  }
0x34: {  	[sflag:s19] =	ssyncset.done $0x0  }
0x35: {  	[sflag:s19] =	ssyncadd.s32 $0xFFFF8000  }
0x36: {  	_ =	swait.ge [sflag:s19], $0x8000  }
0x37: {  	s23 =	simm.s32 $0x0;
	s24 =	simm.s32 $0x200;
	[sflag:s19] =	ssyncset.done $0x0  }
0x38: {  	s25 =	simm.s32 $0x18600;
	s26 =	simm.s32 $0x0;
	[sflag:s19] =	ssyncadd.s32 $0xFFFF8000  }
.LBB2_4:
0x39: {  	v1 =	vld [tilespmem:s23+$0x0]  }
0x3a: {  	v2 =	vld [tilespmem:s22+$0x0]  }
0x3b: {  	v3 =	vld [tilespmem:s24+$0x0];
	_ =	sdelay $0x1  }
0x3c: {  	v4 =	vmov s26  }
0x3d: {  	v4 =	vshll.u32 v4, $0x7;
	v1 =	vshll.u32 v1, $0x6  }
0x3e: {  	v4 =	vor.u32 v0, v4;
	v2 =	vshll.u32 v2, $0x6;
	v1 =	vand.u32 $0x40, v1  }
0x3f: {  	v5 =	vshll.u32 v3, $0x6;
	v2 =	vand.u32 $0x40, v2;
	v3 =	vor.u32 v4, v1  }
0x40: {  	v1 =	vand.u32 $0x40, v5;
	v2 =	vor.u32 v4, v2  }
0x41: {  	v1 =	vor.u32 v4, v1  }
0x42: {  	v61 =	vor.u32 $0x1, v3  }
0x43: {  	v6 =	vor.u32 $0x1, v2  }
0x44: {  	v10 =	vor.u32 $0x2, v3;
	v62 =	vld.idx.msk [tilespmem:v3+s14+$0x0], $0xffff  }
0x45: {  	v12 =	vor.u32 $0x2, v2;
	v7 =	vld.idx.msk [tilespmem:v2+s16+$0x0], $0xffff  }
0x46: {  	v17 =	vor.u32 $0x3, v3;
	v9 =	vld.idx.msk [tilespmem:v1+s18+$0x0], $0xffff  }
0x47: {  	v18 =	vor.u32 $0x3, v2;
	v4 =	vld.idx.msk [tilespmem:v61+s14+$0x0], $0xffff  }
0x48: {  	v33 =	vor.u32 $0x4, v2;
	v6 =	vld.idx.msk [tilespmem:v6+s16+$0x0], $0xffff  }
0x49: {  	v8 =	vor.u32 $0x1, v1;
	v10 =	vld.idx.msk [tilespmem:v10+s14+$0x0], $0xffff  }
0x4a: {  	v29 =	vor.u32 $0x4, v3;
	v15 =	vor.u32 $0x2, v1;
	v12 =	vld.idx.msk [tilespmem:v12+s16+$0x0], $0xffff  }
0x4b: {  	v39 =	vor.u32 $0x5, v3;
	v27 =	vld.idx.msk [tilespmem:v17+s14+$0x0], $0xffff;
	v11 =	vmul.f32 v62, v62;
	v13 =	vmul.f32 v7, v7  }
0x4c: {  	v21 =	vor.u32 $0x3, v1;
	v32 =	vld.idx.msk [tilespmem:v18+s16+$0x0], $0xffff;
	v14 =	vmul.f32 v7, v62;
	v5 =	vmul.f32 v9, v62  }
0x4d: {  	v37 =	vor.u32 $0x4, v1;
	v41 =	vld.idx.msk [tilespmem:v33+s16+$0x0], $0xffff;
	v7 =	vmul.f32 v9, v7;
	v16 =	vmul.f32 v4, v4  }
0x4e: {  	v46 =	vor.u32 $0x5, v1;
	v8 =	vld.idx.msk [tilespmem:v8+s18+$0x0], $0xffff;
	v9 =	vmul.f32 v9, v9;
	v63 =	vmul.f32 v6, v6  }
0x4f: {  	v22 =	vor.u32 $0x6, v1;
	v15 =	vld.idx.msk [tilespmem:v15+s18+$0x0], $0xffff;
	v20 =	vmul.f32 v6, v4;
	v26 =	vmul.f32 v10, v10  }
0x50: {  	v42 =	vor.u32 $0x5, v2;
	v31 =	vmul.f32 v12, v12;
	v35 =	vmul.f32 v12, v10  }
0x51: {  	v51 =	vor.u32 $0x6, v2;
	v36 =	vld.idx.msk [tilespmem:v21+s18+$0x0], $0xffff;
	v38 =	vmul.f32 v27, v27;
	v40 =	vmul.f32 v32, v32  }
0x52: {  	v48 =	vor.u32 $0x6, v3;
	v45 =	vld.idx.msk [tilespmem:v37+s18+$0x0], $0xffff;
	v44 =	vmul.f32 v32, v27;
	v50 =	vmul.f32 v41, v41  }
0x53: {  	v55 =	vor.u32 $0x7, v3;
	v21 =	vld.idx.msk [tilespmem:v46+s18+$0x0], $0xffff;
	v19 =	vmul.f32 v8, v8;
	v4 =	vmul.f32 v8, v4  }
0x54: {  	v58 =	vor.u32 $0x7, v2;
	v60 =	vld.idx.msk [tilespmem:v22+s18+$0x0], $0xffff;
	v6 =	vmul.f32 v8, v6;
	v34 =	vmul.f32 v15, v15  }
0x55: {  	v61 =	vor.u32 $0x7, v1;
	v10 =	vmul.f32 v15, v10;
	v12 =	vmul.f32 v15, v12  }
0x56: {  	v17 =	vld.idx.msk [tilespmem:v51+s16+$0x0], $0xffff;
	v51 =	vor.u32 $0xA, v1;
	v43 =	vmul.f32 v36, v36;
	v47 =	vmul.f32 v36, v27  }
0x57: {  	v14 =	vadd.f32 $0.0e+00, v14;
	v52 =	vmul.f32 v45, v45;
	v54 =	vmul.f32 v45, v41  }
0x58: {  	v59 =	vmul.f32 v21, v21;
	v5 =	vadd.f32 $0.0e+00, v5;
	v7 =	vadd.f32 $0.0e+00, v7  }
0x59: {  	v27 =	vmul.f32 v60, v60;
	v11 =	vadd.f32 v16, v11;
	v13 =	vadd.f32 v63, v13  }
0x5a: {  	v24 =	vadd.f32 v19, v9;
	v25 =	vadd.f32 v20, v14;
	v14 =	vmul.f32 v36, v32  }
0x5b: {  	v15 =	vld.idx.msk [tilespmem:v42+s16+$0x0], $0xffff;
	v32 =	vmul.f32 v60, v17;
	v4 =	vadd.f32 v4, v5;
	v28 =	vadd.f32 v6, v7  }
0x5c: {  	v30 =	vadd.f32 v26, v11;
	v11 =	vadd.f32 v31, v13;
	v6 =	vld.idx.msk [tilespmem:v29+s14+$0x0], $0xffff;
	v29 =	vor.u32 $0x8, v2  }
0x5d: {  	v31 =	vor.u32 $0x8, v1;
	v8 =	vadd.f32 v34, v24;
	v9 =	vadd.f32 v35, v25  }
0x5e: {  	v24 =	vor.u32 $0x8, v3;
	v25 =	vmul.f32 v17, v17;
	v4 =	vadd.f32 v10, v4  }
0x5f: {  	v13 =	vld.idx.msk [tilespmem:v55+s14+$0x0], $0xffff;
	v34 =	vor.u32 $0x9, v3;
	v5 =	vadd.f32 v12, v28;
	v7 =	vadd.f32 v38, v30  }
0x60: {  	v26 =	vld.idx.msk [tilespmem:v58+s16+$0x0], $0xffff;
	v11 =	vadd.f32 v40, v11;
	v57 =	vmul.f32 v15, v15;
	v22 =	vmul.f32 v21, v15  }
0x61: {  	v38 =	vor.u32 $0x9, v2;
	v8 =	vadd.f32 v43, v8;
	v9 =	vadd.f32 v44, v9  }
0x62: {  	v12 =	vld.idx.msk [tilespmem:v48+s14+$0x0], $0xffff;
	v48 =	vor.u32 $0xA, v2;
	v4 =	vadd.f32 v47, v4;
	v5 =	vadd.f32 v14, v5  }
0x63: {  	v10 =	vld.idx.msk [tilespmem:v39+s14+$0x0], $0xffff;
	v11 =	vadd.f32 v50, v11;
	v49 =	vmul.f32 v6, v6;
	v53 =	vmul.f32 v41, v6  }
0x64: {  	v28 =	vld.idx.msk [tilespmem:v61+s18+$0x0], $0xffff;
	v6 =	vmul.f32 v45, v6;
	v8 =	vadd.f32 v52, v8;
	v33 =	vmul.f32 v13, v13  }
0x65: {  	v35 =	vmul.f32 v26, v26;
	v37 =	vld.idx.msk [tilespmem:v29+s16+$0x0], $0xffff;
	v39 =	vmul.f32 v26, v13;
	v41 =	vor.u32 $0x9, v1  }
0x66: {  	v40 =	vld.idx.msk [tilespmem:v31+s18+$0x0], $0xffff;
	v45 =	vor.u32 $0xA, v3;
	v29 =	vor.u32 $0xC, v1;
	v31 =	vor.u32 $0xD, v3  }
0x67: {  	v5 =	vadd.f32 v54, v5;
	v11 =	vadd.f32 v57, v11;
	v54 =	vor.u32 $0xB, v3  }
0x68: {  	v44 =	vld.idx.msk [tilespmem:v34+s14+$0x0], $0xffff;
	v34 =	vor.u32 $0xD, v2;
	v7 =	vadd.f32 v49, v7;
	v56 =	vmul.f32 v10, v10  }
0x69: {  	v9 =	vadd.f32 v53, v9;
	v62 =	vmul.f32 v15, v10;
	v63 =	vmul.f32 v21, v10  }
0x6a: {  	v4 =	vadd.f32 v6, v4;
	v23 =	vmul.f32 v12, v12;
	v30 =	vmul.f32 v17, v12  }
0x6b: {  	v6 =	vadd.f32 v59, v8;
	v12 =	vmul.f32 v60, v12;
	v36 =	vmul.f32 v28, v28  }
0x6c: {  	v42 =	vmul.f32 v28, v13;
	v10 =	vmul.f32 v28, v26;
	v5 =	vadd.f32 v22, v5  }
0x6d: {  	v60 =	vor.u32 $0xB, v1;
	v8 =	vadd.f32 v25, v11;
	v7 =	vadd.f32 v56, v7  }
0x6e: {  	v25 =	vor.u32 $0xC, v2;
	v9 =	vadd.f32 v62, v9;
	v4 =	vadd.f32 v63, v4  }
0x6f: {  	v15 =	vld.idx.msk [tilespmem:v24+s14+$0x0], $0xffff;
	v6 =	vadd.f32 v27, v6;
	v56 =	vor.u32 $0xB, v2;
	v62 =	vor.u32 $0xC, v3  }
0x70: {  	v47 =	vld.idx.msk [tilespmem:v38+s16+$0x0], $0xffff;
	v5 =	vadd.f32 v32, v5;
	v8 =	vadd.f32 v35, v8;
	v46 =	vmul.f32 v37, v37  }
0x71: {  	v59 =	vld.idx.msk [tilespmem:v51+s18+$0x0], $0xffff;
	v49 =	vmul.f32 v40, v40;
	v14 =	vmul.f32 v40, v37;
	v7 =	vadd.f32 v23, v7  }
0x72: {  	v16 =	vld.idx.msk [tilespmem:v45+s14+$0x0], $0xffff;
	v45 =	vor.u32 $0xE, v1;
	v9 =	vadd.f32 v30, v9;
	v4 =	vadd.f32 v12, v4  }
0x73: {  	v6 =	vadd.f32 v36, v6;
	v53 =	vmul.f32 v44, v44;
	v17 =	vld.idx.msk [tilespmem:v34+s16+$0x0], $0xffff;
	v34 =	vor.u32 $0x11, v2  }
0x74: {  	v43 =	vmul.f32 v15, v15;
	v5 =	vadd.f32 v10, v5;
	v50 =	vmul.f32 v37, v15  }
0x75: {  	v20 =	vld.idx.msk [tilespmem:v41+s18+$0x0], $0xffff;
	v8 =	vadd.f32 v46, v8;
	v52 =	vmul.f32 v40, v15;
	v55 =	vmul.f32 v47, v47  }
0x76: {  	v21 =	vld.idx.msk [tilespmem:v29+s18+$0x0], $0xffff;
	v58 =	vmul.f32 v47, v44;
	v26 =	vmul.f32 v59, v59;
	v37 =	vor.u32 $0xD, v1  }
0x77: {  	v28 =	vld.idx.msk [tilespmem:v60+s18+$0x0], $0xffff;
	v60 =	vor.u32 $0x10, v3;
	v7 =	vadd.f32 v33, v7;
	v9 =	vadd.f32 v39, v9  }
0x78: {  	v12 =	vld.idx.msk [tilespmem:v48+s16+$0x0], $0xffff;
	v4 =	vadd.f32 v42, v4;
	v6 =	vadd.f32 v49, v6;
	v39 =	vor.u32 $0xE, v3  }
0x79: {  	v42 =	vor.u32 $0xE, v2;
	v5 =	vadd.f32 v14, v5;
	v8 =	vadd.f32 v55, v8  }
0x7a: {  	v55 =	vor.u32 $0xF, v2;
	v7 =	vadd.f32 v43, v7;
	v57 =	vmul.f32 v20, v20  }
0x7b: {  	v10 =	vld.idx.msk [tilespmem:v54+s14+$0x0], $0xffff;
	v9 =	vadd.f32 v50, v9;
	v13 =	vmul.f32 v20, v44;
	v11 =	vmul.f32 v20, v47  }
0x7c: {  	v4 =	vadd.f32 v52, v4;
	v61 =	vmul.f32 v16, v16;
	v30 =	vmul.f32 v59, v16  }
0x7d: {  	v15 =	vld.idx.msk [tilespmem:v25+s16+$0x0], $0xffff;
	v43 =	vmul.f32 v21, v21;
	v50 =	vor.u32 $0xF, v3;
	v63 =	vmul.f32 v12, v12  }
0x7e: {  	v27 =	vmul.f32 v12, v16;
	v12 =	vmul.f32 v59, v12;
	v7 =	vadd.f32 v53, v7  }
0x7f: {  	v24 =	vld.idx.msk [tilespmem:v56+s16+$0x0], $0xffff;
	v51 =	vmul.f32 v17, v17;
	v6 =	vadd.f32 v57, v6;
	v9 =	vadd.f32 v58, v9  }
0x80: {  	v54 =	vld.idx.msk [tilespmem:v45+s18+$0x0], $0xffff;
	v4 =	vadd.f32 v13, v4;
	v5 =	vadd.f32 v11, v5;
	v32 =	vmul.f32 v10, v10  }
0x81: {  	v35 =	vmul.f32 v28, v28;
	v44 =	vld.idx.msk [tilespmem:v37+s18+$0x0], $0xffff;
	v57 =	vor.u32 $0xF, v1;
	v37 =	vor.u32 $0x11, v1  }
0x82: {  	v11 =	vld.idx.msk [tilespmem:v62+s14+$0x0], $0xffff;
	v8 =	vadd.f32 v63, v8;
	v41 =	vmul.f32 v15, v15;
	v48 =	vmul.f32 v21, v15  }
0x83: {  	v52 =	vld.idx.msk [tilespmem:v42+s16+$0x0], $0xffff;
	v42 =	vor.u32 $0x12, v2;
	v7 =	vadd.f32 v61, v7;
	v6 =	vadd.f32 v26, v6  }
0x84: {  	v13 =	vld.idx.msk [tilespmem:v39+s14+$0x0], $0xffff;
	v9 =	vadd.f32 v27, v9;
	v4 =	vadd.f32 v30, v4;
	v33 =	vmul.f32 v24, v24  }
0x85: {  	v5 =	vadd.f32 v12, v5;
	v36 =	vmul.f32 v24, v10;
	v10 =	vmul.f32 v28, v10;
	v12 =	vld.idx.msk [tilespmem:v31+s14+$0x0], $0xffff  }
0x86: {  	v38 =	vmul.f32 v28, v24;
	v63 =	vld.idx.msk [tilespmem:v55+s16+$0x0], $0xffff;
	v24 =	vor.u32 $0x10, v2;
	v27 =	vor.u32 $0x10, v1  }
0x87: {  	v30 =	vld.idx.msk [tilespmem:v60+s14+$0x0], $0xffff;
	v31 =	vor.u32 $0x11, v3;
	v55 =	vor.u32 $0x13, v1;
	v60 =	vor.u32 $0x14, v2  }
0x88: {  	v62 =	vmul.f32 v54, v54;
	v7 =	vadd.f32 v32, v7;
	v8 =	vadd.f32 v33, v8  }
0x89: {  	v6 =	vadd.f32 v35, v6;
	v9 =	vadd.f32 v36, v9;
	v40 =	vmul.f32 v11, v11  }
0x8a: {  	v4 =	vadd.f32 v10, v4;
	v46 =	vmul.f32 v15, v11;
	v47 =	vmul.f32 v21, v11  }
0x8b: {  	v5 =	vadd.f32 v38, v5;
	v53 =	vmul.f32 v44, v44;
	v58 =	vmul.f32 v44, v17  }
0x8c: {  	v26 =	vld.idx.msk [tilespmem:v57+s18+$0x0], $0xffff;
	v57 =	vor.u32 $0x14, v3;
	v8 =	vadd.f32 v41, v8;
	v59 =	vmul.f32 v13, v13  }
0x8d: {  	v6 =	vadd.f32 v43, v6;
	v61 =	vmul.f32 v52, v52;
	v25 =	vmul.f32 v52, v13  }
0x8e: {  	v5 =	vadd.f32 v48, v5;
	v28 =	vmul.f32 v54, v13;
	v11 =	vmul.f32 v54, v52  }
0x8f: {  	v48 =	vor.u32 $0x13, v3;
	v7 =	vadd.f32 v40, v7;
	v49 =	vmul.f32 v12, v12  }
0x90: {  	v15 =	vld.idx.msk [tilespmem:v50+s14+$0x0], $0xffff;
	v9 =	vadd.f32 v46, v9;
	v56 =	vmul.f32 v17, v12;
	v12 =	vmul.f32 v44, v12  }
0x91: {  	v45 =	vld.idx.msk [tilespmem:v37+s18+$0x0], $0xffff;
	v4 =	vadd.f32 v47, v4;
	v32 =	vmul.f32 v63, v63;
	v39 =	vmul.f32 v30, v30  }
0x92: {  	v50 =	vld.idx.msk [tilespmem:v42+s16+$0x0], $0xffff;
	v40 =	vor.u32 $0x12, v3;
	v46 =	vor.u32 $0x12, v1;
	v8 =	vadd.f32 v51, v8  }
0x93: {  	v16 =	vld.idx.msk [tilespmem:v31+s14+$0x0], $0xffff;
	v31 =	vor.u32 $0x15, v1;
	v6 =	vadd.f32 v53, v6;
	v5 =	vadd.f32 v58, v5  }
0x94: {  	v17 =	vld.idx.msk [tilespmem:v60+s16+$0x0], $0xffff;
	v60 =	vor.u32 $0x18, v2;
	v7 =	vadd.f32 v49, v7;
	v9 =	vadd.f32 v56, v9  }
0x95: {  	v33 =	vld.idx.msk [tilespmem:v24+s16+$0x0], $0xffff;
	v51 =	vor.u32 $0x13, v2;
	v4 =	vadd.f32 v12, v4;
	v8 =	vadd.f32 v61, v8  }
0x96: {  	v20 =	vld.idx.msk [tilespmem:v27+s18+$0x0], $0xffff;
	v6 =	vadd.f32 v62, v6;
	v29 =	vmul.f32 v15, v15;
	v35 =	vmul.f32 v26, v26  }
0x97: {  	v5 =	vadd.f32 v11, v5;
	v36 =	vmul.f32 v63, v15;
	v38 =	vmul.f32 v26, v15  }
0x98: {  	v14 =	vmul.f32 v26, v63;
	v52 =	vmul.f32 v45, v45;
	v7 =	vadd.f32 v59, v7  }
0x99: {  	v63 =	vor.u32 $0x14, v1;
	v9 =	vadd.f32 v25, v9;
	v4 =	vadd.f32 v28, v4  }
0x9a: {  	v59 =	vmul.f32 v50, v50;
	v25 =	vor.u32 $0x15, v3;
	v28 =	vor.u32 $0x15, v2  }
0x9b: {  	v21 =	vld.idx.msk [tilespmem:v55+s18+$0x0], $0xffff;
	v8 =	vadd.f32 v32, v8;
	v41 =	vmul.f32 v33, v33;
	v43 =	vmul.f32 v20, v20  }
0x9c: {  	v12 =	vld.idx.msk [tilespmem:v34+s16+$0x0], $0xffff;
	v6 =	vadd.f32 v35, v6;
	v44 =	vmul.f32 v33, v30;
	v13 =	vmul.f32 v20, v30  }
0x9d: {  	v5 =	vadd.f32 v14, v5;
	v11 =	vmul.f32 v20, v33;
	v47 =	vmul.f32 v16, v16  }
0x9e: {  	v56 =	vmul.f32 v45, v16;
	v37 =	vmul.f32 v17, v17;
	v7 =	vadd.f32 v29, v7  }
0x9f: {  	v54 =	vld.idx.msk [tilespmem:v46+s18+$0x0], $0xffff;
	v46 =	vor.u32 $0x17, v3;
	v9 =	vadd.f32 v36, v9;
	v4 =	vadd.f32 v38, v4  }
0xa0: {  	v29 =	vmul.f32 v21, v21;
	v36 =	vor.u32 $0x16, v3;
	v8 =	vadd.f32 v41, v8  }
0xa1: {  	v10 =	vld.idx.msk [tilespmem:v40+s14+$0x0], $0xffff;
	v6 =	vadd.f32 v43, v6;
	v5 =	vadd.f32 v11, v5;
	v49 =	vmul.f32 v12, v12  }
0xa2: {  	v40 =	vld.idx.msk [tilespmem:v31+s18+$0x0], $0xffff;
	v53 =	vmul.f32 v12, v16;
	v12 =	vmul.f32 v45, v12;
	v41 =	vor.u32 $0x16, v2  }
0xa3: {  	v15 =	vld.idx.msk [tilespmem:v51+s16+$0x0], $0xffff;
	v43 =	vor.u32 $0x16, v1;
	v7 =	vadd.f32 v39, v7;
	v9 =	vadd.f32 v44, v9  }
0xa4: {  	v4 =	vadd.f32 v13, v4;
	v30 =	vld.idx.msk [tilespmem:v63+s18+$0x0], $0xffff;
	v63 =	vor.u32 $0x18, v1;
	v8 =	vadd.f32 v49, v8  }
0xa5: {  	v6 =	vadd.f32 v52, v6;
	v5 =	vadd.f32 v12, v5;
	v12 =	vld.idx.msk [tilespmem:v57+s14+$0x0], $0xffff;
	v57 =	vor.u32 $0x18, v3  }
0xa6: {  	v7 =	vadd.f32 v47, v7;
	v58 =	vmul.f32 v10, v10;
	v61 =	vmul.f32 v54, v54  }
0xa7: {  	v11 =	vld.idx.msk [tilespmem:v48+s14+$0x0], $0xffff;
	v9 =	vadd.f32 v53, v9;
	v62 =	vmul.f32 v50, v10;
	v10 =	vmul.f32 v54, v10  }
0xa8: {  	v4 =	vadd.f32 v56, v4;
	v24 =	vmul.f32 v54, v50;
	v48 =	vmul.f32 v40, v40  }
0xa9: {  	v50 =	vor.u32 $0x17, v2;
	v53 =	vor.u32 $0x17, v1;
	v8 =	vadd.f32 v59, v8  }
0xaa: {  	v27 =	vmul.f32 v15, v15;
	v7 =	vadd.f32 v58, v7;
	v6 =	vadd.f32 v61, v6  }
0xab: {  	v13 =	vld.idx.msk [tilespmem:v25+s14+$0x0], $0xffff;
	v34 =	vmul.f32 v21, v15;
	v9 =	vadd.f32 v62, v9;
	v4 =	vadd.f32 v10, v4  }
0xac: {  	v38 =	vld.idx.msk [tilespmem:v28+s16+$0x0], $0xffff;
	v26 =	vmul.f32 v11, v11;
	v5 =	vadd.f32 v24, v5;
	v32 =	vmul.f32 v15, v11  }
0xad: {  	v33 =	vmul.f32 v21, v11;
	v49 =	vld.idx.msk [tilespmem:v41+s16+$0x0], $0xffff;
	v24 =	vor.u32 $0x19, v3;
	v41 =	vor.u32 $0x1B, v3  }
0xae: {  	v8 =	vadd.f32 v27, v8;
	v39 =	vmul.f32 v30, v30;
	v44 =	vmul.f32 v30, v17  }
0xaf: {  	v7 =	vadd.f32 v26, v7;
	v6 =	vadd.f32 v29, v6;
	v35 =	vmul.f32 v12, v12  }
0xb0: {  	v56 =	vld.idx.msk [tilespmem:v46+s14+$0x0], $0xffff;
	v9 =	vadd.f32 v32, v9;
	v42 =	vmul.f32 v17, v12;
	v12 =	vmul.f32 v30, v12  }
0xb1: {  	v4 =	vadd.f32 v33, v4;
	v45 =	vmul.f32 v13, v13;
	v47 =	vmul.f32 v38, v38  }
0xb2: {  	v15 =	vld.idx.msk [tilespmem:v36+s14+$0x0], $0xffff;
	v5 =	vadd.f32 v34, v5;
	v51 =	vmul.f32 v38, v13;
	v54 =	vmul.f32 v40, v13  }
0xb3: {  	v52 =	vld.idx.msk [tilespmem:v43+s18+$0x0], $0xffff;
	v11 =	vmul.f32 v40, v38;
	v26 =	vor.u32 $0x19, v2;
	v30 =	vor.u32 $0x19, v1  }
0xb4: {  	v32 =	vor.u32 $0x1A, v3;
	v8 =	vadd.f32 v37, v8;
	v7 =	vadd.f32 v35, v7  }
0xb5: {  	v23 =	vmul.f32 v56, v56;
	v6 =	vadd.f32 v39, v6;
	v9 =	vadd.f32 v42, v9  }
0xb6: {  	v16 =	vld.idx.msk [tilespmem:v57+s14+$0x0], $0xffff;
	v4 =	vadd.f32 v12, v4;
	v5 =	vadd.f32 v44, v5;
	v35 =	vor.u32 $0x1A, v2  }
0xb7: {  	v29 =	vld.idx.msk [tilespmem:v63+s18+$0x0], $0xffff;
	v39 =	vor.u32 $0x1A, v1;
	v44 =	vor.u32 $0x1B, v2;
	v55 =	vmul.f32 v15, v15  }
0xb8: {  	v12 =	vld.idx.msk [tilespmem:v60+s16+$0x0], $0xffff;
	v60 =	vor.u32 $0x1D, v3;
	v58 =	vmul.f32 v49, v49;
	v61 =	vmul.f32 v52, v52  }
0xb9: {  	v8 =	vadd.f32 v47, v8;
	v62 =	vmul.f32 v49, v15;
	v22 =	vmul.f32 v52, v15  }
0xba: {  	v59 =	vld.idx.msk [tilespmem:v50+s16+$0x0], $0xffff;
	v14 =	vmul.f32 v52, v49;
	v47 =	vor.u32 $0x1B, v1;
	v7 =	vadd.f32 v45, v7  }
0xbb: {  	v20 =	vld.idx.msk [tilespmem:v53+s18+$0x0], $0xffff;
	v49 =	vor.u32 $0x1C, v3;
	v6 =	vadd.f32 v48, v6;
	v9 =	vadd.f32 v51, v9  }
0xbc: {  	v52 =	vor.u32 $0x1C, v2;
	v4 =	vadd.f32 v54, v4;
	v5 =	vadd.f32 v11, v5  }
0xbd: {  	v8 =	vadd.f32 v58, v8;
	v31 =	vmul.f32 v16, v16;
	v36 =	vmul.f32 v29, v29  }
0xbe: {  	v38 =	vld.idx.msk [tilespmem:v30+s18+$0x0], $0xffff;
	v40 =	vmul.f32 v29, v16;
	v30 =	vor.u32 $0x1E, v3;
	v7 =	vadd.f32 v55, v7  }
0xbf: {  	v6 =	vadd.f32 v61, v6;
	v9 =	vadd.f32 v62, v9;
	v25 =	vmul.f32 v59, v59  }
0xc0: {  	v10 =	vld.idx.msk [tilespmem:v24+s14+$0x0], $0xffff;
	v4 =	vadd.f32 v22, v4;
	v27 =	vmul.f32 v20, v20;
	v28 =	vmul.f32 v59, v56  }
0xc1: {  	v5 =	vadd.f32 v14, v5;
	v13 =	vmul.f32 v20, v56;
	v11 =	vmul.f32 v20, v59  }
0xc2: {  	v55 =	vor.u32 $0x1C, v1;
	v33 =	vmul.f32 v12, v12;
	v37 =	vmul.f32 v12, v16  }
0xc3: {  	v34 =	vld.idx.msk [tilespmem:v26+s16+$0x0], $0xffff;
	v12 =	vmul.f32 v29, v12;
	v7 =	vadd.f32 v23, v7;
	v8 =	vadd.f32 v25, v8  }
0xc4: {  	v17 =	vld.idx.msk [tilespmem:v44+s16+$0x0], $0xffff;
	v44 =	vor.u32 $0x1F, v2;
	v6 =	vadd.f32 v27, v6;
	v9 =	vadd.f32 v28, v9  }
0xc5: {  	v15 =	vld.idx.msk [tilespmem:v35+s16+$0x0], $0xffff;
	v4 =	vadd.f32 v13, v4;
	v5 =	vadd.f32 v11, v5;
	v42 =	vmul.f32 v10, v10  }
0xc6: {  	v54 =	vld.idx.msk [tilespmem:v47+s18+$0x0], $0xffff;
	v25 =	vor.u32 $0x1D, v2;
	v27 =	vor.u32 $0x1D, v1;
	v47 =	vor.u32 $0x1F, v1  }
0xc7: {  	v62 =	vld.idx.msk [tilespmem:v52+s16+$0x0], $0xffff;
	v52 =	vor.u32 $0x20, v2;
	v7 =	vadd.f32 v31, v7;
	v8 =	vadd.f32 v33, v8  }
0xc8: {  	v21 =	vld.idx.msk [tilespmem:v39+s18+$0x0], $0xffff;
	v6 =	vadd.f32 v36, v6;
	v9 =	vadd.f32 v37, v9;
	v43 =	vmul.f32 v34, v34  }
0xc9: {  	v11 =	vld.idx.msk [tilespmem:v32+s14+$0x0], $0xffff;
	v4 =	vadd.f32 v40, v4;
	v45 =	vmul.f32 v38, v38;
	v46 =	vmul.f32 v34, v10  }
0xca: {  	v13 =	vld.idx.msk [tilespmem:v49+s14+$0x0], $0xffff;
	v5 =	vadd.f32 v12, v5;
	v10 =	vmul.f32 v38, v10;
	v48 =	vmul.f32 v38, v34  }
0xcb: {  	v12 =	vld.idx.msk [tilespmem:v41+s14+$0x0], $0xffff;
	v34 =	vor.u32 $0x1E, v2;
	v37 =	vor.u32 $0x1E, v1;
	v41 =	vor.u32 $0x1F, v3  }
0xcc: {  	v40 =	vld.idx.msk [tilespmem:v30+s14+$0x0], $0xffff;
	v30 =	vor.u32 $0x22, v2;
	v7 =	vadd.f32 v42, v7;
	v51 =	vmul.f32 v15, v15  }
0xcd: {  	v8 =	vadd.f32 v43, v8;
	v53 =	vmul.f32 v21, v21;
	v58 =	vmul.f32 v21, v15  }
0xce: {  	v6 =	vadd.f32 v45, v6;
	v61 =	vmul.f32 v17, v17;
	v50 =	vmul.f32 v11, v11  }
0xcf: {  	v9 =	vadd.f32 v46, v9;
	v56 =	vmul.f32 v15, v11;
	v57 =	vmul.f32 v21, v11  }
0xd0: {  	v4 =	vadd.f32 v10, v4;
	v63 =	vmul.f32 v54, v54;
	v28 =	vmul.f32 v54, v17  }
0xd1: {  	v24 =	vld.idx.msk [tilespmem:v55+s18+$0x0], $0xffff;
	v5 =	vadd.f32 v48, v5;
	v29 =	vmul.f32 v13, v13;
	v31 =	vmul.f32 v62, v62  }
0xd2: {  	v33 =	vld.idx.msk [tilespmem:v25+s16+$0x0], $0xffff;
	v35 =	vmul.f32 v62, v13;
	v25 =	vor.u32 $0x21, v1;
	v8 =	vadd.f32 v51, v8  }
0xd3: {  	v36 =	vld.idx.msk [tilespmem:v27+s18+$0x0], $0xffff;
	v27 =	vor.u32 $0x22, v3;
	v6 =	vadd.f32 v53, v6;
	v5 =	vadd.f32 v58, v5  }
0xd4: {  	v58 =	vor.u32 $0x21, v3;
	v7 =	vadd.f32 v50, v7;
	v9 =	vadd.f32 v56, v9  }
0xd5: {  	v59 =	vmul.f32 v12, v12;
	v4 =	vadd.f32 v57, v4;
	v26 =	vmul.f32 v17, v12  }
0xd6: {  	v15 =	vld.idx.msk [tilespmem:v60+s14+$0x0], $0xffff;
	v12 =	vmul.f32 v54, v12;
	v49 =	vmul.f32 v40, v40;
	v50 =	vor.u32 $0x20, v3  }
0xd7: {  	v16 =	vld.idx.msk [tilespmem:v41+s14+$0x0], $0xffff;
	v56 =	vor.u32 $0x20, v1;
	v41 =	vor.u32 $0x23, v1;
	v8 =	vadd.f32 v61, v8  }
0xd8: {  	v6 =	vadd.f32 v63, v6;
	v5 =	vadd.f32 v28, v5;
	v32 =	vmul.f32 v24, v24  }
0xd9: {  	v55 =	vld.idx.msk [tilespmem:v47+s18+$0x0], $0xffff;
	v38 =	vmul.f32 v24, v13;
	v11 =	vmul.f32 v24, v62;
	v7 =	vadd.f32 v59, v7  }
0xda: {  	v60 =	vld.idx.msk [tilespmem:v52+s16+$0x0], $0xffff;
	v61 =	vor.u32 $0x21, v2;
	v9 =	vadd.f32 v26, v9;
	v4 =	vadd.f32 v12, v4  }
0xdb: {  	v43 =	vld.idx.msk [tilespmem:v34+s16+$0x0], $0xffff;
	v8 =	vadd.f32 v31, v8;
	v39 =	vmul.f32 v15, v15;
	v42 =	vmul.f32 v33, v33  }
0xdc: {  	v20 =	vld.idx.msk [tilespmem:v37+s18+$0x0], $0xffff;
	v6 =	vadd.f32 v32, v6;
	v45 =	vmul.f32 v36, v36;
	v46 =	vmul.f32 v33, v15  }
0xdd: {  	v5 =	vadd.f32 v11, v5;
	v48 =	vmul.f32 v36, v15;
	v14 =	vmul.f32 v36, v33  }
0xde: {  	v62 =	vmul.f32 v55, v55;
	v33 =	vor.u32 $0x22, v1;
	v7 =	vadd.f32 v29, v7  }
0xdf: {  	v17 =	vld.idx.msk [tilespmem:v30+s16+$0x0], $0xffff;
	v9 =	vadd.f32 v35, v9;
	v4 =	vadd.f32 v38, v4;
	v29 =	vmul.f32 v60, v60  }
0xe0: {  	v35 =	vor.u32 $0x23, v3;
	v38 =	vor.u32 $0x23, v2;
	v51 =	vmul.f32 v43, v43  }
0xe1: {  	v12 =	vld.idx.msk [tilespmem:v44+s16+$0x0], $0xffff;
	v8 =	vadd.f32 v42, v8;
	v53 =	vmul.f32 v20, v20;
	v54 =	vmul.f32 v43, v40  }
0xe2: {  	v21 =	vld.idx.msk [tilespmem:v25+s18+$0x0], $0xffff;
	v6 =	vadd.f32 v45, v6;
	v13 =	vmul.f32 v20, v40;
	v11 =	vmul.f32 v20, v43  }
0xe3: {  	v5 =	vadd.f32 v14, v5;
	v57 =	vmul.f32 v16, v16;
	v10 =	vld.idx.msk [tilespmem:v50+s14+$0x0], $0xffff;
	v26 =	vmul.f32 v55, v16  }
0xe4: {  	v24 =	vld.idx.msk [tilespmem:v56+s18+$0x0], $0xffff;
	v47 =	vmul.f32 v17, v17;
	v56 =	vor.u32 $0x25, v3;
	v7 =	vadd.f32 v39, v7  }
0xe5: {  	v50 =	vld.idx.msk [tilespmem:v41+s18+$0x0], $0xffff;
	v41 =	vor.u32 $0x27, v1;
	v9 =	vadd.f32 v46, v9;
	v4 =	vadd.f32 v48, v4  }
0xe6: {  	v46 =	vor.u32 $0x24, v3;
	v8 =	vadd.f32 v51, v8;
	v6 =	vadd.f32 v53, v6  }
0xe7: {  	v5 =	vadd.f32 v11, v5;
	v59 =	vmul.f32 v12, v12;
	v63 =	vmul.f32 v12, v16  }
0xe8: {  	v12 =	vmul.f32 v55, v12;
	v51 =	vor.u32 $0x24, v2;
	v7 =	vadd.f32 v49, v7  }
0xe9: {  	v53 =	vor.u32 $0x24, v1;
	v9 =	vadd.f32 v54, v9;
	v4 =	vadd.f32 v13, v4  }
0xea: {  	v15 =	vld.idx.msk [tilespmem:v61+s16+$0x0], $0xffff;
	v39 =	vmul.f32 v21, v21;
	v8 =	vadd.f32 v59, v8;
	v6 =	vadd.f32 v62, v6  }
0xeb: {  	v5 =	vadd.f32 v12, v5;
	v13 =	vld.idx.msk [tilespmem:v35+s14+$0x0], $0xffff;
	v35 =	vor.u32 $0x27, v3;
	v7 =	vadd.f32 v57, v7  }
0xec: {  	v9 =	vadd.f32 v63, v9;
	v28 =	vmul.f32 v10, v10;
	v31 =	vmul.f32 v24, v24  }
0xed: {  	v11 =	vld.idx.msk [tilespmem:v58+s14+$0x0], $0xffff;
	v4 =	vadd.f32 v26, v4;
	v32 =	vmul.f32 v60, v10;
	v10 =	vmul.f32 v24, v10  }
0xee: {  	v34 =	vmul.f32 v24, v60;
	v58 =	vmul.f32 v50, v50;
	v60 =	vor.u32 $0x25, v2  }
0xef: {  	v40 =	vld.idx.msk [tilespmem:v33+s18+$0x0], $0xffff;
	v63 =	vor.u32 $0x25, v1;
	v26 =	vor.u32 $0x26, v3;
	v8 =	vadd.f32 v29, v8  }
0xf0: {  	v37 =	vmul.f32 v15, v15;
	v44 =	vmul.f32 v21, v15;
	v7 =	vadd.f32 v28, v7  }
0xf1: {  	v12 =	vld.idx.msk [tilespmem:v27+s14+$0x0], $0xffff;
	v29 =	vor.u32 $0x26, v2;
	v6 =	vadd.f32 v31, v6;
	v9 =	vadd.f32 v32, v9  }
0xf2: {  	v4 =	vadd.f32 v10, v4;
	v36 =	vmul.f32 v11, v11;
	v5 =	vadd.f32 v34, v5  }
0xf3: {  	v48 =	vld.idx.msk [tilespmem:v38+s16+$0x0], $0xffff;
	v42 =	vmul.f32 v15, v11;
	v43 =	vmul.f32 v21, v11;
	v32 =	vor.u32 $0x26, v1  }
0xf4: {  	v15 =	vld.idx.msk [tilespmem:v46+s14+$0x0], $0xffff;
	v46 =	vor.u32 $0x28, v2;
	v8 =	vadd.f32 v37, v8;
	v49 =	vmul.f32 v40, v40  }
0xf5: {  	v54 =	vmul.f32 v40, v17;
	v37 =	vor.u32 $0x27, v2;
	v7 =	vadd.f32 v36, v7  }
0xf6: {  	v25 =	vld.idx.msk [tilespmem:v56+s14+$0x0], $0xffff;
	v6 =	vadd.f32 v39, v6;
	v45 =	vmul.f32 v12, v12;
	v52 =	vmul.f32 v17, v12  }
0xf7: {  	v9 =	vadd.f32 v42, v9;
	v12 =	vmul.f32 v40, v12;
	v55 =	vmul.f32 v13, v13  }
0xf8: {  	v4 =	vadd.f32 v43, v4;
	v57 =	vmul.f32 v48, v48;
	v61 =	vmul.f32 v48, v13  }
0xf9: {  	v59 =	vld.idx.msk [tilespmem:v51+s16+$0x0], $0xffff;
	v5 =	vadd.f32 v44, v5;
	v23 =	vmul.f32 v50, v13;
	v11 =	vmul.f32 v50, v48  }
0xfa: {  	v62 =	vld.idx.msk [tilespmem:v53+s18+$0x0], $0xffff;
	v43 =	vor.u32 $0x28, v3;
	v50 =	vor.u32 $0x28, v1;
	v8 =	vadd.f32 v47, v8  }
0xfb: {  	v28 =	vld.idx.msk [tilespmem:v60+s16+$0x0], $0xffff;
	v34 =	vmul.f32 v25, v25;
	v60 =	vor.u32 $0x2A, v3;
	v7 =	vadd.f32 v45, v7  }
0xfc: {  	v20 =	vld.idx.msk [tilespmem:v63+s18+$0x0], $0xffff;
	v63 =	vor.u32 $0x2A, v2;
	v6 =	vadd.f32 v49, v6;
	v9 =	vadd.f32 v52, v9  }
0xfd: {  	v16 =	vld.idx.msk [tilespmem:v26+s14+$0x0], $0xffff;
	v26 =	vor.u32 $0x2A, v1;
	v4 =	vadd.f32 v12, v4;
	v5 =	vadd.f32 v54, v5  }
0xfe: {  	v49 =	vld.idx.msk [tilespmem:v41+s18+$0x0], $0xffff;
	v52 =	vor.u32 $0x29, v3;
	v41 =	vor.u32 $0x2C, v3;
	v24 =	vmul.f32 v15, v15  }
0xff: {  	v10 =	vld.idx.msk [tilespmem:v35+s14+$0x0], $0xffff;
	v8 =	vadd.f32 v57, v8;
	v27 =	vmul.f32 v59, v59;
	v30 =	vmul.f32 v62, v62  }
0x100: {  	v31 =	vmul.f32 v59, v15;
	v33 =	vmul.f32 v62, v15;
	v7 =	vadd.f32 v55, v7  }
0x101: {  	v14 =	vmul.f32 v62, v59;
	v6 =	vadd.f32 v58, v6;
	v9 =	vadd.f32 v61, v9  }
0x102: {  	v4 =	vadd.f32 v23, v4;
	v5 =	vadd.f32 v11, v5;
	v55 =	vor.u32 $0x29, v2  }
0x103: {  	v12 =	vld.idx.msk [tilespmem:v29+s16+$0x0], $0xffff;
	v58 =	vor.u32 $0x29, v1;
	v23 =	vor.u32 $0x39, v1;
	v8 =	vadd.f32 v27, v8  }
0x104: {  	v53 =	vmul.f32 v10, v10;
	v7 =	vadd.f32 v24, v7;
	v6 =	vadd.f32 v30, v6  }
0x105: {  	v40 =	vld.idx.msk [tilespmem:v32+s18+$0x0], $0xffff;
	v9 =	vadd.f32 v31, v9;
	v36 =	vmul.f32 v28, v28;
	v38 =	vmul.f32 v20, v20  }
0x106: {  	v15 =	vld.idx.msk [tilespmem:v46+s16+$0x0], $0xffff;
	v4 =	vadd.f32 v33, v4;
	v39 =	vmul.f32 v28, v25;
	v13 =	vmul.f32 v20, v25  }
0x107: {  	v45 =	vld.idx.msk [tilespmem:v37+s16+$0x0], $0xffff;
	v5 =	vadd.f32 v14, v5;
	v11 =	vmul.f32 v20, v28;
	v42 =	vmul.f32 v16, v16  }
0x108: {  	v31 =	vor.u32 $0x2B, v3;
	v33 =	vld.idx.msk [tilespmem:v63+s16+$0x0], $0xffff;
	v63 =	vor.u32 $0x2E, v2;
	v44 =	vmul.f32 v12, v12  }
0x109: {  	v48 =	vmul.f32 v12, v16;
	v7 =	vadd.f32 v34, v7;
	v8 =	vadd.f32 v36, v8  }
0x10a: {  	v56 =	vmul.f32 v49, v49;
	v6 =	vadd.f32 v38, v6;
	v9 =	vadd.f32 v39, v9  }
0x10b: {  	v4 =	vadd.f32 v13, v4;
	v47 =	vmul.f32 v40, v40;
	v51 =	vmul.f32 v40, v16  }
0x10c: {  	v21 =	vld.idx.msk [tilespmem:v50+s18+$0x0], $0xffff;
	v5 =	vadd.f32 v11, v5;
	v12 =	vmul.f32 v40, v12;
	v62 =	vmul.f32 v15, v15  }
0x10d: {  	v35 =	vld.idx.msk [tilespmem:v26+s18+$0x0], $0xffff;
	v36 =	vor.u32 $0x2B, v2;
	v54 =	vmul.f32 v45, v45;
	v57 =	vmul.f32 v45, v10  }
0x10e: {  	v11 =	vld.idx.msk [tilespmem:v43+s14+$0x0], $0xffff;
	v38 =	vor.u32 $0x2B, v1;
	v10 =	vmul.f32 v49, v10;
	v59 =	vmul.f32 v49, v45  }
0x10f: {  	v13 =	vld.idx.msk [tilespmem:v60+s14+$0x0], $0xffff;
	v45 =	vor.u32 $0x2C, v2;
	v7 =	vadd.f32 v42, v7;
	v8 =	vadd.f32 v44, v8  }
0x110: {  	v17 =	vld.idx.msk [tilespmem:v55+s16+$0x0], $0xffff;
	v55 =	vor.u32 $0x2D, v2;
	v6 =	vadd.f32 v47, v6;
	v9 =	vadd.f32 v48, v9  }
0x111: {  	v25 =	vld.idx.msk [tilespmem:v58+s18+$0x0], $0xffff;
	v58 =	vor.u32 $0x2D, v1;
	v4 =	vadd.f32 v51, v4;
	v5 =	vadd.f32 v12, v5  }
0x112: {  	v12 =	vld.idx.msk [tilespmem:v52+s14+$0x0], $0xffff;
	v24 =	vmul.f32 v21, v21;
	v29 =	vmul.f32 v21, v15;
	v48 =	vor.u32 $0x2C, v1  }
0x113: {  	v51 =	vld.idx.msk [tilespmem:v41+s14+$0x0], $0xffff;
	v52 =	vor.u32 $0x2D, v3;
	v41 =	vor.u32 $0x30, v2;
	v42 =	vmul.f32 v33, v33  }
0x114: {  	v43 =	vmul.f32 v35, v35;
	v7 =	vadd.f32 v53, v7;
	v8 =	vadd.f32 v54, v8  }
0x115: {  	v6 =	vadd.f32 v56, v6;
	v9 =	vadd.f32 v57, v9;
	v61 =	vmul.f32 v11, v11  }
0x116: {  	v4 =	vadd.f32 v10, v4;
	v27 =	vmul.f32 v15, v11;
	v28 =	vmul.f32 v21, v11  }
0x117: {  	v5 =	vadd.f32 v59, v5;
	v40 =	vmul.f32 v13, v13;
	v46 =	vmul.f32 v33, v13  }
0x118: {  	v44 =	vld.idx.msk [tilespmem:v36+s16+$0x0], $0xffff;
	v49 =	vmul.f32 v35, v13;
	v11 =	vmul.f32 v35, v33;
	v36 =	vor.u32 $0x2F, v1  }
0x119: {  	v47 =	vld.idx.msk [tilespmem:v38+s18+$0x0], $0xffff;
	v38 =	vor.u32 $0x30, v3;
	v8 =	vadd.f32 v62, v8;
	v6 =	vadd.f32 v24, v6  }
0x11a: {  	v5 =	vadd.f32 v29, v5;
	v32 =	vmul.f32 v17, v17;
	v34 =	vmul.f32 v25, v25  }
0x11b: {  	v39 =	vmul.f32 v25, v17;
	v29 =	vor.u32 $0x2F, v3;
	v7 =	vadd.f32 v61, v7  }
0x11c: {  	v9 =	vadd.f32 v27, v9;
	v30 =	vmul.f32 v12, v12;
	v37 =	vmul.f32 v17, v12  }
0x11d: {  	v15 =	vld.idx.msk [tilespmem:v31+s14+$0x0], $0xffff;
	v4 =	vadd.f32 v28, v4;
	v12 =	vmul.f32 v25, v12;
	v60 =	vmul.f32 v51, v51  }
0x11e: {  	v54 =	vld.idx.msk [tilespmem:v45+s16+$0x0], $0xffff;
	v61 =	vor.u32 $0x2E, v3;
	v27 =	vor.u32 $0x2E, v1;
	v8 =	vadd.f32 v32, v8  }
0x11f: {  	v16 =	vld.idx.msk [tilespmem:v52+s14+$0x0], $0xffff;
	v52 =	vor.u32 $0x31, v1;
	v6 =	vadd.f32 v34, v6;
	v5 =	vadd.f32 v39, v5  }
0x120: {  	v17 =	vld.idx.msk [tilespmem:v41+s16+$0x0], $0xffff;
	v41 =	vor.u32 $0x34, v2;
	v7 =	vadd.f32 v30, v7;
	v9 =	vadd.f32 v37, v9  }
0x121: {  	v26 =	vld.idx.msk [tilespmem:v58+s18+$0x0], $0xffff;
	v32 =	vor.u32 $0x2F, v2;
	v4 =	vadd.f32 v12, v4;
	v8 =	vadd.f32 v42, v8  }
0x122: {  	v31 =	vld.idx.msk [tilespmem:v63+s16+$0x0], $0xffff;
	v6 =	vadd.f32 v43, v6;
	v50 =	vmul.f32 v15, v15;
	v53 =	vmul.f32 v44, v44  }
0x123: {  	v20 =	vld.idx.msk [tilespmem:v48+s18+$0x0], $0xffff;
	v5 =	vadd.f32 v11, v5;
	v56 =	vmul.f32 v47, v47;
	v57 =	vmul.f32 v44, v15  }
0x124: {  	v59 =	vmul.f32 v47, v15;
	v14 =	vmul.f32 v47, v44;
	v44 =	vor.u32 $0x30, v1  }
0x125: {  	v7 =	vadd.f32 v40, v7;
	v9 =	vadd.f32 v46, v9;
	v62 =	vmul.f32 v54, v54  }
0x126: {  	v4 =	vadd.f32 v49, v4;
	v25 =	vmul.f32 v54, v51;
	v33 =	vmul.f32 v26, v26  }
0x127: {  	v40 =	vmul.f32 v31, v31;
	v46 =	vor.u32 $0x31, v3;
	v49 =	vor.u32 $0x31, v2  }
0x128: {  	v12 =	vld.idx.msk [tilespmem:v55+s16+$0x0], $0xffff;
	v8 =	vadd.f32 v53, v8;
	v24 =	vmul.f32 v20, v20;
	v13 =	vmul.f32 v20, v51  }
0x129: {  	v6 =	vadd.f32 v56, v6;
	v11 =	vmul.f32 v20, v54;
	v28 =	vmul.f32 v16, v16  }
0x12a: {  	v21 =	vld.idx.msk [tilespmem:v36+s18+$0x0], $0xffff;
	v5 =	vadd.f32 v14, v5;
	v37 =	vmul.f32 v26, v16;
	v58 =	vmul.f32 v17, v17  }
0x12b: {  	v35 =	vld.idx.msk [tilespmem:v27+s18+$0x0], $0xffff;
	v27 =	vor.u32 $0x33, v3;
	v7 =	vadd.f32 v50, v7;
	v9 =	vadd.f32 v57, v9  }
0x12c: {  	v4 =	vadd.f32 v59, v4;
	v57 =	vor.u32 $0x32, v3;
	v8 =	vadd.f32 v62, v8  }
0x12d: {  	v10 =	vld.idx.msk [tilespmem:v61+s14+$0x0], $0xffff;
	v6 =	vadd.f32 v24, v6;
	v5 =	vadd.f32 v11, v5;
	v30 =	vmul.f32 v12, v12  }
0x12e: {  	v61 =	vld.idx.msk [tilespmem:v52+s18+$0x0], $0xffff;
	v34 =	vmul.f32 v12, v16;
	v12 =	vmul.f32 v26, v12;
	v62 =	vor.u32 $0x32, v2  }
0x12f: {  	v15 =	vld.idx.msk [tilespmem:v32+s16+$0x0], $0xffff;
	v24 =	vor.u32 $0x32, v1;
	v7 =	vadd.f32 v60, v7;
	v9 =	vadd.f32 v25, v9  }
0x130: {  	v4 =	vadd.f32 v13, v4;
	v50 =	vmul.f32 v21, v21;
	v51 =	vld.idx.msk [tilespmem:v44+s18+$0x0], $0xffff;
	v8 =	vadd.f32 v30, v8  }
0x131: {  	v44 =	vor.u32 $0x34, v1;
	v6 =	vadd.f32 v33, v6;
	v5 =	vadd.f32 v12, v5;
	v12 =	vld.idx.msk [tilespmem:v38+s14+$0x0], $0xffff  }
0x132: {  	v59 =	vld.idx.msk [tilespmem:v49+s16+$0x0], $0xffff;
	v38 =	vor.u32 $0x34, v3;
	v49 =	vor.u32 $0x35, v2;
	v7 =	vadd.f32 v28, v7  }
0x133: {  	v9 =	vadd.f32 v34, v9;
	v39 =	vmul.f32 v10, v10;
	v42 =	vmul.f32 v35, v35  }
0x134: {  	v11 =	vld.idx.msk [tilespmem:v29+s14+$0x0], $0xffff;
	v4 =	vadd.f32 v37, v4;
	v43 =	vmul.f32 v31, v10;
	v10 =	vmul.f32 v35, v10  }
0x135: {  	v45 =	vmul.f32 v35, v31;
	v29 =	vmul.f32 v61, v61;
	v31 =	vor.u32 $0x33, v2  }
0x136: {  	v34 =	vor.u32 $0x33, v1;
	v37 =	vld.idx.msk [tilespmem:v27+s14+$0x0], $0xffff;
	v27 =	vor.u32 $0x37, v2;
	v8 =	vadd.f32 v40, v8  }
0x137: {  	v48 =	vmul.f32 v15, v15;
	v7 =	vadd.f32 v39, v7;
	v6 =	vadd.f32 v42, v6  }
0x138: {  	v55 =	vmul.f32 v21, v15;
	v9 =	vadd.f32 v43, v9;
	v4 =	vadd.f32 v10, v4  }
0x139: {  	v13 =	vld.idx.msk [tilespmem:v46+s14+$0x0], $0xffff;
	v47 =	vmul.f32 v11, v11;
	v5 =	vadd.f32 v45, v5;
	v53 =	vmul.f32 v15, v11  }
0x13a: {  	v54 =	vmul.f32 v21, v11;
	v15 =	vld.idx.msk [tilespmem:v57+s14+$0x0], $0xffff;
	v57 =	vor.u32 $0x36, v3;
	v8 =	vadd.f32 v48, v8  }
0x13b: {  	v60 =	vmul.f32 v51, v51;
	v25 =	vmul.f32 v51, v17;
	v52 =	vld.idx.msk [tilespmem:v44+s18+$0x0], $0xffff;
	v44 =	vor.u32 $0x3A, v2  }
0x13c: {  	v7 =	vadd.f32 v47, v7;
	v6 =	vadd.f32 v50, v6;
	v56 =	vmul.f32 v12, v12  }
0x13d: {  	v9 =	vadd.f32 v53, v9;
	v63 =	vmul.f32 v17, v12;
	v12 =	vmul.f32 v51, v12  }
0x13e: {  	v4 =	vadd.f32 v54, v4;
	v26 =	vmul.f32 v13, v13;
	v28 =	vmul.f32 v59, v59  }
0x13f: {  	v30 =	vld.idx.msk [tilespmem:v62+s16+$0x0], $0xffff;
	v5 =	vadd.f32 v55, v5;
	v32 =	vmul.f32 v59, v13;
	v35 =	vmul.f32 v61, v13  }
0x140: {  	v33 =	vld.idx.msk [tilespmem:v24+s18+$0x0], $0xffff;
	v11 =	vmul.f32 v61, v59;
	v47 =	vor.u32 $0x35, v3;
	v53 =	vor.u32 $0x35, v1  }
0x141: {  	v16 =	vld.idx.msk [tilespmem:v38+s14+$0x0], $0xffff;
	v61 =	vor.u32 $0x36, v2;
	v38 =	vor.u32 $0x39, v3;
	v8 =	vadd.f32 v58, v8  }
0x142: {  	v46 =	vmul.f32 v37, v37;
	v7 =	vadd.f32 v56, v7;
	v6 =	vadd.f32 v60, v6  }
0x143: {  	v17 =	vld.idx.msk [tilespmem:v27+s16+$0x0], $0xffff;
	v27 =	vor.u32 $0x3C, v3;
	v9 =	vadd.f32 v63, v9;
	v4 =	vadd.f32 v12, v4  }
0x144: {  	v5 =	vadd.f32 v25, v5;
	v63 =	vor.u32 $0x36, v1;
	v36 =	vmul.f32 v15, v15  }
0x145: {  	v25 =	vor.u32 $0x37, v3;
	v39 =	vmul.f32 v30, v30;
	v42 =	vmul.f32 v33, v33  }
0x146: {  	v8 =	vadd.f32 v28, v8;
	v43 =	vmul.f32 v30, v15;
	v45 =	vmul.f32 v33, v15  }
0x147: {  	v40 =	vld.idx.msk [tilespmem:v31+s16+$0x0], $0xffff;
	v14 =	vmul.f32 v33, v30;
	v30 =	vor.u32 $0x37, v1;
	v7 =	vadd.f32 v26, v7  }
0x148: {  	v20 =	vld.idx.msk [tilespmem:v34+s18+$0x0], $0xffff;
	v33 =	vor.u32 $0x38, v2;
	v6 =	vadd.f32 v29, v6;
	v9 =	vadd.f32 v32, v9  }
0x149: {  	v4 =	vadd.f32 v35, v4;
	v5 =	vadd.f32 v11, v5;
	v58 =	vmul.f32 v52, v52  }
0x14a: {  	v12 =	vld.idx.msk [tilespmem:v41+s16+$0x0], $0xffff;
	v32 =	vor.u32 $0x38, v3;
	v8 =	vadd.f32 v39, v8;
	v54 =	vmul.f32 v16, v16  }
0x14b: {  	v62 =	vmul.f32 v52, v16;
	v7 =	vadd.f32 v36, v7;
	v6 =	vadd.f32 v42, v6  }
0x14c: {  	v56 =	vld.idx.msk [tilespmem:v49+s16+$0x0], $0xffff;
	v9 =	vadd.f32 v43, v9;
	v4 =	vadd.f32 v45, v4;
	v48 =	vmul.f32 v40, v40  }
0x14d: {  	v5 =	vadd.f32 v14, v5;
	v50 =	vmul.f32 v20, v20;
	v51 =	vmul.f32 v40, v37  }
0x14e: {  	v23 =	vld.idx.msk [tilespmem:v23+s18+$0x0], $0xffff;
	v13 =	vmul.f32 v20, v37;
	v11 =	vmul.f32 v20, v40;
	v36 =	vor.u32 $0x38, v1  }
0x14f: {  	v10 =	vld.idx.msk [tilespmem:v47+s14+$0x0], $0xffff;
	v40 =	vor.u32 $0x39, v2;
	v49 =	vmul.f32 v17, v17;
	v55 =	vmul.f32 v12, v12  }
0x150: {  	v14 =	vld.idx.msk [tilespmem:v57+s14+$0x0], $0xffff;
	v57 =	vor.u32 $0x3E, v2;
	v59 =	vmul.f32 v12, v16;
	v12 =	vmul.f32 v52, v12  }
0x151: {  	v60 =	vld.idx.msk [tilespmem:v53+s18+$0x0], $0xffff;
	v26 =	vmul.f32 v56, v56;
	v7 =	vadd.f32 v46, v7;
	v8 =	vadd.f32 v48, v8  }
0x152: {  	v35 =	vld.idx.msk [tilespmem:v25+s14+$0x0], $0xffff;
	v25 =	vor.u32 $0x3B, v2;
	v6 =	vadd.f32 v50, v6;
	v9 =	vadd.f32 v51, v9  }
0x153: {  	v29 =	vld.idx.msk [tilespmem:v61+s16+$0x0], $0xffff;
	v4 =	vadd.f32 v13, v4;
	v5 =	vadd.f32 v11, v5;
	v46 =	vor.u32 $0x3A, v1  }
0x154: {  	v20 =	vld.idx.msk [tilespmem:v30+s18+$0x0], $0xffff;
	v48 =	vor.u32 $0x3B, v3;
	v30 =	vor.u32 $0x3D, v2;
	v7 =	vadd.f32 v54, v7  }
0x155: {  	v11 =	vld.idx.msk [tilespmem:v33+s16+$0x0], $0xffff;
	v33 =	vor.u32 $0x3D, v1;
	v8 =	vadd.f32 v55, v8;
	v6 =	vadd.f32 v58, v6  }
0x156: {  	v9 =	vadd.f32 v59, v9;
	v24 =	vmul.f32 v10, v10;
	v28 =	vmul.f32 v60, v60  }
0x157: {  	v27 =	vld.idx.msk [tilespmem:v27+s14+$0x0], $0xffff;
	v4 =	vadd.f32 v62, v4;
	v31 =	vmul.f32 v56, v10;
	v10 =	vmul.f32 v60, v10  }
0x158: {  	v16 =	vld.idx.msk [tilespmem:v63+s18+$0x0], $0xffff;
	v5 =	vadd.f32 v12, v5;
	v34 =	vmul.f32 v60, v56;
	v39 =	vmul.f32 v29, v29  }
0x159: {  	v54 =	vor.u32 $0x3D, v3;
	v56 =	vmul.f32 v23, v23;
	v59 =	vor.u32 $0x3E, v1  }
0x15a: {  	v37 =	vmul.f32 v14, v14;
	v7 =	vadd.f32 v24, v7;
	v8 =	vadd.f32 v26, v8  }
0x15b: {  	v42 =	vmul.f32 v29, v14;
	v6 =	vadd.f32 v28, v6;
	v9 =	vadd.f32 v31, v9  }
0x15c: {  	v63 =	vmul.f32 v27, v27;
	v4 =	vadd.f32 v10, v4;
	v5 =	vadd.f32 v34, v5  }
0x15d: {  	v15 =	vld.idx.msk [tilespmem:v44+s16+$0x0], $0xffff;
	v41 =	vmul.f32 v16, v16;
	v24 =	vor.u32 $0x3A, v3;
	v43 =	vmul.f32 v16, v14  }
0x15e: {  	v21 =	vld.idx.msk [tilespmem:v32+s14+$0x0], $0xffff;
	v45 =	vmul.f32 v16, v29;
	v47 =	vmul.f32 v35, v35;
	v26 =	vor.u32 $0x3B, v1  }
0x15f: {  	v19 =	vld.idx.msk [tilespmem:v40+s16+$0x0], $0xffff;
	v51 =	vmul.f32 v17, v35;
	v28 =	vor.u32 $0x3C, v2;
	v29 =	vor.u32 $0x3C, v1  }
0x160: {  	v14 =	vld.idx.msk [tilespmem:v36+s18+$0x0], $0xffff;
	v34 =	vor.u32 $0x3E, v3;
	v3 =	vor.u32 $0x3F, v3;
	v2 =	vor.u32 $0x3F, v2  }
0x161: {  	v16 =	vld.idx.msk [tilespmem:v38+s14+$0x0], $0xffff;
	v1 =	vor.u32 $0x3F, v1;
	v50 =	vmul.f32 v20, v20;
	v53 =	vmul.f32 v11, v11  }
0x162: {  	v10 =	vld.idx.msk [tilespmem:v25+s16+$0x0], $0xffff;
	v13 =	vmul.f32 v20, v35;
	v7 =	vadd.f32 v37, v7;
	v8 =	vadd.f32 v39, v8  }
0x163: {  	v18 =	vld.idx.msk [tilespmem:v46+s18+$0x0], $0xffff;
	v35 =	vmul.f32 v15, v15;
	v6 =	vadd.f32 v41, v6;
	v9 =	vadd.f32 v42, v9  }
0x164: {  	v22 =	vld.idx.msk [tilespmem:v48+s14+$0x0], $0xffff;
	v17 =	vmul.f32 v20, v17;
	v4 =	vadd.f32 v43, v4;
	v5 =	vadd.f32 v45, v5  }
0x165: {  	v30 =	vld.idx.msk [tilespmem:v30+s16+$0x0], $0xffff;
	v52 =	vmul.f32 v21, v21;
	v7 =	vadd.f32 v47, v7;
	v8 =	vadd.f32 v49, v8  }
0x166: {  	v6 =	vadd.f32 v50, v6;
	v9 =	vadd.f32 v51, v9;
	v32 =	vmul.f32 v19, v19;
	v24 =	vld.idx.msk [tilespmem:v24+s14+$0x0], $0xffff  }
0x167: {  	v33 =	vld.idx.msk [tilespmem:v33+s18+$0x0], $0xffff;
	v4 =	vadd.f32 v13, v4;
	v50 =	vmul.f32 v11, v21;
	v55 =	vmul.f32 v14, v14  }
0x168: {  	v25 =	vld.idx.msk [tilespmem:v54+s14+$0x0], $0xffff;
	v5 =	vadd.f32 v17, v5;
	v31 =	vmul.f32 v16, v16;
	v61 =	vmul.f32 v10, v10  }
0x169: {  	v26 =	vld.idx.msk [tilespmem:v26+s18+$0x0], $0xffff;
	v51 =	vmul.f32 v14, v21;
	v7 =	vadd.f32 v52, v7;
	v8 =	vadd.f32 v53, v8  }
0x16a: {  	v28 =	vld.idx.msk [tilespmem:v28+s16+$0x0], $0xffff;
	v11 =	vmul.f32 v14, v11;
	v36 =	vmul.f32 v18, v18;
	v6 =	vadd.f32 v55, v6  }
0x16b: {  	v29 =	vld.idx.msk [tilespmem:v29+s18+$0x0], $0xffff;
	v7 =	vadd.f32 v31, v7;
	v8 =	vadd.f32 v32, v8;
	v58 =	vmul.f32 v24, v24  }
0x16c: {  	v34 =	vld.idx.msk [tilespmem:v34+s14+$0x0], $0xffff;
	v60 =	vmul.f32 v22, v22;
	v43 =	vmul.f32 v30, v30;
	v6 =	vadd.f32 v56, v6  }
0x16d: {  	v3 =	vld.idx.msk [tilespmem:v3+s14+$0x0], $0xffff;
	v44 =	vmul.f32 v33, v33;
	v8 =	vadd.f32 v35, v8;
	v7 =	vadd.f32 v58, v7  }
0x16e: {  	v9 =	vadd.f32 v50, v9;
	v31 =	vld.idx.msk [tilespmem:v57+s16+$0x0], $0xffff;
	v62 =	vmul.f32 v26, v26;
	v6 =	vadd.f32 v36, v6  }
0x16f: {  	v32 =	vld.idx.msk [tilespmem:v59+s18+$0x0], $0xffff;
	v40 =	vmul.f32 v28, v28;
	v8 =	vadd.f32 v61, v8;
	v7 =	vadd.f32 v60, v7  }
0x170: {  	v2 =	vld.idx.msk [tilespmem:v2+s16+$0x0], $0xffff;
	v53 =	vmul.f32 v19, v16;
	v41 =	vmul.f32 v29, v29;
	v6 =	vadd.f32 v62, v6  }
0x171: {  	v1 =	vld.idx.msk [tilespmem:v1+s18+$0x0], $0xffff;
	v42 =	vmul.f32 v25, v25;
	v8 =	vadd.f32 v40, v8;
	v7 =	vadd.f32 v63, v7  }
0x172: {  	v4 =	vadd.f32 v51, v4;
	v45 =	vmul.f32 v34, v34;
	v6 =	vadd.f32 v41, v6  }
0x173: {  	v46 =	vmul.f32 v31, v31;
	v8 =	vadd.f32 v43, v8;
	v7 =	vadd.f32 v42, v7  }
0x174: {  	v48 =	vmul.f32 v3, v3;
	v47 =	vmul.f32 v32, v32;
	v6 =	vadd.f32 v44, v6  }
0x175: {  	v49 =	vmul.f32 v2, v2;
	v8 =	vadd.f32 v46, v8;
	v7 =	vadd.f32 v45, v7  }
0x176: {  	v9 =	vadd.f32 v53, v9;
	v52 =	vmul.f32 v1, v1;
	v6 =	vadd.f32 v47, v6  }
0x177: {  	v55 =	vmul.f32 v23, v16;
	v8 =	vadd.f32 v49, v8;
	v7 =	vadd.f32 v48, v7  }
0x178: {  	v53 =	vmul.f32 v30, v25;
	v56 =	vmul.f32 v23, v19;
	v6 =	vadd.f32 v52, v6  }
0x179: {  	v4 =	vadd.f32 v55, v4;
	v55 =	vmul.f32 v33, v30;
	v54 =	vmul.f32 v8, v7  }
0x17a: {  	v5 =	vadd.f32 v11, v5;
	v35 =	vmul.f32 v18, v24;
	v7 =	vmul.f32 v6, v7  }
0x17b: {  	v6 =	vmul.f32 v6, v8;
	v57 =	vshra.s32 v54, $0x1;
	v59 =	vmul.f32 $5.000000000e-01, v54  }
0x17c: {  	v60 =	vshra.s32 v7, $0x1;
	v7 =	vmul.f32 $5.000000000e-01, v7;
	v14 =	vsub.s32 $0x5F3759DF, v57  }
0x17d: {  	v58 =	vmul.f32 v15, v24;
	v12 =	vsub.s32 $0x5F3759DF, v60;
	v62 =	vmul.f32 v14, v59  }
0x17e: {  	v61 =	vshra.s32 v6, $0x1;
	v6 =	vmul.f32 $5.000000000e-01, v6;
	v63 =	vmul.f32 v12, v7  }
0x17f: {  	v15 =	vmul.f32 v18, v15;
	v17 =	vsub.s32 $0x5F3759DF, v61;
	v37 =	vmul.f32 v14, v62  }
0x180: {  	v5 =	vadd.f32 v56, v5;
	v36 =	vmul.f32 v17, v6;
	v38 =	vmul.f32 v12, v63  }
0x181: {  	v9 =	vadd.f32 v58, v9;
	v40 =	vmul.f32 v10, v22;
	v13 =	vsub.f32 $1.500000000e+00, v37  }
0x182: {  	v10 =	vmul.f32 v26, v10;
	v39 =	vmul.f32 v17, v36;
	v19 =	vsub.f32 $1.500000000e+00, v38  }
0x183: {  	v5 =	vadd.f32 v15, v5;
	v58 =	vmul.f32 v31, v34;
	v42 =	vmul.f32 v14, v13  }
0x184: {  	v41 =	vmul.f32 v26, v22;
	v16 =	vsub.f32 $1.500000000e+00, v39;
	v12 =	vmul.f32 v12, v19  }
0x185: {  	v43 =	vmul.f32 v28, v27;
	v9 =	vadd.f32 v40, v9;
	v46 =	vmul.f32 v42, v59  }
0x186: {  	v4 =	vadd.f32 v35, v4;
	v44 =	vmul.f32 v17, v16;
	v47 =	vmul.f32 v12, v7  }
0x187: {  	v5 =	vadd.f32 v10, v5;
	v9 =	vadd.f32 v43, v9;
	v49 =	vmul.f32 v46, v42  }
0x188: {  	v4 =	vadd.f32 v41, v4;
	v48 =	vmul.f32 v44, v6;
	v50 =	vmul.f32 v47, v12  }
0x189: {  	v45 =	vmul.f32 v29, v27;
	v9 =	vadd.f32 v53, v9;
	v10 =	vsub.f32 $1.500000000e+00, v49  }
0x18a: {  	v52 =	vmul.f32 v29, v28;
	v51 =	vmul.f32 v48, v44;
	v13 =	vsub.f32 $1.500000000e+00, v50  }
0x18b: {  	v4 =	vadd.f32 v45, v4;
	v54 =	vmul.f32 v33, v25;
	v10 =	vmul.f32 v10, v42  }
0x18c: {  	v60 =	vmul.f32 v32, v31;
	v15 =	vsub.f32 $1.500000000e+00, v51;
	v56 =	vmul.f32 v13, v12  }
0x18d: {  	v5 =	vadd.f32 v52, v5;
	v61 =	vmul.f32 v2, v3;
	v8 =	vmul.f32 v10, v59  }
0x18e: {  	v9 =	vadd.f32 v58, v9;
	v57 =	vmul.f32 v15, v44;
	v7 =	vmul.f32 v56, v7  }
0x18f: {  	v5 =	vadd.f32 v55, v5;
	v59 =	vmul.f32 v32, v34;
	v8 =	vmul.f32 v8, v10  }
0x190: {  	v4 =	vadd.f32 v54, v4;
	v6 =	vmul.f32 v57, v6;
	v7 =	vmul.f32 v7, v56  }
0x191: {  	v3 =	vmul.f32 v1, v3;
	v1 =	vmul.f32 v1, v2;
	v8 =	vsub.f32 $1.500000000e+00, v8  }
0x192: {  	v4 =	vadd.f32 v59, v4;
	v6 =	vmul.f32 v6, v57;
	v7 =	vsub.f32 $1.500000000e+00, v7  }
0x193: {  	v5 =	vadd.f32 v60, v5;
	v9 =	vadd.f32 v61, v9;
	v62 =	vmul.f32 v8, v10  }
0x194: {  	v3 =	vadd.f32 v3, v4;
	v6 =	vsub.f32 $1.500000000e+00, v6;
	v2 =	vmul.f32 v7, v56  }
0x195: {  	v4 =	vmul.f32 v62, v9  }
0x196: {  	v1 =	vadd.f32 v1, v5;
	v2 =	vmul.f32 v2, v3;
	v3 =	vmul.f32 v6, v57;
	_ =	sdelay $0x1  }
0x197: {  	v2 =	vsub.f32 v4, v2;
	v1 =	vmul.f32 v3, v1;
	_ =	sdelay $0x1  }
0x198: {  	v1 =	vsub.f32 v2, v1;
	_ =	sdelay $0x1  }
0x199: {  	v1 =	vadd.f32 v1, v1;
	_ =	sdelay $0x1  }
0x19a: {  	v1 =	vadd.f32 $3.000000000e+00, v1;
	_ =	sdelay $0x1  }
0x19b: {  	v2 =	vmax.f32 v1, $9.999999680e-21  }
0x19c: {  	v3 =	vshra.s32 v2, $0x1;
	v2 =	vmul.f32 $5.000000000e-01, v2  }
0x19d: {  	v3 =	vsub.s32 $0x5F3759DF, v3  }
0x19e: {  	v63 =	vmul.f32 v3, v2;
	_ =	sdelay $0x1  }
0x19f: {  	v4 =	vmul.f32 v3, v63;
	_ =	sdelay $0x1  }
0x1a0: {  	v4 =	vsub.f32 $1.500000000e+00, v4;
	_ =	sdelay $0x1  }
0x1a1: {  	v3 =	vmul.f32 v3, v4;
	_ =	sdelay $0x1  }
0x1a2: {  	v4 =	vmul.f32 v3, v2;
	_ =	sdelay $0x1  }
0x1a3: {  	v4 =	vmul.f32 v4, v3;
	_ =	sdelay $0x1  }
0x1a4: {  	v4 =	vsub.f32 $1.500000000e+00, v4;
	_ =	sdelay $0x1  }
0x1a5: {  	v3 =	vmul.f32 v4, v3;
	_ =	sdelay $0x1  }
0x1a6: {  	v2 =	vmul.f32 v3, v2;
	_ =	sdelay $0x1  }
0x1a7: {  	v2 =	vmul.f32 v2, v3;
	_ =	sdelay $0x1  }
0x1a8: {  	v2 =	vsub.f32 $1.500000000e+00, v2  }
0x1a9: {  	p0 =	sne.s32 s26, $0xF0  }
.Ltmp1:
0x1aa: {  	v2 =	vmul.f32 v2, v3;
	(pc) =	sbr.rel @p0 .LBB2_4-.Ltmp1, $4  }
0x1ab: {  	v1 =	vmax.f32 v1, $0.0e+00  }
0x1ac: {  	v1 =	vmul.f32 v2, v1  }
0x1ad: {  	s23 =	sadd.s32 $0x10, s23;
	s22 =	sadd.s32 $0x10, s22  }
0x1ae: {  	s24 =	sadd.s32 $0x10, s24;
	s26 =	sadd.s32 $0x10, s26;
	[tilespmem:s25+$0x0] =	vst v1;
	s25 =	sadd.s32 $0x10, s25  }
0x1af: {  	s21 =	sadd.s32 $0x1, s21  }
0x1b0: {  	p0 =	sne.s32 s21, s9  }
.Ltmp2:
0x1b1: {  	_ = 	snop;
	(pc) =	sbr.rel @p0 .LBB2_1-.Ltmp2, $4  }
0x1b2: {  	[hbm4b:s8+s4] =	stream.linear.scatter [tilespmem:s20], [sflag:$0x2], $0x100, $0x38;
	[tilespmem:$0x18700] =	vst v63  }
0x1b3: {  	_ =	swait.ge [sflag:s10], $0x100  }
0x1b4: {  	[sflag:s10] =	ssyncset.done $0x0  }
0x1b5: {  	[sflag:s10] =	ssyncadd.s32 $0xFFFFFF00  }
0x1b6: {  	_ =	sfence.sel $0x180000  }
0x1b7: {  	[bflag:$0x0] =	sbarrier.arrive $0xFFFF  }
0x1b8: {  	p0 =	sne.s32 s3, $0x0;
	_ =	strace $0x90000047  }
0x1b9: {  	s0 =	sadd.s32 @!p0 $0x100000, s0;
	[bflag:$0x2] =	sbarrier.arrive $0xFFFF  }
0x1ba: {  	[sflag:s0] =	ssyncadd.tile.s32 @!p0 $0x1;
	_ =	shalt  }
.Lfunc_end2:
_tile_overlayer_lowered:
.L_overlay_start_2:
0x1bb: {  	(tag) =	ssettag $0x2  }
0x1bc: {  	s0 =	rddreg [dreg:$0x0];
	s2 =	stileid.u32  }
0x1bd: {  	s1 =	rddreg [dreg:$0x1];
	p0 =	sne.s32 s2, $0x0  }
0x1be: {  	s3 =	rddreg [dreg:$0x2];
	[bflag:$0x3] =	sbarrier.arrive $0xFFFF;
	s2 =	simm.s32 @!p0 $0x1C02  }
0x1bf: {  	[timem:s3], [sflag:s2] =	dma.local @!p0 [hbm:s0], s1  }
0x1c0: {  	s0 =	simm.s32 @!p0 $0x2  }
0x1c1: {  	_ =	swait.ge @!p0 [sflag:s0], s1  }
0x1c2: {  	s1 =	ssub.s32 @!p0 $0x0, s1;
	[sflag:s0] =	ssyncset.done @!p0 $0x0  }
0x1c3: {  	[sflag:s0] =	ssyncadd.s32 @!p0 s1  }
0x1c4: {  	[bflag:$0x3] =	sbarrier.arrive $0xFFFF  }
0x1c5: {  	_ =	shalt  }

</sc_bundles>
